<compile_context>
chip_gen: v7x
topology: tpu7x:2x2x1
jax: 0.10.2.dev20260603
libtpu: 0.0.44.dev20260713+nightly
codegen_flags: <defaults>
</compile_context>

<pallas_src>
import functools

import jax
import jax.numpy as jnp
from jax import lax
from jax.experimental import pallas as pl
from jax.experimental.pallas import tpu as pltpu
from jax.experimental.pallas import tpu_sc as plsc

V = 1000000
D = 64
L_CTX = 200
CBLK = 32768
NBLK = (V + CBLK - 1) // CBLK

SC_BLOCKS = 12
TC_BLOCKS = NBLK - SC_BLOCKS
SC_COLS = SC_BLOCKS * CBLK
NW = 32
TCOLS = SC_COLS // NW
CH = 512
NCH = TCOLS // CH


def _gather_body(ctx_ref, embt_ref, e_ref):
    i = pl.program_id(0)

    @pl.when(i == 0)
    def _():
        e_ref[...] = jnp.zeros_like(e_ref)

    lane = ctx_ref[i] % 128
    mask = lax.broadcasted_iota(jnp.int32, (D, 128), 1) == lane
    e_ref[...] += jnp.where(mask, embt_ref[...], 0.0)

    @pl.when(i == L_CTX - 1)
    def _():
        tot = jnp.sum(e_ref[...], axis=1, keepdims=True) * (1.0 / L_CTX)
        e_ref[...] = jnp.broadcast_to(tot, (D, 128))


def _matvec_body(e_ref, wt_ref, b_ref, z_ref, stats_ref, m_ref, s_ref):
    g = pl.program_id(0)

    @pl.when(g == 0)
    def _():
        m_ref[0] = -jnp.inf
        s_ref[0] = 0.0

    z = lax.dot_general(
        e_ref[...], wt_ref[...], (((0,), (0,)), ((), ())),
        preferred_element_type=jnp.float32,
    )
    z = z + b_ref[...][None, :]
    col = (SC_BLOCKS + g) * CBLK + lax.broadcasted_iota(
        jnp.int32, (1, CBLK), 1)
    z = jnp.where(col < V, z, -jnp.inf)
    z_ref[...] = z[0]
    m_old = m_ref[0]
    m_new = jnp.maximum(m_old, jnp.max(z))
    bsum = jnp.sum(jnp.exp(z - m_new))
    s_ref[0] = s_ref[0] * jnp.exp(m_old - m_new) + bsum
    m_ref[0] = m_new

    @pl.when(g == TC_BLOCKS - 1)
    def _():
        stats_ref[0] = m_ref[0]
        stats_ref[1] = s_ref[0]


def _norm_body(z_tc_ref, z_sc_ref, statm_ref, stats_ref, stats_tc_ref,
               o_ref):
    g = pl.program_id(0)
    msc = statm_ref[...]
    ssc = stats_ref[...]
    m_tc = stats_tc_ref[0]
    s_tc = stats_tc_ref[1]
    m_all = jnp.maximum(jnp.max(msc), m_tc)
    stot = (jnp.sum(ssc * jnp.exp(msc - m_all))
            + s_tc * jnp.exp(m_tc - m_all))
    lse = m_all + jnp.log(stot)
    z = jnp.where(g < SC_BLOCKS, z_sc_ref[...], z_tc_ref[...])
    o_ref[...] = z - lse


def _sc_matvec(wt, b, ebc_in):
    mesh = plsc.VectorSubcoreMesh(core_axis_name="c", subcore_axis_name="s")

    @functools.partial(
        pl.kernel,
        mesh=mesh,
        out_type=[
            jax.ShapeDtypeStruct((SC_COLS,), jnp.float32),
            jax.ShapeDtypeStruct((NW, 16), jnp.float32),
            jax.ShapeDtypeStruct((NW, 16), jnp.float32),
        ],
        scratch_types=[
            pltpu.VMEM((D, CH), jnp.float32),
            pltpu.VMEM((D, CH), jnp.float32),
            pltpu.VMEM((TCOLS,), jnp.float32),
            pltpu.VMEM((TCOLS,), jnp.float32),
            pltpu.VMEM((D, 16), jnp.float32),
            pltpu.VMEM((16,), jnp.float32),
            pltpu.VMEM((16,), jnp.float32),
            pltpu.VMEM((1, 16), jnp.float32),
            pltpu.SemaphoreType.DMA,
            pltpu.SemaphoreType.DMA,
        ],
    )
    def k(wt_hbm, b_hbm, ebc_hbm, z_hbm, statm_hbm, stats_hbm,
          buf0, buf1, zv, bv, ebc, mv, sv, statv, sem0, sem1):
        c = lax.axis_index("c")
        s = lax.axis_index("s")
        wid = s * 2 + c
        base = wid * TCOLS

        pltpu.sync_copy(ebc_hbm, ebc)
        pltpu.sync_copy(b_hbm.at[pl.ds(base, TCOLS)], bv)

        mv[...] = jnp.full((16,), -jnp.inf, jnp.float32)

        pltpu.async_copy(wt_hbm.at[:, pl.ds(base, CH)], buf0, sem0)
        pltpu.async_copy(wt_hbm.at[:, pl.ds(base + CH, CH)], buf1, sem1)

        def compute_chunk(ci, buf):
            cb = ci * CH
            for half in range(2):
                d0 = half * (D // 2)
                es = tuple(ebc[d0 + d, :] for d in range(D // 2))

                def c16_body(t, carry, d0=d0, es=es):
                    off = cb + t * 16
                    sl = pl.ds(t * 16, 16)
                    if d0 == 0:
                        a0 = bv[pl.ds(off, 16)]
                    else:
                        a0 = zv[pl.ds(off, 16)]
                    a1 = jnp.zeros((16,), jnp.float32)
                    a2 = jnp.zeros((16,), jnp.float32)
                    a3 = jnp.zeros((16,), jnp.float32)
                    for d in range(0, D // 2, 4):
                        a0 = a0 + buf[d0 + d, sl] * es[d]
                        a1 = a1 + buf[d0 + d + 1, sl] * es[d + 1]
                        a2 = a2 + buf[d0 + d + 2, sl] * es[d + 2]
                        a3 = a3 + buf[d0 + d + 3, sl] * es[d + 3]
                    acc = (a0 + a1) + (a2 + a3)
                    zv[pl.ds(off, 16)] = acc
                    if d0 != 0:
                        mv[...] = jnp.maximum(mv[...], acc)
                    return carry

                lax.fori_loop(0, CH // 16, c16_body, 0)

        def pair_body(j, carry):
            c0 = 2 * j
            c1 = 2 * j + 1
            pltpu.make_async_copy(
                wt_hbm.at[:, pl.ds(0, CH)], buf0, sem0).wait()
            compute_chunk(c0, buf0)

            @pl.when(c0 + 2 < NCH)
            def _():
                pltpu.async_copy(
                    wt_hbm.at[:, pl.ds(base + (c0 + 2) * CH, CH)],
                    buf0, sem0)

            pltpu.make_async_copy(
                wt_hbm.at[:, pl.ds(0, CH)], buf1, sem1).wait()
            compute_chunk(c1, buf1)

            @pl.when(c1 + 2 < NCH)
            def _():
                pltpu.async_copy(
                    wt_hbm.at[:, pl.ds(base + (c1 + 2) * CH, CH)],
                    buf1, sem1)

            return carry

        lax.fori_loop(0, NCH // 2, pair_body, 0)

        m_b = mv[...]
        sv[...] = jnp.zeros((16,), jnp.float32)

        def s_body(t, carry):
            sv[...] += jnp.exp(zv[pl.ds(t * 16, 16)] - m_b)
            return carry

        lax.fori_loop(0, TCOLS // 16, s_body, 0)

        pltpu.sync_copy(zv, z_hbm.at[pl.ds(base, TCOLS)])
        statv[0, :] = mv[...]
        pltpu.sync_copy(statv, statm_hbm.at[pl.ds(wid, 1)])
        statv[0, :] = sv[...]
        pltpu.sync_copy(statv, stats_hbm.at[pl.ds(wid, 1)])

    return k(wt, b, ebc_in)


def kernel(context, emb, W, b):
    ctx = context.astype(jnp.int32)
    embt = emb.T
    wt = W.T

    e_wide = pl.pallas_call(
        _gather_body,
        grid_spec=pltpu.PrefetchScalarGridSpec(
            num_scalar_prefetch=1,
            grid=(L_CTX,),
            in_specs=[pl.BlockSpec((D, 128), lambda i, c: (0, c[i] // 128))],
            out_specs=pl.BlockSpec((D, 128), lambda i, c: (0, 0)),
        ),
        out_shape=jax.ShapeDtypeStruct((D, 128), jnp.float32),
    )(ctx, embt)
    e2 = e_wide[:, :1]

    ebc_in = jnp.broadcast_to(e_wide[:, :1], (D, 16))
    z_sc, statm_sc, stats_sc = _sc_matvec(wt, b, ebc_in)

    z_tc, stats_tc = pl.pallas_call(
        _matvec_body,
        grid=(TC_BLOCKS,),
        in_specs=[
            pl.BlockSpec((D, 1), lambda g: (0, 0)),
            pl.BlockSpec((D, CBLK), lambda g: (0, SC_BLOCKS + g)),
            pl.BlockSpec((CBLK,), lambda g: (SC_BLOCKS + g,)),
        ],
        out_specs=[
            pl.BlockSpec((CBLK,), lambda g: (g,)),
            pl.BlockSpec(block_shape=(2,), index_map=lambda g: (0,),
                         memory_space=pltpu.SMEM),
        ],
        out_shape=[
            jax.ShapeDtypeStruct((TC_BLOCKS * CBLK,), jnp.float32),
            jax.ShapeDtypeStruct((2,), jnp.float32),
        ],
        scratch_shapes=[
            pltpu.SMEM((1,), jnp.float32),
            pltpu.SMEM((1,), jnp.float32),
        ],
    )(e2, wt, b)

    out = pl.pallas_call(
        _norm_body,
        grid=(NBLK,),
        in_specs=[
            pl.BlockSpec((CBLK,),
                         lambda g: (jnp.clip(g - SC_BLOCKS, 0,
                                             TC_BLOCKS - 1),)),
            pl.BlockSpec((CBLK,),
                         lambda g: (jnp.minimum(g, SC_BLOCKS - 1),)),
            pl.BlockSpec((NW, 16), lambda g: (0, 0)),
            pl.BlockSpec((NW, 16), lambda g: (0, 0)),
            pl.BlockSpec(block_shape=(2,), index_map=lambda g: (0,),
                         memory_space=pltpu.SMEM),
        ],
        out_specs=pl.BlockSpec((CBLK,), lambda g: (g,)),
        out_shape=jax.ShapeDtypeStruct((V,), jnp.float32),
    )(z_tc, z_sc, statm_sc, stats_sc, stats_tc)
    return out

# --- scband reference (transcript-rebuilt; emitter-appended) ---
"""Pipeline reference for scband-cbow-2035814498669 (READ-ONLY COPY).

The authoritative reference and input builder live on the scoring server;
editing this copy changes nothing except your own understanding.
"""

import jax, jax.numpy as jnp
import numpy as np

V = 1000000
D = 64
L = 200


def setup_inputs(seed: int = 0) -> dict:
    key = jax.random.key(seed)
    k1, k2, k3 = jax.random.split(key, 3)
    context = jax.random.randint(k1, (L,), 0, V)
    emb = jax.random.normal(k2, (V, D), dtype=jnp.float32) * 0.02
    W = jax.random.normal(k3, (V, D), dtype=jnp.float32) * 0.02
    b = jnp.zeros((V,), dtype=jnp.float32)
    return {"context": context, "emb": emb, "W": W, "b": b}


def reference(context, emb, W, b):
    # embeds = mean(self.embeddings(context), dim=0)
    embeds = jnp.mean(jnp.take(emb, context, axis=0), axis=0)
    # out = self.linear1(embeds)
    out = W @ embeds + b
    # log_probs = torch.log_softmax(out, dim=0)
    log_probs = jax.nn.log_softmax(out, axis=0)
    return log_probs

if __name__ == "__main__":
    import jax
    _d = setup_inputs()
    print(jax.jit(kernel)(*tuple(_d.values())))

</pallas_src>

<mosaic_0001>
#map = affine_map<(d0, d1) -> (0, 0)>
#map1 = affine_map<(d0, d1) -> (0)>
module attributes {stable_mosaic.version = 14 : i64} {
  func.func @k(%arg0: i32, %arg1: i32, %arg2: memref<64x1000000xf32, #tpu.memory_space<hbm>>, %arg3: memref<1000000xf32, #tpu.memory_space<hbm>>, %arg4: memref<64x16xf32, #tpu.memory_space<hbm>>, %arg5: memref<393216xf32, #tpu.memory_space<hbm>>, %arg6: memref<32x16xf32, #tpu.memory_space<hbm>>, %arg7: memref<32x16xf32, #tpu.memory_space<hbm>>, %arg8: memref<64x512xf32, #tpu.memory_space<vmem>>, %arg9: memref<64x512xf32, #tpu.memory_space<vmem>>, %arg10: memref<12288xf32, #tpu.memory_space<vmem>>, %arg11: memref<12288xf32, #tpu.memory_space<vmem>>, %arg12: memref<64x16xf32, #tpu.memory_space<vmem>>, %arg13: memref<16xf32, #tpu.memory_space<vmem>>, %arg14: memref<16xf32, #tpu.memory_space<vmem>>, %arg15: memref<1x16xf32, #tpu.memory_space<vmem>>, %arg16: memref<!tpu.dma_semaphore, #tpu.memory_space<semaphore_mem>>, %arg17: memref<!tpu.dma_semaphore, #tpu.memory_space<semaphore_mem>>) attributes {dimension_semantics = [#tpu.dimension_semantics<core_parallel>, #tpu.dimension_semantics<subcore_parallel>], iteration_bounds = array<i64: 2, 16>, scalar_prefetch = 0 : i64, scratch_operands = 10 : i64, tpu.core_type = #tpu.core_type<sc_vector_subcore>, window_params = [{transform_indices = #map}, {transform_indices = #map1}, {transform_indices = #map}, {transform_indices = #map1}, {transform_indices = #map}, {transform_indices = #map}]} {
    %mul3A = arith.constant 2 : i32
    %mul3A_0 = arith.muli %arg1, %mul3A : i32
    %add3A = arith.addi %mul3A_0, %arg0 : i32
    %mul3A_1 = arith.constant 12288 : i32
    %mul3A_2 = arith.muli %add3A, %mul3A_1 : i32
    "tpu.region"() ({
      %run_scoped3A = tpu.sem_alloc : memref<!tpu.dma_semaphore, #tpu.memory_space<semaphore_mem>>
      tpu.enqueue_dma source(%arg4 : memref<64x16xf32, #tpu.memory_space<hbm>>) target(%arg12 : memref<64x16xf32, #tpu.memory_space<vmem>>) target_semaphore(%run_scoped3A : memref<!tpu.dma_semaphore, #tpu.memory_space<semaphore_mem>>)
      tpu.wait_dma2 semaphore(%run_scoped3A : memref<!tpu.dma_semaphore, #tpu.memory_space<semaphore_mem>>) src(%arg4 : memref<64x16xf32, #tpu.memory_space<hbm>>) dst(%arg12 : memref<64x16xf32, #tpu.memory_space<vmem>>)
      tpu.yield
    }) : () -> ()
    "tpu.region"() ({
      %run_scoped3A = tpu.sem_alloc : memref<!tpu.dma_semaphore, #tpu.memory_space<semaphore_mem>>
      %dma_start3A_53 = tpu.memref_slice %arg3[%mul3A_2] : memref<1000000xf32, #tpu.memory_space<hbm>> -> memref<12288xf32, #tpu.memory_space<hbm>>
      %dma_start3A_54 = tpu.memref_slice %arg3[%mul3A_2] : memref<1000000xf32, #tpu.memory_space<hbm>> -> memref<12288xf32, #tpu.memory_space<hbm>>
      tpu.enqueue_dma source(%dma_start3A_54 : memref<12288xf32, #tpu.memory_space<hbm>>) target(%arg11 : memref<12288xf32, #tpu.memory_space<vmem>>) target_semaphore(%run_scoped3A : memref<!tpu.dma_semaphore, #tpu.memory_space<semaphore_mem>>)
      %dma_wait3A = tpu.memref_slice %arg3[%mul3A_2] : memref<1000000xf32, #tpu.memory_space<hbm>> -> memref<12288xf32, #tpu.memory_space<hbm>>
      %dma_wait3A_55 = tpu.memref_slice %arg3[%mul3A_2] : memref<1000000xf32, #tpu.memory_space<hbm>> -> memref<12288xf32, #tpu.memory_space<hbm>>
      tpu.wait_dma2 semaphore(%run_scoped3A : memref<!tpu.dma_semaphore, #tpu.memory_space<semaphore_mem>>) src(%dma_wait3A_55 : memref<12288xf32, #tpu.memory_space<hbm>>) dst(%arg11 : memref<12288xf32, #tpu.memory_space<vmem>>)
      tpu.yield
    }) : () -> ()
    %broadcast_in_dim3A = arith.constant 0xFF800000 : f32
    %broadcast_in_dim3A_3 = vector.broadcast %broadcast_in_dim3A : f32 to vector<16xf32>
    %swap3A = arith.constant 0 : index
    %swap3A_4 = tpu.vector_load %arg13[%swap3A] {strides = array<i32>} : memref<16xf32, #tpu.memory_space<vmem>>, vector<16xf32>,
    %swap3A_5 = vector.shape_cast %swap3A_4 : vector<16xf32> to vector<16xf32>
    %swap3A_6 = vector.shape_cast %broadcast_in_dim3A_3 : vector<16xf32> to vector<16xf32>
    tpu.vector_store %arg13[%swap3A], %swap3A_6 {strides = array<i32>} : memref<16xf32, #tpu.memory_space<vmem>>, vector<16xf32>,
    %dma_start3A = arith.constant 0 : i32
    %dma_start3A_7 = tpu.memref_slice %arg2[%dma_start3A, %mul3A_2] : memref<64x1000000xf32, #tpu.memory_space<hbm>> -> memref<64x512xf32, #tpu.memory_space<hbm>>
    %dma_start3A_8 = arith.constant 0 : i32
    %dma_start3A_9 = tpu.memref_slice %arg2[%dma_start3A_8, %mul3A_2] : memref<64x1000000xf32, #tpu.memory_space<hbm>> -> memref<64x512xf32, #tpu.memory_space<hbm>>
    tpu.enqueue_dma source(%dma_start3A_9 : memref<64x512xf32, #tpu.memory_space<hbm>>) target(%arg8 : memref<64x512xf32, #tpu.memory_space<vmem>>) target_semaphore(%arg16 : memref<!tpu.dma_semaphore, #tpu.memory_space<semaphore_mem>>)
    %add3A_10 = arith.constant 512 : i32
    %add3A_11 = arith.addi %mul3A_2, %add3A_10 : i32
    %dma_start3A_12 = arith.constant 0 : i32
    %dma_start3A_13 = tpu.memref_slice %arg2[%dma_start3A_12, %add3A_11] : memref<64x1000000xf32, #tpu.memory_space<hbm>> -> memref<64x512xf32, #tpu.memory_space<hbm>>
    %dma_start3A_14 = arith.constant 0 : i32
    %dma_start3A_15 = tpu.memref_slice %arg2[%dma_start3A_14, %add3A_11] : memref<64x1000000xf32, #tpu.memory_space<hbm>> -> memref<64x512xf32, #tpu.memory_space<hbm>>
    tpu.enqueue_dma source(%dma_start3A_15 : memref<64x512xf32, #tpu.memory_space<hbm>>) target(%arg9 : memref<64x512xf32, #tpu.memory_space<vmem>>) target_semaphore(%arg17 : memref<!tpu.dma_semaphore, #tpu.memory_space<semaphore_mem>>)
    %scan3A = arith.constant 0 : i32
    %scan3A_16 = arith.constant 0 : i32
    %scan3A_17 = arith.constant 12 : i32
    %scan3A_18 = arith.addi %scan3A_16, %scan3A_17 : i32
    %scan3A_19 = arith.constant 1 : i32
    scf.for %scan3A_53 = %scan3A_16 to %scan3A_18 step %scan3A_19  : i32 {
      %mul3A_54 = arith.constant 2 : i32
      %mul3A_55 = arith.muli %mul3A_54, %scan3A_53 : i32
      %mul3A_56 = arith.constant 2 : i32
      %mul3A_57 = arith.muli %mul3A_56, %scan3A_53 : i32
      %add3A_58 = arith.constant 1 : i32
      %add3A_59 = arith.addi %mul3A_57, %add3A_58 : i32
      %dma_wait3A = arith.constant 0 : i32
      %dma_wait3A_60 = arith.constant 0 : i32
      %dma_wait3A_61 = tpu.memref_slice %arg2[%dma_wait3A, %dma_wait3A_60] : memref<64x1000000xf32, #tpu.memory_space<hbm>> -> memref<64x512xf32, #tpu.memory_space<hbm>>
      %dma_wait3A_62 = arith.constant 0 : i32
      %dma_wait3A_63 = arith.constant 0 : i32
      %dma_wait3A_64 = tpu.memref_slice %arg2[%dma_wait3A_62, %dma_wait3A_63] : memref<64x1000000xf32, #tpu.memory_space<hbm>> -> memref<64x512xf32, #tpu.memory_space<hbm>>
      tpu.wait_dma2 semaphore(%arg16 : memref<!tpu.dma_semaphore, #tpu.memory_space<semaphore_mem>>) src(%dma_wait3A_64 : memref<64x512xf32, #tpu.memory_space<hbm>>) dst(%arg8 : memref<64x512xf32, #tpu.memory_space<vmem>>)
      %mul3A_65 = arith.constant 512 : i32
      %mul3A_66 = arith.muli %mul3A_55, %mul3A_65 : i32
      %get3A_67 = arith.constant 0 : i32
      %get3A_68 = arith.index_cast %get3A_67 : i32 to index
      %get3A_69 = arith.constant 0 : index
      %get3A_70 = tpu.vector_load %arg12[%get3A_68, %get3A_69] {strides = array<i32>} : memref<64x16xf32, #tpu.memory_space<vmem>>, vector<1x16xf32>,
      %get3A_71 = vector.shape_cast %get3A_70 : vector<1x16xf32> to vector<16xf32>
      %get3A_72 = arith.constant 1 : i32
      %get3A_73 = arith.index_cast %get3A_72 : i32 to index
      %get3A_74 = arith.constant 0 : index
      %get3A_75 = tpu.vector_load %arg12[%get3A_73, %get3A_74] {strides = array<i32>} : memref<64x16xf32, #tpu.memory_space<vmem>>, vector<1x16xf32>,
      %get3A_76 = vector.shape_cast %get3A_75 : vector<1x16xf32> to vector<16xf32>
      %get3A_77 = arith.constant 2 : i32
      %get3A_78 = arith.index_cast %get3A_77 : i32 to index
      %get3A_79 = arith.constant 0 : index
      %get3A_80 = tpu.vector_load %arg12[%get3A_78, %get3A_79] {strides = array<i32>} : memref<64x16xf32, #tpu.memory_space<vmem>>, vector<1x16xf32>,
      %get3A_81 = vector.shape_cast %get3A_80 : vector<1x16xf32> to vector<16xf32>
      %get3A_82 = arith.constant 3 : i32
      %get3A_83 = arith.index_cast %get3A_82 : i32 to index
      %get3A_84 = arith.constant 0 : index
      %get3A_85 = tpu.vector_load %arg12[%get3A_83, %get3A_84] {strides = array<i32>} : memref<64x16xf32, #tpu.memory_space<vmem>>, vector<1x16xf32>,
      %get3A_86 = vector.shape_cast %get3A_85 : vector<1x16xf32> to vector<16xf32>
      %get3A_87 = arith.constant 4 : i32
      %get3A_88 = arith.index_cast %get3A_87 : i32 to index
      %get3A_89 = arith.constant 0 : index
      %get3A_90 = tpu.vector_load %arg12[%get3A_88, %get3A_89] {strides = array<i32>} : memref<64x16xf32, #tpu.memory_space<vmem>>, vector<1x16xf32>,
      %get3A_91 = vector.shape_cast %get3A_90 : vector<1x16xf32> to vector<16xf32>
      %get3A_92 = arith.constant 5 : i32
      %get3A_93 = arith.index_cast %get3A_92 : i32 to index
      %get3A_94 = arith.constant 0 : index
      %get3A_95 = tpu.vector_load %arg12[%get3A_93, %get3A_94] {strides = array<i32>} : memref<64x16xf32, #tpu.memory_space<vmem>>, vector<1x16xf32>,
      %get3A_96 = vector.shape_cast %get3A_95 : vector<1x16xf32> to vector<16xf32>
      %get3A_97 = arith.constant 6 : i32
      %get3A_98 = arith.index_cast %get3A_97 : i32 to index
      %get3A_99 = arith.constant 0 : index
      %get3A_100 = tpu.vector_load %arg12[%get3A_98, %get3A_99] {strides = array<i32>} : memref<64x16xf32, #tpu.memory_space<vmem>>, vector<1x16xf32>,
      %get3A_101 = vector.shape_cast %get3A_100 : vector<1x16xf32> to vector<16xf32>
      %get3A_102 = arith.constant 7 : i32
      %get3A_103 = arith.index_cast %get3A_102 : i32 to index
      %get3A_104 = arith.constant 0 : index
      %get3A_105 = tpu.vector_load %arg12[%get3A_103, %get3A_104] {strides = array<i32>} : memref<64x16xf32, #tpu.memory_space<vmem>>, vector<1x16xf32>,
      %get3A_106 = vector.shape_cast %get3A_105 : vector<1x16xf32> to vector<16xf32>
      %get3A_107 = arith.constant 8 : i32
      %get3A_108 = arith.index_cast %get3A_107 : i32 to index
      %get3A_109 = arith.constant 0 : index
      %get3A_110 = tpu.vector_load %arg12[%get3A_108, %get3A_109] {strides = array<i32>} : memref<64x16xf32, #tpu.memory_space<vmem>>, vector<1x16xf32>,
      %get3A_111 = vector.shape_cast %get3A_110 : vector<1x16xf32> to vector<16xf32>
      %get3A_112 = arith.constant 9 : i32
      %get3A_113 = arith.index_cast %get3A_112 : i32 to index
      %get3A_114 = arith.constant 0 : index
      %get3A_115 = tpu.vector_load %arg12[%get3A_113, %get3A_114] {strides = array<i32>} : memref<64x16xf32, #tpu.memory_space<vmem>>, vector<1x16xf32>,
      %get3A_116 = vector.shape_cast %get3A_115 : vector<1x16xf32> to vector<16xf32>
      %get3A_117 = arith.constant 10 : i32
      %get3A_118 = arith.index_cast %get3A_117 : i32 to index
      %get3A_119 = arith.constant 0 : index
      %get3A_120 = tpu.vector_load %arg12[%get3A_118, %get3A_119] {strides = array<i32>} : memref<64x16xf32, #tpu.memory_space<vmem>>, vector<1x16xf32>,
      %get3A_121 = vector.shape_cast %get3A_120 : vector<1x16xf32> to vector<16xf32>
      %get3A_122 = arith.constant 11 : i32
      %get3A_123 = arith.index_cast %get3A_122 : i32 to index
      %get3A_124 = arith.constant 0 : index
      %get3A_125 = tpu.vector_load %arg12[%get3A_123, %get3A_124] {strides = array<i32>} : memref<64x16xf32, #tpu.memory_space<vmem>>, vector<1x16xf32>,
      %get3A_126 = vector.shape_cast %get3A_125 : vector<1x16xf32> to vector<16xf32>
      %get3A_127 = arith.constant 12 : i32
      %get3A_128 = arith.index_cast %get3A_127 : i32 to index
      %get3A_129 = arith.constant 0 : index
      %get3A_130 = tpu.vector_load %arg12[%get3A_128, %get3A_129] {strides = array<i32>} : memref<64x16xf32, #tpu.memory_space<vmem>>, vector<1x16xf32>,
      %get3A_131 = vector.shape_cast %get3A_130 : vector<1x16xf32> to vector<16xf32>
      %get3A_132 = arith.constant 13 : i32
      %get3A_133 = arith.index_cast %get3A_132 : i32 to index
      %get3A_134 = arith.constant 0 : index
      %get3A_135 = tpu.vector_load %arg12[%get3A_133, %get3A_134] {strides = array<i32>} : memref<64x16xf32, #tpu.memory_space<vmem>>, vector<1x16xf32>,
      %get3A_136 = vector.shape_cast %get3A_135 : vector<1x16xf32> to vector<16xf32>
      %get3A_137 = arith.constant 14 : i32
      %get3A_138 = arith.index_cast %get3A_137 : i32 to index
      %get3A_139 = arith.constant 0 : index
      %get3A_140 = tpu.vector_load %arg12[%get3A_138, %get3A_139] {strides = array<i32>} : memref<64x16xf32, #tpu.memory_space<vmem>>, vector<1x16xf32>,
      %get3A_141 = vector.shape_cast %get3A_140 : vector<1x16xf32> to vector<16xf32>
      %get3A_142 = arith.constant 15 : i32
      %get3A_143 = arith.index_cast %get3A_142 : i32 to index
      %get3A_144 = arith.constant 0 : index
      %get3A_145 = tpu.vector_load %arg12[%get3A_143, %get3A_144] {strides = array<i32>} : memref<64x16xf32, #tpu.memory_space<vmem>>, vector<1x16xf32>,
      %get3A_146 = vector.shape_cast %get3A_145 : vector<1x16xf32> to vector<16xf32>
      %get3A_147 = arith.constant 16 : i32
      %get3A_148 = arith.index_cast %get3A_147 : i32 to index
      %get3A_149 = arith.constant 0 : index
      %get3A_150 = tpu.vector_load %arg12[%get3A_148, %get3A_149] {strides = array<i32>} : memref<64x16xf32, #tpu.memory_space<vmem>>, vector<1x16xf32>,
      %get3A_151 = vector.shape_cast %get3A_150 : vector<1x16xf32> to vector<16xf32>
      %get3A_152 = arith.constant 17 : i32
      %get3A_153 = arith.index_cast %get3A_152 : i32 to index
      %get3A_154 = arith.constant 0 : index
      %get3A_155 = tpu.vector_load %arg12[%get3A_153, %get3A_154] {strides = array<i32>} : memref<64x16xf32, #tpu.memory_space<vmem>>, vector<1x16xf32>,
      %get3A_156 = vector.shape_cast %get3A_155 : vector<1x16xf32> to vector<16xf32>
      %get3A_157 = arith.constant 18 : i32
      %get3A_158 = arith.index_cast %get3A_157 : i32 to index
      %get3A_159 = arith.constant 0 : index
      %get3A_160 = tpu.vector_load %arg12[%get3A_158, %get3A_159] {strides = array<i32>} : memref<64x16xf32, #tpu.memory_space<vmem>>, vector<1x16xf32>,
      %get3A_161 = vector.shape_cast %get3A_160 : vector<1x16xf32> to vector<16xf32>
      %get3A_162 = arith.constant 19 : i32
      %get3A_163 = arith.index_cast %get3A_162 : i32 to index
      %get3A_164 = arith.constant 0 : index
      %get3A_165 = tpu.vector_load %arg12[%get3A_163, %get3A_164] {strides = array<i32>} : memref<64x16xf32, #tpu.memory_space<vmem>>, vector<1x16xf32>,
      %get3A_166 = vector.shape_cast %get3A_165 : vector<1x16xf32> to vector<16xf32>
      %get3A_167 = arith.constant 20 : i32
      %get3A_168 = arith.index_cast %get3A_167 : i32 to index
      %get3A_169 = arith.constant 0 : index
      %get3A_170 = tpu.vector_load %arg12[%get3A_168, %get3A_169] {strides = array<i32>} : memref<64x16xf32, #tpu.memory_space<vmem>>, vector<1x16xf32>,
      %get3A_171 = vector.shape_cast %get3A_170 : vector<1x16xf32> to vector<16xf32>
      %get3A_172 = arith.constant 21 : i32
      %get3A_173 = arith.index_cast %get3A_172 : i32 to index
      %get3A_174 = arith.constant 0 : index
      %get3A_175 = tpu.vector_load %arg12[%get3A_173, %get3A_174] {strides = array<i32>} : memref<64x16xf32, #tpu.memory_space<vmem>>, vector<1x16xf32>,
      %get3A_176 = vector.shape_cast %get3A_175 : vector<1x16xf32> to vector<16xf32>
      %get3A_177 = arith.constant 22 : i32
      %get3A_178 = arith.index_cast %get3A_177 : i32 to index
      %get3A_179 = arith.constant 0 : index
      %get3A_180 = tpu.vector_load %arg12[%get3A_178, %get3A_179] {strides = array<i32>} : memref<64x16xf32, #tpu.memory_space<vmem>>, vector<1x16xf32>,
      %get3A_181 = vector.shape_cast %get3A_180 : vector<1x16xf32> to vector<16xf32>
      %get3A_182 = arith.constant 23 : i32
      %get3A_183 = arith.index_cast %get3A_182 : i32 to index
      %get3A_184 = arith.constant 0 : index
      %get3A_185 = tpu.vector_load %arg12[%get3A_183, %get3A_184] {strides = array<i32>} : memref<64x16xf32, #tpu.memory_space<vmem>>, vector<1x16xf32>,
      %get3A_186 = vector.shape_cast %get3A_185 : vector<1x16xf32> to vector<16xf32>
      %get3A_187 = arith.constant 24 : i32
      %get3A_188 = arith.index_cast %get3A_187 : i32 to index
      %get3A_189 = arith.constant 0 : index
      %get3A_190 = tpu.vector_load %arg12[%get3A_188, %get3A_189] {strides = array<i32>} : memref<64x16xf32, #tpu.memory_space<vmem>>, vector<1x16xf32>,
      %get3A_191 = vector.shape_cast %get3A_190 : vector<1x16xf32> to vector<16xf32>
      %get3A_192 = arith.constant 25 : i32
      %get3A_193 = arith.index_cast %get3A_192 : i32 to index
      %get3A_194 = arith.constant 0 : index
      %get3A_195 = tpu.vector_load %arg12[%get3A_193, %get3A_194] {strides = array<i32>} : memref<64x16xf32, #tpu.memory_space<vmem>>, vector<1x16xf32>,
      %get3A_196 = vector.shape_cast %get3A_195 : vector<1x16xf32> to vector<16xf32>
      %get3A_197 = arith.constant 26 : i32
      %get3A_198 = arith.index_cast %get3A_197 : i32 to index
      %get3A_199 = arith.constant 0 : index
      %get3A_200 = tpu.vector_load %arg12[%get3A_198, %get3A_199] {strides = array<i32>} : memref<64x16xf32, #tpu.memory_space<vmem>>, vector<1x16xf32>,
      %get3A_201 = vector.shape_cast %get3A_200 : vector<1x16xf32> to vector<16xf32>
      %get3A_202 = arith.constant 27 : i32
      %get3A_203 = arith.index_cast %get3A_202 : i32 to index
      %get3A_204 = arith.constant 0 : index
      %get3A_205 = tpu.vector_load %arg12[%get3A_203, %get3A_204] {strides = array<i32>} : memref<64x16xf32, #tpu.memory_space<vmem>>, vector<1x16xf32>,
      %get3A_206 = vector.shape_cast %get3A_205 : vector<1x16xf32> to vector<16xf32>
      %get3A_207 = arith.constant 28 : i32
      %get3A_208 = arith.index_cast %get3A_207 : i32 to index
      %get3A_209 = arith.constant 0 : index
      %get3A_210 = tpu.vector_load %arg12[%get3A_208, %get3A_209] {strides = array<i32>} : memref<64x16xf32, #tpu.memory_space<vmem>>, vector<1x16xf32>,
      %get3A_211 = vector.shape_cast %get3A_210 : vector<1x16xf32> to vector<16xf32>
      %get3A_212 = arith.constant 29 : i32
      %get3A_213 = arith.index_cast %get3A_212 : i32 to index
      %get3A_214 = arith.constant 0 : index
      %get3A_215 = tpu.vector_load %arg12[%get3A_213, %get3A_214] {strides = array<i32>} : memref<64x16xf32, #tpu.memory_space<vmem>>, vector<1x16xf32>,
      %get3A_216 = vector.shape_cast %get3A_215 : vector<1x16xf32> to vector<16xf32>
      %get3A_217 = arith.constant 30 : i32
      %get3A_218 = arith.index_cast %get3A_217 : i32 to index
      %get3A_219 = arith.constant 0 : index
      %get3A_220 = tpu.vector_load %arg12[%get3A_218, %get3A_219] {strides = array<i32>} : memref<64x16xf32, #tpu.memory_space<vmem>>, vector<1x16xf32>,
      %get3A_221 = vector.shape_cast %get3A_220 : vector<1x16xf32> to vector<16xf32>
      %get3A_222 = arith.constant 31 : i32
      %get3A_223 = arith.index_cast %get3A_222 : i32 to index
      %get3A_224 = arith.constant 0 : index
      %get3A_225 = tpu.vector_load %arg12[%get3A_223, %get3A_224] {strides = array<i32>} : memref<64x16xf32, #tpu.memory_space<vmem>>, vector<1x16xf32>,
      %get3A_226 = vector.shape_cast %get3A_225 : vector<1x16xf32> to vector<16xf32>
      %scan3A_227 = arith.constant 0 : i32
      %scan3A_228 = arith.constant 0 : i32
      %scan3A_229 = arith.constant 32 : i32
      %scan3A_230 = arith.addi %scan3A_228, %scan3A_229 : i32
      %scan3A_231 = arith.constant 1 : i32
      scf.for %scan3A_750 = %scan3A_228 to %scan3A_230 step %scan3A_231  : i32 {
        %mul3A_751 = arith.constant 16 : i32
        %mul3A_752 = arith.muli %scan3A_750, %mul3A_751 : i32
        %add3A_753 = arith.addi %mul3A_66, %mul3A_752 : i32
        %mul3A_754 = arith.constant 16 : i32
        %mul3A_755 = arith.muli %scan3A_750, %mul3A_754 : i32
        %get3A_756 = arith.index_cast %add3A_753 : i32 to index
        %get3A_757 = tpu.vector_load %arg11[%get3A_756] {strides = array<i32>} : memref<12288xf32, #tpu.memory_space<vmem>>, vector<16xf32>,
        %get3A_758 = vector.shape_cast %get3A_757 : vector<16xf32> to vector<16xf32>
        %broadcast_in_dim3A_759 = arith.constant 0.000000e+00 : f32
        %broadcast_in_dim3A_760 = vector.broadcast %broadcast_in_dim3A_759 : f32 to vector<16xf32>
        %broadcast_in_dim3A_761 = arith.constant 0.000000e+00 : f32
        %broadcast_in_dim3A_762 = vector.broadcast %broadcast_in_dim3A_761 : f32 to vector<16xf32>
        %broadcast_in_dim3A_763 = arith.constant 0.000000e+00 : f32
        %broadcast_in_dim3A_764 = vector.broadcast %broadcast_in_dim3A_763 : f32 to vector<16xf32>
        %get3A_765 = arith.constant 0 : i32
        %get3A_766 = arith.index_cast %get3A_765 : i32 to index
        %get3A_767 = arith.index_cast %mul3A_755 : i32 to index
        %get3A_768 = tpu.vector_load %arg8[%get3A_766, %get3A_767] {strides = array<i32>} : memref<64x512xf32, #tpu.memory_space<vmem>>, vector<1x16xf32>,
        %get3A_769 = vector.shape_cast %get3A_768 : vector<1x16xf32> to vector<16xf32>
        %mul3A_770 = arith.mulf %get3A_769, %get3A_71 : vector<16xf32>
        %add3A_771 = arith.addf %get3A_758, %mul3A_770 : vector<16xf32>
        %get3A_772 = arith.constant 1 : i32
        %get3A_773 = arith.index_cast %get3A_772 : i32 to index
        %get3A_774 = arith.index_cast %mul3A_755 : i32 to index
        %get3A_775 = tpu.vector_load %arg8[%get3A_773, %get3A_774] {strides = array<i32>} : memref<64x512xf32, #tpu.memory_space<vmem>>, vector<1x16xf32>,
        %get3A_776 = vector.shape_cast %get3A_775 : vector<1x16xf32> to vector<16xf32>
        %mul3A_777 = arith.mulf %get3A_776, %get3A_76 : vector<16xf32>
        %add3A_778 = arith.addf %broadcast_in_dim3A_760, %mul3A_777 : vector<16xf32>
        %get3A_779 = arith.constant 2 : i32
        %get3A_780 = arith.index_cast %get3A_779 : i32 to index
        %get3A_781 = arith.index_cast %mul3A_755 : i32 to index
        %get3A_782 = tpu.vector_load %arg8[%get3A_780, %get3A_781] {strides = array<i32>} : memref<64x512xf32, #tpu.memory_space<vmem>>, vector<1x16xf32>,
        %get3A_783 = vector.shape_cast %get3A_782 : vector<1x16xf32> to vector<16xf32>
        %mul3A_784 = arith.mulf %get3A_783, %get3A_81 : vector<16xf32>
        %add3A_785 = arith.addf %broadcast_in_dim3A_762, %mul3A_784 : vector<16xf32>
        %get3A_786 = arith.constant 3 : i32
        %get3A_787 = arith.index_cast %get3A_786 : i32 to index
        %get3A_788 = arith.index_cast %mul3A_755 : i32 to index
        %get3A_789 = tpu.vector_load %arg8[%get3A_787, %get3A_788] {strides = array<i32>} : memref<64x512xf32, #tpu.memory_space<vmem>>, vector<1x16xf32>,
        %get3A_790 = vector.shape_cast %get3A_789 : vector<1x16xf32> to vector<16xf32>
        %mul3A_791 = arith.mulf %get3A_790, %get3A_86 : vector<16xf32>
        %add3A_792 = arith.addf %broadcast_in_dim3A_764, %mul3A_791 : vector<16xf32>
        %get3A_793 = arith.constant 4 : i32
        %get3A_794 = arith.index_cast %get3A_793 : i32 to index
        %get3A_795 = arith.index_cast %mul3A_755 : i32 to index
        %get3A_796 = tpu.vector_load %arg8[%get3A_794, %get3A_795] {strides = array<i32>} : memref<64x512xf32, #tpu.memory_space<vmem>>, vector<1x16xf32>,
        %get3A_797 = vector.shape_cast %get3A_796 : vector<1x16xf32> to vector<16xf32>
        %mul3A_798 = arith.mulf %get3A_797, %get3A_91 : vector<16xf32>
        %add3A_799 = arith.addf %add3A_771, %mul3A_798 : vector<16xf32>
        %get3A_800 = arith.constant 5 : i32
        %get3A_801 = arith.index_cast %get3A_800 : i32 to index
        %get3A_802 = arith.index_cast %mul3A_755 : i32 to index
        %get3A_803 = tpu.vector_load %arg8[%get3A_801, %get3A_802] {strides = array<i32>} : memref<64x512xf32, #tpu.memory_space<vmem>>, vector<1x16xf32>,
        %get3A_804 = vector.shape_cast %get3A_803 : vector<1x16xf32> to vector<16xf32>
        %mul3A_805 = arith.mulf %get3A_804, %get3A_96 : vector<16xf32>
        %add3A_806 = arith.addf %add3A_778, %mul3A_805 : vector<16xf32>
        %get3A_807 = arith.constant 6 : i32
        %get3A_808 = arith.index_cast %get3A_807 : i32 to index
        %get3A_809 = arith.index_cast %mul3A_755 : i32 to index
        %get3A_810 = tpu.vector_load %arg8[%get3A_808, %get3A_809] {strides = array<i32>} : memref<64x512xf32, #tpu.memory_space<vmem>>, vector<1x16xf32>,
        %get3A_811 = vector.shape_cast %get3A_810 : vector<1x16xf32> to vector<16xf32>
        %mul3A_812 = arith.mulf %get3A_811, %get3A_101 : vector<16xf32>
        %add3A_813 = arith.addf %add3A_785, %mul3A_812 : vector<16xf32>
        %get3A_814 = arith.constant 7 : i32
        %get3A_815 = arith.index_cast %get3A_814 : i32 to index
        %get3A_816 = arith.index_cast %mul3A_755 : i32 to index
        %get3A_817 = tpu.vector_load %arg8[%get3A_815, %get3A_816] {strides = array<i32>} : memref<64x512xf32, #tpu.memory_space<vmem>>, vector<1x16xf32>,
        %get3A_818 = vector.shape_cast %get3A_817 : vector<1x16xf32> to vector<16xf32>
        %mul3A_819 = arith.mulf %get3A_818, %get3A_106 : vector<16xf32>
        %add3A_820 = arith.addf %add3A_792, %mul3A_819 : vector<16xf32>
        %get3A_821 = arith.constant 8 : i32
        %get3A_822 = arith.index_cast %get3A_821 : i32 to index
        %get3A_823 = arith.index_cast %mul3A_755 : i32 to index
        %get3A_824 = tpu.vector_load %arg8[%get3A_822, %get3A_823] {strides = array<i32>} : memref<64x512xf32, #tpu.memory_space<vmem>>, vector<1x16xf32>,
        %get3A_825 = vector.shape_cast %get3A_824 : vector<1x16xf32> to vector<16xf32>
        %mul3A_826 = arith.mulf %get3A_825, %get3A_111 : vector<16xf32>
        %add3A_827 = arith.addf %add3A_799, %mul3A_826 : vector<16xf32>
        %get3A_828 = arith.constant 9 : i32
        %get3A_829 = arith.index_cast %get3A_828 : i32 to index
        %get3A_830 = arith.index_cast %mul3A_755 : i32 to index
        %get3A_831 = tpu.vector_load %arg8[%get3A_829, %get3A_830] {strides = array<i32>} : memref<64x512xf32, #tpu.memory_space<vmem>>, vector<1x16xf32>,
        %get3A_832 = vector.shape_cast %get3A_831 : vector<1x16xf32> to vector<16xf32>
        %mul3A_833 = arith.mulf %get3A_832, %get3A_116 : vector<16xf32>
        %add3A_834 = arith.addf %add3A_806, %mul3A_833 : vector<16xf32>
        %get3A_835 = arith.constant 10 : i32
        %get3A_836 = arith.index_cast %get3A_835 : i32 to index
        %get3A_837 = arith.index_cast %mul3A_755 : i32 to index
        %get3A_838 = tpu.vector_load %arg8[%get3A_836, %get3A_837] {strides = array<i32>} : memref<64x512xf32, #tpu.memory_space<vmem>>, vector<1x16xf32>,
        %get3A_839 = vector.shape_cast %get3A_838 : vector<1x16xf32> to vector<16xf32>
        %mul3A_840 = arith.mulf %get3A_839, %get3A_121 : vector<16xf32>
        %add3A_841 = arith.addf %add3A_813, %mul3A_840 : vector<16xf32>
        %get3A_842 = arith.constant 11 : i32
        %get3A_843 = arith.index_cast %get3A_842 : i32 to index
        %get3A_844 = arith.index_cast %mul3A_755 : i32 to index
        %get3A_845 = tpu.vector_load %arg8[%get3A_843, %get3A_844] {strides = array<i32>} : memref<64x512xf32, #tpu.memory_space<vmem>>, vector<1x16xf32>,
        %get3A_846 = vector.shape_cast %get3A_845 : vector<1x16xf32> to vector<16xf32>
        %mul3A_847 = arith.mulf %get3A_846, %get3A_126 : vector<16xf32>
        %add3A_848 = arith.addf %add3A_820, %mul3A_847 : vector<16xf32>
        %get3A_849 = arith.constant 12 : i32
        %get3A_850 = arith.index_cast %get3A_849 : i32 to index
        %get3A_851 = arith.index_cast %mul3A_755 : i32 to index
        %get3A_852 = tpu.vector_load %arg8[%get3A_850, %get3A_851] {strides = array<i32>} : memref<64x512xf32, #tpu.memory_space<vmem>>, vector<1x16xf32>,
        %get3A_853 = vector.shape_cast %get3A_852 : vector<1x16xf32> to vector<16xf32>
        %mul3A_854 = arith.mulf %get3A_853, %get3A_131 : vector<16xf32>
        %add3A_855 = arith.addf %add3A_827, %mul3A_854 : vector<16xf32>
        %get3A_856 = arith.constant 13 : i32
        %get3A_857 = arith.index_cast %get3A_856 : i32 to index
        %get3A_858 = arith.index_cast %mul3A_755 : i32 to index
        %get3A_859 = tpu.vector_load %arg8[%get3A_857, %get3A_858] {strides = array<i32>} : memref<64x512xf32, #tpu.memory_space<vmem>>, vector<1x16xf32>,
        %get3A_860 = vector.shape_cast %get3A_859 : vector<1x16xf32> to vector<16xf32>
        %mul3A_861 = arith.mulf %get3A_860, %get3A_136 : vector<16xf32>
        %add3A_862 = arith.addf %add3A_834, %mul3A_861 : vector<16xf32>
        %get3A_863 = arith.constant 14 : i32
        %get3A_864 = arith.index_cast %get3A_863 : i32 to index
        %get3A_865 = arith.index_cast %mul3A_755 : i32 to index
        %get3A_866 = tpu.vector_load %arg8[%get3A_864, %get3A_865] {strides = array<i32>} : memref<64x512xf32, #tpu.memory_space<vmem>>, vector<1x16xf32>,
        %get3A_867 = vector.shape_cast %get3A_866 : vector<1x16xf32> to vector<16xf32>
        %mul3A_868 = arith.mulf %get3A_867, %get3A_141 : vector<16xf32>
        %add3A_869 = arith.addf %add3A_841, %mul3A_868 : vector<16xf32>
        %get3A_870 = arith.constant 15 : i32
        %get3A_871 = arith.index_cast %get3A_870 : i32 to index
        %get3A_872 = arith.index_cast %mul3A_755 : i32 to index
        %get3A_873 = tpu.vector_load %arg8[%get3A_871, %get3A_872] {strides = array<i32>} : memref<64x512xf32, #tpu.memory_space<vmem>>, vector<1x16xf32>,
        %get3A_874 = vector.shape_cast %get3A_873 : vector<1x16xf32> to vector<16xf32>
        %mul3A_875 = arith.mulf %get3A_874, %get3A_146 : vector<16xf32>
        %add3A_876 = arith.addf %add3A_848, %mul3A_875 : vector<16xf32>
        %get3A_877 = arith.constant 16 : i32
        %get3A_878 = arith.index_cast %get3A_877 : i32 to index
        %get3A_879 = arith.index_cast %mul3A_755 : i32 to index
        %get3A_880 = tpu.vector_load %arg8[%get3A_878, %get3A_879] {strides = array<i32>} : memref<64x512xf32, #tpu.memory_space<vmem>>, vector<1x16xf32>,
        %get3A_881 = vector.shape_cast %get3A_880 : vector<1x16xf32> to vector<16xf32>
        %mul3A_882 = arith.mulf %get3A_881, %get3A_151 : vector<16xf32>
        %add3A_883 = arith.addf %add3A_855, %mul3A_882 : vector<16xf32>
        %get3A_884 = arith.constant 17 : i32
        %get3A_885 = arith.index_cast %get3A_884 : i32 to index
        %get3A_886 = arith.index_cast %mul3A_755 : i32 to index
        %get3A_887 = tpu.vector_load %arg8[%get3A_885, %get3A_886] {strides = array<i32>} : memref<64x512xf32, #tpu.memory_space<vmem>>, vector<1x16xf32>,
        %get3A_888 = vector.shape_cast %get3A_887 : vector<1x16xf32> to vector<16xf32>
        %mul3A_889 = arith.mulf %get3A_888, %get3A_156 : vector<16xf32>
        %add3A_890 = arith.addf %add3A_862, %mul3A_889 : vector<16xf32>
        %get3A_891 = arith.constant 18 : i32
        %get3A_892 = arith.index_cast %get3A_891 : i32 to index
        %get3A_893 = arith.index_cast %mul3A_755 : i32 to index
        %get3A_894 = tpu.vector_load %arg8[%get3A_892, %get3A_893] {strides = array<i32>} : memref<64x512xf32, #tpu.memory_space<vmem>>, vector<1x16xf32>,
        %get3A_895 = vector.shape_cast %get3A_894 : vector<1x16xf32> to vector<16xf32>
        %mul3A_896 = arith.mulf %get3A_895, %get3A_161 : vector<16xf32>
        %add3A_897 = arith.addf %add3A_869, %mul3A_896 : vector<16xf32>
        %get3A_898 = arith.constant 19 : i32
        %get3A_899 = arith.index_cast %get3A_898 : i32 to index
        %get3A_900 = arith.index_cast %mul3A_755 : i32 to index
        %get3A_901 = tpu.vector_load %arg8[%get3A_899, %get3A_900] {strides = array<i32>} : memref<64x512xf32, #tpu.memory_space<vmem>>, vector<1x16xf32>,
        %get3A_902 = vector.shape_cast %get3A_901 : vector<1x16xf32> to vector<16xf32>
        %mul3A_903 = arith.mulf %get3A_902, %get3A_166 : vector<16xf32>
        %add3A_904 = arith.addf %add3A_876, %mul3A_903 : vector<16xf32>
        %get3A_905 = arith.constant 20 : i32
        %get3A_906 = arith.index_cast %get3A_905 : i32 to index
        %get3A_907 = arith.index_cast %mul3A_755 : i32 to index
        %get3A_908 = tpu.vector_load %arg8[%get3A_906, %get3A_907] {strides = array<i32>} : memref<64x512xf32, #tpu.memory_space<vmem>>, vector<1x16xf32>,
        %get3A_909 = vector.shape_cast %get3A_908 : vector<1x16xf32> to vector<16xf32>
        %mul3A_910 = arith.mulf %get3A_909, %get3A_171 : vector<16xf32>
        %add3A_911 = arith.addf %add3A_883, %mul3A_910 : vector<16xf32>
        %get3A_912 = arith.constant 21 : i32
        %get3A_913 = arith.index_cast %get3A_912 : i32 to index
        %get3A_914 = arith.index_cast %mul3A_755 : i32 to index
        %get3A_915 = tpu.vector_load %arg8[%get3A_913, %get3A_914] {strides = array<i32>} : memref<64x512xf32, #tpu.memory_space<vmem>>, vector<1x16xf32>,
        %get3A_916 = vector.shape_cast %get3A_915 : vector<1x16xf32> to vector<16xf32>
        %mul3A_917 = arith.mulf %get3A_916, %get3A_176 : vector<16xf32>
        %add3A_918 = arith.addf %add3A_890, %mul3A_917 : vector<16xf32>
        %get3A_919 = arith.constant 22 : i32
        %get3A_920 = arith.index_cast %get3A_919 : i32 to index
        %get3A_921 = arith.index_cast %mul3A_755 : i32 to index
        %get3A_922 = tpu.vector_load %arg8[%get3A_920, %get3A_921] {strides = array<i32>} : memref<64x512xf32, #tpu.memory_space<vmem>>, vector<1x16xf32>,
        %get3A_923 = vector.shape_cast %get3A_922 : vector<1x16xf32> to vector<16xf32>
        %mul3A_924 = arith.mulf %get3A_923, %get3A_181 : vector<16xf32>
        %add3A_925 = arith.addf %add3A_897, %mul3A_924 : vector<16xf32>
        %get3A_926 = arith.constant 23 : i32
        %get3A_927 = arith.index_cast %get3A_926 : i32 to index
        %get3A_928 = arith.index_cast %mul3A_755 : i32 to index
        %get3A_929 = tpu.vector_load %arg8[%get3A_927, %get3A_928] {strides = array<i32>} : memref<64x512xf32, #tpu.memory_space<vmem>>, vector<1x16xf32>,
        %get3A_930 = vector.shape_cast %get3A_929 : vector<1x16xf32> to vector<16xf32>
        %mul3A_931 = arith.mulf %get3A_930, %get3A_186 : vector<16xf32>
        %add3A_932 = arith.addf %add3A_904, %mul3A_931 : vector<16xf32>
        %get3A_933 = arith.constant 24 : i32
        %get3A_934 = arith.index_cast %get3A_933 : i32 to index
        %get3A_935 = arith.index_cast %mul3A_755 : i32 to index
        %get3A_936 = tpu.vector_load %arg8[%get3A_934, %get3A_935] {strides = array<i32>} : memref<64x512xf32, #tpu.memory_space<vmem>>, vector<1x16xf32>,
        %get3A_937 = vector.shape_cast %get3A_936 : vector<1x16xf32> to vector<16xf32>
        %mul3A_938 = arith.mulf %get3A_937, %get3A_191 : vector<16xf32>
        %add3A_939 = arith.addf %add3A_911, %mul3A_938 : vector<16xf32>
        %get3A_940 = arith.constant 25 : i32
        %get3A_941 = arith.index_cast %get3A_940 : i32 to index
        %get3A_942 = arith.index_cast %mul3A_755 : i32 to index
        %get3A_943 = tpu.vector_load %arg8[%get3A_941, %get3A_942] {strides = array<i32>} : memref<64x512xf32, #tpu.memory_space<vmem>>, vector<1x16xf32>,
        %get3A_944 = vector.shape_cast %get3A_943 : vector<1x16xf32> to vector<16xf32>
        %mul3A_945 = arith.mulf %get3A_944, %get3A_196 : vector<16xf32>
        %add3A_946 = arith.addf %add3A_918, %mul3A_945 : vector<16xf32>
        %get3A_947 = arith.constant 26 : i32
        %get3A_948 = arith.index_cast %get3A_947 : i32 to index
        %get3A_949 = arith.index_cast %mul3A_755 : i32 to index
        %get3A_950 = tpu.vector_load %arg8[%get3A_948, %get3A_949] {strides = array<i32>} : memref<64x512xf32, #tpu.memory_space<vmem>>, vector<1x16xf32>,
        %get3A_951 = vector.shape_cast %get3A_950 : vector<1x16xf32> to vector<16xf32>
        %mul3A_952 = arith.mulf %get3A_951, %get3A_201 : vector<16xf32>
        %add3A_953 = arith.addf %add3A_925, %mul3A_952 : vector<16xf32>
        %get3A_954 = arith.constant 27 : i32
        %get3A_955 = arith.index_cast %get3A_954 : i32 to index
        %get3A_956 = arith.index_cast %mul3A_755 : i32 to index
        %get3A_957 = tpu.vector_load %arg8[%get3A_955, %get3A_956] {strides = array<i32>} : memref<64x512xf32, #tpu.memory_space<vmem>>, vector<1x16xf32>,
        %get3A_958 = vector.shape_cast %get3A_957 : vector<1x16xf32> to vector<16xf32>
        %mul3A_959 = arith.mulf %get3A_958, %get3A_206 : vector<16xf32>
        %add3A_960 = arith.addf %add3A_932, %mul3A_959 : vector<16xf32>
        %get3A_961 = arith.constant 28 : i32
        %get3A_962 = arith.index_cast %get3A_961 : i32 to index
        %get3A_963 = arith.index_cast %mul3A_755 : i32 to index
        %get3A_964 = tpu.vector_load %arg8[%get3A_962, %get3A_963] {strides = array<i32>} : memref<64x512xf32, #tpu.memory_space<vmem>>, vector<1x16xf32>,
        %get3A_965 = vector.shape_cast %get3A_964 : vector<1x16xf32> to vector<16xf32>
        %mul3A_966 = arith.mulf %get3A_965, %get3A_211 : vector<16xf32>
        %add3A_967 = arith.addf %add3A_939, %mul3A_966 : vector<16xf32>
        %get3A_968 = arith.constant 29 : i32
        %get3A_969 = arith.index_cast %get3A_968 : i32 to index
        %get3A_970 = arith.index_cast %mul3A_755 : i32 to index
        %get3A_971 = tpu.vector_load %arg8[%get3A_969, %get3A_970] {strides = array<i32>} : memref<64x512xf32, #tpu.memory_space<vmem>>, vector<1x16xf32>,
        %get3A_972 = vector.shape_cast %get3A_971 : vector<1x16xf32> to vector<16xf32>
        %mul3A_973 = arith.mulf %get3A_972, %get3A_216 : vector<16xf32>
        %add3A_974 = arith.addf %add3A_946, %mul3A_973 : vector<16xf32>
        %get3A_975 = arith.constant 30 : i32
        %get3A_976 = arith.index_cast %get3A_975 : i32 to index
        %get3A_977 = arith.index_cast %mul3A_755 : i32 to index
        %get3A_978 = tpu.vector_load %arg8[%get3A_976, %get3A_977] {strides = array<i32>} : memref<64x512xf32, #tpu.memory_space<vmem>>, vector<1x16xf32>,
        %get3A_979 = vector.shape_cast %get3A_978 : vector<1x16xf32> to vector<16xf32>
        %mul3A_980 = arith.mulf %get3A_979, %get3A_221 : vector<16xf32>
        %add3A_981 = arith.addf %add3A_953, %mul3A_980 : vector<16xf32>
        %get3A_982 = arith.constant 31 : i32
        %get3A_983 = arith.index_cast %get3A_982 : i32 to index
        %get3A_984 = arith.index_cast %mul3A_755 : i32 to index
        %get3A_985 = tpu.vector_load %arg8[%get3A_983, %get3A_984] {strides = array<i32>} : memref<64x512xf32, #tpu.memory_space<vmem>>, vector<1x16xf32>,
        %get3A_986 = vector.shape_cast %get3A_985 : vector<1x16xf32> to vector<16xf32>
        %mul3A_987 = arith.mulf %get3A_986, %get3A_226 : vector<16xf32>
        %add3A_988 = arith.addf %add3A_960, %mul3A_987 : vector<16xf32>
        %add3A_989 = arith.addf %add3A_967, %add3A_974 : vector<16xf32>
        %add3A_990 = arith.addf %add3A_981, %add3A_988 : vector<16xf32>
        %add3A_991 = arith.addf %add3A_989, %add3A_990 : vector<16xf32>
        %swap3A_992 = arith.index_cast %add3A_753 : i32 to index
        %swap3A_993 = tpu.vector_load %arg10[%swap3A_992] {strides = array<i32>} : memref<12288xf32, #tpu.memory_space<vmem>>, vector<16xf32>,
        %swap3A_994 = vector.shape_cast %swap3A_993 : vector<16xf32> to vector<16xf32>
        %swap3A_995 = vector.shape_cast %add3A_991 : vector<16xf32> to vector<16xf32>
        tpu.vector_store %arg10[%swap3A_992], %swap3A_995 {strides = array<i32>} : memref<12288xf32, #tpu.memory_space<vmem>>, vector<16xf32>,
      }
      %scan3A_232 = arith.constant 32 : i32
      %get3A_233 = arith.constant 32 : i32
      %get3A_234 = arith.index_cast %get3A_233 : i32 to index
      %get3A_235 = arith.constant 0 : index
      %get3A_236 = tpu.vector_load %arg12[%get3A_234, %get3A_235] {strides = array<i32>} : memref<64x16xf32, #tpu.memory_space<vmem>>, vector<1x16xf32>,
      %get3A_237 = vector.shape_cast %get3A_236 : vector<1x16xf32> to vector<16xf32>
      %get3A_238 = arith.constant 33 : i32
      %get3A_239 = arith.index_cast %get3A_238 : i32 to index
      %get3A_240 = arith.constant 0 : index
      %get3A_241 = tpu.vector_load %arg12[%get3A_239, %get3A_240] {strides = array<i32>} : memref<64x16xf32, #tpu.memory_space<vmem>>, vector<1x16xf32>,
      %get3A_242 = vector.shape_cast %get3A_241 : vector<1x16xf32> to vector<16xf32>
      %get3A_243 = arith.constant 34 : i32
      %get3A_244 = arith.index_cast %get3A_243 : i32 to index
      %get3A_245 = arith.constant 0 : index
      %get3A_246 = tpu.vector_load %arg12[%get3A_244, %get3A_245] {strides = array<i32>} : memref<64x16xf32, #tpu.memory_space<vmem>>, vector<1x16xf32>,
      %get3A_247 = vector.shape_cast %get3A_246 : vector<1x16xf32> to vector<16xf32>
      %get3A_248 = arith.constant 35 : i32
      %get3A_249 = arith.index_cast %get3A_248 : i32 to index
      %get3A_250 = arith.constant 0 : index
      %get3A_251 = tpu.vector_load %arg12[%get3A_249, %get3A_250] {strides = array<i32>} : memref<64x16xf32, #tpu.memory_space<vmem>>, vector<1x16xf32>,
      %get3A_252 = vector.shape_cast %get3A_251 : vector<1x16xf32> to vector<16xf32>
      %get3A_253 = arith.constant 36 : i32
      %get3A_254 = arith.index_cast %get3A_253 : i32 to index
      %get3A_255 = arith.constant 0 : index
      %get3A_256 = tpu.vector_load %arg12[%get3A_254, %get3A_255] {strides = array<i32>} : memref<64x16xf32, #tpu.memory_space<vmem>>, vector<1x16xf32>,
      %get3A_257 = vector.shape_cast %get3A_256 : vector<1x16xf32> to vector<16xf32>
      %get3A_258 = arith.constant 37 : i32
      %get3A_259 = arith.index_cast %get3A_258 : i32 to index
      %get3A_260 = arith.constant 0 : index
      %get3A_261 = tpu.vector_load %arg12[%get3A_259, %get3A_260] {strides = array<i32>} : memref<64x16xf32, #tpu.memory_space<vmem>>, vector<1x16xf32>,
      %get3A_262 = vector.shape_cast %get3A_261 : vector<1x16xf32> to vector<16xf32>
      %get3A_263 = arith.constant 38 : i32
      %get3A_264 = arith.index_cast %get3A_263 : i32 to index
      %get3A_265 = arith.constant 0 : index
      %get3A_266 = tpu.vector_load %arg12[%get3A_264, %get3A_265] {strides = array<i32>} : memref<64x16xf32, #tpu.memory_space<vmem>>, vector<1x16xf32>,
      %get3A_267 = vector.shape_cast %get3A_266 : vector<1x16xf32> to vector<16xf32>
      %get3A_268 = arith.constant 39 : i32
      %get3A_269 = arith.index_cast %get3A_268 : i32 to index
      %get3A_270 = arith.constant 0 : index
      %get3A_271 = tpu.vector_load %arg12[%get3A_269, %get3A_270] {strides = array<i32>} : memref<64x16xf32, #tpu.memory_space<vmem>>, vector<1x16xf32>,
      %get3A_272 = vector.shape_cast %get3A_271 : vector<1x16xf32> to vector<16xf32>
      %get3A_273 = arith.constant 40 : i32
      %get3A_274 = arith.index_cast %get3A_273 : i32 to index
      %get3A_275 = arith.constant 0 : index
      %get3A_276 = tpu.vector_load %arg12[%get3A_274, %get3A_275] {strides = array<i32>} : memref<64x16xf32, #tpu.memory_space<vmem>>, vector<1x16xf32>,
      %get3A_277 = vector.shape_cast %get3A_276 : vector<1x16xf32> to vector<16xf32>
      %get3A_278 = arith.constant 41 : i32
      %get3A_279 = arith.index_cast %get3A_278 : i32 to index
      %get3A_280 = arith.constant 0 : index
      %get3A_281 = tpu.vector_load %arg12[%get3A_279, %get3A_280] {strides = array<i32>} : memref<64x16xf32, #tpu.memory_space<vmem>>, vector<1x16xf32>,
      %get3A_282 = vector.shape_cast %get3A_281 : vector<1x16xf32> to vector<16xf32>
      %get3A_283 = arith.constant 42 : i32
      %get3A_284 = arith.index_cast %get3A_283 : i32 to index
      %get3A_285 = arith.constant 0 : index
      %get3A_286 = tpu.vector_load %arg12[%get3A_284, %get3A_285] {strides = array<i32>} : memref<64x16xf32, #tpu.memory_space<vmem>>, vector<1x16xf32>,
      %get3A_287 = vector.shape_cast %get3A_286 : vector<1x16xf32> to vector<16xf32>
      %get3A_288 = arith.constant 43 : i32
      %get3A_289 = arith.index_cast %get3A_288 : i32 to index
      %get3A_290 = arith.constant 0 : index
      %get3A_291 = tpu.vector_load %arg12[%get3A_289, %get3A_290] {strides = array<i32>} : memref<64x16xf32, #tpu.memory_space<vmem>>, vector<1x16xf32>,
      %get3A_292 = vector.shape_cast %get3A_291 : vector<1x16xf32> to vector<16xf32>
      %get3A_293 = arith.constant 44 : i32
      %get3A_294 = arith.index_cast %get3A_293 : i32 to index
      %get3A_295 = arith.constant 0 : index
      %get3A_296 = tpu.vector_load %arg12[%get3A_294, %get3A_295] {strides = array<i32>} : memref<64x16xf32, #tpu.memory_space<vmem>>, vector<1x16xf32>,
      %get3A_297 = vector.shape_cast %get3A_296 : vector<1x16xf32> to vector<16xf32>
      %get3A_298 = arith.constant 45 : i32
      %get3A_299 = arith.index_cast %get3A_298 : i32 to index
      %get3A_300 = arith.constant 0 : index
      %get3A_301 = tpu.vector_load %arg12[%get3A_299, %get3A_300] {strides = array<i32>} : memref<64x16xf32, #tpu.memory_space<vmem>>, vector<1x16xf32>,
      %get3A_302 = vector.shape_cast %get3A_301 : vector<1x16xf32> to vector<16xf32>
      %get3A_303 = arith.constant 46 : i32
      %get3A_304 = arith.index_cast %get3A_303 : i32 to index
      %get3A_305 = arith.constant 0 : index
      %get3A_306 = tpu.vector_load %arg12[%get3A_304, %get3A_305] {strides = array<i32>} : memref<64x16xf32, #tpu.memory_space<vmem>>, vector<1x16xf32>,
      %get3A_307 = vector.shape_cast %get3A_306 : vector<1x16xf32> to vector<16xf32>
      %get3A_308 = arith.constant 47 : i32
      %get3A_309 = arith.index_cast %get3A_308 : i32 to index
      %get3A_310 = arith.constant 0 : index
      %get3A_311 = tpu.vector_load %arg12[%get3A_309, %get3A_310] {strides = array<i32>} : memref<64x16xf32, #tpu.memory_space<vmem>>, vector<1x16xf32>,
      %get3A_312 = vector.shape_cast %get3A_311 : vector<1x16xf32> to vector<16xf32>
      %get3A_313 = arith.constant 48 : i32
      %get3A_314 = arith.index_cast %get3A_313 : i32 to index
      %get3A_315 = arith.constant 0 : index
      %get3A_316 = tpu.vector_load %arg12[%get3A_314, %get3A_315] {strides = array<i32>} : memref<64x16xf32, #tpu.memory_space<vmem>>, vector<1x16xf32>,
      %get3A_317 = vector.shape_cast %get3A_316 : vector<1x16xf32> to vector<16xf32>
      %get3A_318 = arith.constant 49 : i32
      %get3A_319 = arith.index_cast %get3A_318 : i32 to index
      %get3A_320 = arith.constant 0 : index
      %get3A_321 = tpu.vector_load %arg12[%get3A_319, %get3A_320] {strides = array<i32>} : memref<64x16xf32, #tpu.memory_space<vmem>>, vector<1x16xf32>,
      %get3A_322 = vector.shape_cast %get3A_321 : vector<1x16xf32> to vector<16xf32>
      %get3A_323 = arith.constant 50 : i32
      %get3A_324 = arith.index_cast %get3A_323 : i32 to index
      %get3A_325 = arith.constant 0 : index
      %get3A_326 = tpu.vector_load %arg12[%get3A_324, %get3A_325] {strides = array<i32>} : memref<64x16xf32, #tpu.memory_space<vmem>>, vector<1x16xf32>,
      %get3A_327 = vector.shape_cast %get3A_326 : vector<1x16xf32> to vector<16xf32>
      %get3A_328 = arith.constant 51 : i32
      %get3A_329 = arith.index_cast %get3A_328 : i32 to index
      %get3A_330 = arith.constant 0 : index
      %get3A_331 = tpu.vector_load %arg12[%get3A_329, %get3A_330] {strides = array<i32>} : memref<64x16xf32, #tpu.memory_space<vmem>>, vector<1x16xf32>,
      %get3A_332 = vector.shape_cast %get3A_331 : vector<1x16xf32> to vector<16xf32>
      %get3A_333 = arith.constant 52 : i32
      %get3A_334 = arith.index_cast %get3A_333 : i32 to index
      %get3A_335 = arith.constant 0 : index
      %get3A_336 = tpu.vector_load %arg12[%get3A_334, %get3A_335] {strides = array<i32>} : memref<64x16xf32, #tpu.memory_space<vmem>>, vector<1x16xf32>,
      %get3A_337 = vector.shape_cast %get3A_336 : vector<1x16xf32> to vector<16xf32>
      %get3A_338 = arith.constant 53 : i32
      %get3A_339 = arith.index_cast %get3A_338 : i32 to index
      %get3A_340 = arith.constant 0 : index
      %get3A_341 = tpu.vector_load %arg12[%get3A_339, %get3A_340] {strides = array<i32>} : memref<64x16xf32, #tpu.memory_space<vmem>>, vector<1x16xf32>,
      %get3A_342 = vector.shape_cast %get3A_341 : vector<1x16xf32> to vector<16xf32>
      %get3A_343 = arith.constant 54 : i32
      %get3A_344 = arith.index_cast %get3A_343 : i32 to index
      %get3A_345 = arith.constant 0 : index
      %get3A_346 = tpu.vector_load %arg12[%get3A_344, %get3A_345] {strides = array<i32>} : memref<64x16xf32, #tpu.memory_space<vmem>>, vector<1x16xf32>,
      %get3A_347 = vector.shape_cast %get3A_346 : vector<1x16xf32> to vector<16xf32>
      %get3A_348 = arith.constant 55 : i32
      %get3A_349 = arith.index_cast %get3A_348 : i32 to index
      %get3A_350 = arith.constant 0 : index
      %get3A_351 = tpu.vector_load %arg12[%get3A_349, %get3A_350] {strides = array<i32>} : memref<64x16xf32, #tpu.memory_space<vmem>>, vector<1x16xf32>,
      %get3A_352 = vector.shape_cast %get3A_351 : vector<1x16xf32> to vector<16xf32>
      %get3A_353 = arith.constant 56 : i32
      %get3A_354 = arith.index_cast %get3A_353 : i32 to index
      %get3A_355 = arith.constant 0 : index
      %get3A_356 = tpu.vector_load %arg12[%get3A_354, %get3A_355] {strides = array<i32>} : memref<64x16xf32, #tpu.memory_space<vmem>>, vector<1x16xf32>,
      %get3A_357 = vector.shape_cast %get3A_356 : vector<1x16xf32> to vector<16xf32>
      %get3A_358 = arith.constant 57 : i32
      %get3A_359 = arith.index_cast %get3A_358 : i32 to index
      %get3A_360 = arith.constant 0 : index
      %get3A_361 = tpu.vector_load %arg12[%get3A_359, %get3A_360] {strides = array<i32>} : memref<64x16xf32, #tpu.memory_space<vmem>>, vector<1x16xf32>,
      %get3A_362 = vector.shape_cast %get3A_361 : vector<1x16xf32> to vector<16xf32>
      %get3A_363 = arith.constant 58 : i32
      %get3A_364 = arith.index_cast %get3A_363 : i32 to index
      %get3A_365 = arith.constant 0 : index
      %get3A_366 = tpu.vector_load %arg12[%get3A_364, %get3A_365] {strides = array<i32>} : memref<64x16xf32, #tpu.memory_space<vmem>>, vector<1x16xf32>,
      %get3A_367 = vector.shape_cast %get3A_366 : vector<1x16xf32> to vector<16xf32>
      %get3A_368 = arith.constant 59 : i32
      %get3A_369 = arith.index_cast %get3A_368 : i32 to index
      %get3A_370 = arith.constant 0 : index
      %get3A_371 = tpu.vector_load %arg12[%get3A_369, %get3A_370] {strides = array<i32>} : memref<64x16xf32, #tpu.memory_space<vmem>>, vector<1x16xf32>,
      %get3A_372 = vector.shape_cast %get3A_371 : vector<1x16xf32> to vector<16xf32>
      %get3A_373 = arith.constant 60 : i32
      %get3A_374 = arith.index_cast %get3A_373 : i32 to index
      %get3A_375 = arith.constant 0 : index
      %get3A_376 = tpu.vector_load %arg12[%get3A_374, %get3A_375] {strides = array<i32>} : memref<64x16xf32, #tpu.memory_space<vmem>>, vector<1x16xf32>,
      %get3A_377 = vector.shape_cast %get3A_376 : vector<1x16xf32> to vector<16xf32>
      %get3A_378 = arith.constant 61 : i32
      %get3A_379 = arith.index_cast %get3A_378 : i32 to index
      %get3A_380 = arith.constant 0 : index
      %get3A_381 = tpu.vector_load %arg12[%get3A_379, %get3A_380] {strides = array<i32>} : memref<64x16xf32, #tpu.memory_space<vmem>>, vector<1x16xf32>,
      %get3A_382 = vector.shape_cast %get3A_381 : vector<1x16xf32> to vector<16xf32>
      %get3A_383 = arith.constant 62 : i32
      %get3A_384 = arith.index_cast %get3A_383 : i32 to index
      %get3A_385 = arith.constant 0 : index
      %get3A_386 = tpu.vector_load %arg12[%get3A_384, %get3A_385] {strides = array<i32>} : memref<64x16xf32, #tpu.memory_space<vmem>>, vector<1x16xf32>,
      %get3A_387 = vector.shape_cast %get3A_386 : vector<1x16xf32> to vector<16xf32>
      %get3A_388 = arith.constant 63 : i32
      %get3A_389 = arith.index_cast %get3A_388 : i32 to index
      %get3A_390 = arith.constant 0 : index
      %get3A_391 = tpu.vector_load %arg12[%get3A_389, %get3A_390] {strides = array<i32>} : memref<64x16xf32, #tpu.memory_space<vmem>>, vector<1x16xf32>,
      %get3A_392 = vector.shape_cast %get3A_391 : vector<1x16xf32> to vector<16xf32>
      %scan3A_393 = arith.constant 0 : i32
      %scan3A_394 = arith.constant 0 : i32
      %scan3A_395 = arith.constant 32 : i32
      %scan3A_396 = arith.addi %scan3A_394, %scan3A_395 : i32
      %scan3A_397 = arith.constant 1 : i32
      scf.for %scan3A_750 = %scan3A_394 to %scan3A_396 step %scan3A_397  : i32 {
        %mul3A_751 = arith.constant 16 : i32
        %mul3A_752 = arith.muli %scan3A_750, %mul3A_751 : i32
        %add3A_753 = arith.addi %mul3A_66, %mul3A_752 : i32
        %mul3A_754 = arith.constant 16 : i32
        %mul3A_755 = arith.muli %scan3A_750, %mul3A_754 : i32
        %get3A_756 = arith.index_cast %add3A_753 : i32 to index
        %get3A_757 = tpu.vector_load %arg10[%get3A_756] {strides = array<i32>} : memref<12288xf32, #tpu.memory_space<vmem>>, vector<16xf32>,
        %get3A_758 = vector.shape_cast %get3A_757 : vector<16xf32> to vector<16xf32>
        %broadcast_in_dim3A_759 = arith.constant 0.000000e+00 : f32
        %broadcast_in_dim3A_760 = vector.broadcast %broadcast_in_dim3A_759 : f32 to vector<16xf32>
        %broadcast_in_dim3A_761 = arith.constant 0.000000e+00 : f32
        %broadcast_in_dim3A_762 = vector.broadcast %broadcast_in_dim3A_761 : f32 to vector<16xf32>
        %broadcast_in_dim3A_763 = arith.constant 0.000000e+00 : f32
        %broadcast_in_dim3A_764 = vector.broadcast %broadcast_in_dim3A_763 : f32 to vector<16xf32>
        %get3A_765 = arith.constant 32 : i32
        %get3A_766 = arith.index_cast %get3A_765 : i32 to index
        %get3A_767 = arith.index_cast %mul3A_755 : i32 to index
        %get3A_768 = tpu.vector_load %arg8[%get3A_766, %get3A_767] {strides = array<i32>} : memref<64x512xf32, #tpu.memory_space<vmem>>, vector<1x16xf32>,
        %get3A_769 = vector.shape_cast %get3A_768 : vector<1x16xf32> to vector<16xf32>
        %mul3A_770 = arith.mulf %get3A_769, %get3A_237 : vector<16xf32>
        %add3A_771 = arith.addf %get3A_758, %mul3A_770 : vector<16xf32>
        %get3A_772 = arith.constant 33 : i32
        %get3A_773 = arith.index_cast %get3A_772 : i32 to index
        %get3A_774 = arith.index_cast %mul3A_755 : i32 to index
        %get3A_775 = tpu.vector_load %arg8[%get3A_773, %get3A_774] {strides = array<i32>} : memref<64x512xf32, #tpu.memory_space<vmem>>, vector<1x16xf32>,
        %get3A_776 = vector.shape_cast %get3A_775 : vector<1x16xf32> to vector<16xf32>
        %mul3A_777 = arith.mulf %get3A_776, %get3A_242 : vector<16xf32>
        %add3A_778 = arith.addf %broadcast_in_dim3A_760, %mul3A_777 : vector<16xf32>
        %get3A_779 = arith.constant 34 : i32
        %get3A_780 = arith.index_cast %get3A_779 : i32 to index
        %get3A_781 = arith.index_cast %mul3A_755 : i32 to index
        %get3A_782 = tpu.vector_load %arg8[%get3A_780, %get3A_781] {strides = array<i32>} : memref<64x512xf32, #tpu.memory_space<vmem>>, vector<1x16xf32>,
        %get3A_783 = vector.shape_cast %get3A_782 : vector<1x16xf32> to vector<16xf32>
        %mul3A_784 = arith.mulf %get3A_783, %get3A_247 : vector<16xf32>
        %add3A_785 = arith.addf %broadcast_in_dim3A_762, %mul3A_784 : vector<16xf32>
        %get3A_786 = arith.constant 35 : i32
        %get3A_787 = arith.index_cast %get3A_786 : i32 to index
        %get3A_788 = arith.index_cast %mul3A_755 : i32 to index
        %get3A_789 = tpu.vector_load %arg8[%get3A_787, %get3A_788] {strides = array<i32>} : memref<64x512xf32, #tpu.memory_space<vmem>>, vector<1x16xf32>,
        %get3A_790 = vector.shape_cast %get3A_789 : vector<1x16xf32> to vector<16xf32>
        %mul3A_791 = arith.mulf %get3A_790, %get3A_252 : vector<16xf32>
        %add3A_792 = arith.addf %broadcast_in_dim3A_764, %mul3A_791 : vector<16xf32>
        %get3A_793 = arith.constant 36 : i32
        %get3A_794 = arith.index_cast %get3A_793 : i32 to index
        %get3A_795 = arith.index_cast %mul3A_755 : i32 to index
        %get3A_796 = tpu.vector_load %arg8[%get3A_794, %get3A_795] {strides = array<i32>} : memref<64x512xf32, #tpu.memory_space<vmem>>, vector<1x16xf32>,
        %get3A_797 = vector.shape_cast %get3A_796 : vector<1x16xf32> to vector<16xf32>
        %mul3A_798 = arith.mulf %get3A_797, %get3A_257 : vector<16xf32>
        %add3A_799 = arith.addf %add3A_771, %mul3A_798 : vector<16xf32>
        %get3A_800 = arith.constant 37 : i32
        %get3A_801 = arith.index_cast %get3A_800 : i32 to index
        %get3A_802 = arith.index_cast %mul3A_755 : i32 to index
        %get3A_803 = tpu.vector_load %arg8[%get3A_801, %get3A_802] {strides = array<i32>} : memref<64x512xf32, #tpu.memory_space<vmem>>, vector<1x16xf32>,
        %get3A_804 = vector.shape_cast %get3A_803 : vector<1x16xf32> to vector<16xf32>
        %mul3A_805 = arith.mulf %get3A_804, %get3A_262 : vector<16xf32>
        %add3A_806 = arith.addf %add3A_778, %mul3A_805 : vector<16xf32>
        %get3A_807 = arith.constant 38 : i32
        %get3A_808 = arith.index_cast %get3A_807 : i32 to index
        %get3A_809 = arith.index_cast %mul3A_755 : i32 to index
        %get3A_810 = tpu.vector_load %arg8[%get3A_808, %get3A_809] {strides = array<i32>} : memref<64x512xf32, #tpu.memory_space<vmem>>, vector<1x16xf32>,
        %get3A_811 = vector.shape_cast %get3A_810 : vector<1x16xf32> to vector<16xf32>
        %mul3A_812 = arith.mulf %get3A_811, %get3A_267 : vector<16xf32>
        %add3A_813 = arith.addf %add3A_785, %mul3A_812 : vector<16xf32>
        %get3A_814 = arith.constant 39 : i32
        %get3A_815 = arith.index_cast %get3A_814 : i32 to index
        %get3A_816 = arith.index_cast %mul3A_755 : i32 to index
        %get3A_817 = tpu.vector_load %arg8[%get3A_815, %get3A_816] {strides = array<i32>} : memref<64x512xf32, #tpu.memory_space<vmem>>, vector<1x16xf32>,
        %get3A_818 = vector.shape_cast %get3A_817 : vector<1x16xf32> to vector<16xf32>
        %mul3A_819 = arith.mulf %get3A_818, %get3A_272 : vector<16xf32>
        %add3A_820 = arith.addf %add3A_792, %mul3A_819 : vector<16xf32>
        %get3A_821 = arith.constant 40 : i32
        %get3A_822 = arith.index_cast %get3A_821 : i32 to index
        %get3A_823 = arith.index_cast %mul3A_755 : i32 to index
        %get3A_824 = tpu.vector_load %arg8[%get3A_822, %get3A_823] {strides = array<i32>} : memref<64x512xf32, #tpu.memory_space<vmem>>, vector<1x16xf32>,
        %get3A_825 = vector.shape_cast %get3A_824 : vector<1x16xf32> to vector<16xf32>
        %mul3A_826 = arith.mulf %get3A_825, %get3A_277 : vector<16xf32>
        %add3A_827 = arith.addf %add3A_799, %mul3A_826 : vector<16xf32>
        %get3A_828 = arith.constant 41 : i32
        %get3A_829 = arith.index_cast %get3A_828 : i32 to index
        %get3A_830 = arith.index_cast %mul3A_755 : i32 to index
        %get3A_831 = tpu.vector_load %arg8[%get3A_829, %get3A_830] {strides = array<i32>} : memref<64x512xf32, #tpu.memory_space<vmem>>, vector<1x16xf32>,
        %get3A_832 = vector.shape_cast %get3A_831 : vector<1x16xf32> to vector<16xf32>
        %mul3A_833 = arith.mulf %get3A_832, %get3A_282 : vector<16xf32>
        %add3A_834 = arith.addf %add3A_806, %mul3A_833 : vector<16xf32>
        %get3A_835 = arith.constant 42 : i32
        %get3A_836 = arith.index_cast %get3A_835 : i32 to index
        %get3A_837 = arith.index_cast %mul3A_755 : i32 to index
        %get3A_838 = tpu.vector_load %arg8[%get3A_836, %get3A_837] {strides = array<i32>} : memref<64x512xf32, #tpu.memory_space<vmem>>, vector<1x16xf32>,
        %get3A_839 = vector.shape_cast %get3A_838 : vector<1x16xf32> to vector<16xf32>
        %mul3A_840 = arith.mulf %get3A_839, %get3A_287 : vector<16xf32>
        %add3A_841 = arith.addf %add3A_813, %mul3A_840 : vector<16xf32>
        %get3A_842 = arith.constant 43 : i32
        %get3A_843 = arith.index_cast %get3A_842 : i32 to index
        %get3A_844 = arith.index_cast %mul3A_755 : i32 to index
        %get3A_845 = tpu.vector_load %arg8[%get3A_843, %get3A_844] {strides = array<i32>} : memref<64x512xf32, #tpu.memory_space<vmem>>, vector<1x16xf32>,
        %get3A_846 = vector.shape_cast %get3A_845 : vector<1x16xf32> to vector<16xf32>
        %mul3A_847 = arith.mulf %get3A_846, %get3A_292 : vector<16xf32>
        %add3A_848 = arith.addf %add3A_820, %mul3A_847 : vector<16xf32>
        %get3A_849 = arith.constant 44 : i32
        %get3A_850 = arith.index_cast %get3A_849 : i32 to index
        %get3A_851 = arith.index_cast %mul3A_755 : i32 to index
        %get3A_852 = tpu.vector_load %arg8[%get3A_850, %get3A_851] {strides = array<i32>} : memref<64x512xf32, #tpu.memory_space<vmem>>, vector<1x16xf32>,
        %get3A_853 = vector.shape_cast %get3A_852 : vector<1x16xf32> to vector<16xf32>
        %mul3A_854 = arith.mulf %get3A_853, %get3A_297 : vector<16xf32>
        %add3A_855 = arith.addf %add3A_827, %mul3A_854 : vector<16xf32>
        %get3A_856 = arith.constant 45 : i32
        %get3A_857 = arith.index_cast %get3A_856 : i32 to index
        %get3A_858 = arith.index_cast %mul3A_755 : i32 to index
        %get3A_859 = tpu.vector_load %arg8[%get3A_857, %get3A_858] {strides = array<i32>} : memref<64x512xf32, #tpu.memory_space<vmem>>, vector<1x16xf32>,
        %get3A_860 = vector.shape_cast %get3A_859 : vector<1x16xf32> to vector<16xf32>
        %mul3A_861 = arith.mulf %get3A_860, %get3A_302 : vector<16xf32>
        %add3A_862 = arith.addf %add3A_834, %mul3A_861 : vector<16xf32>
        %get3A_863 = arith.constant 46 : i32
        %get3A_864 = arith.index_cast %get3A_863 : i32 to index
        %get3A_865 = arith.index_cast %mul3A_755 : i32 to index
        %get3A_866 = tpu.vector_load %arg8[%get3A_864, %get3A_865] {strides = array<i32>} : memref<64x512xf32, #tpu.memory_space<vmem>>, vector<1x16xf32>,
        %get3A_867 = vector.shape_cast %get3A_866 : vector<1x16xf32> to vector<16xf32>
        %mul3A_868 = arith.mulf %get3A_867, %get3A_307 : vector<16xf32>
        %add3A_869 = arith.addf %add3A_841, %mul3A_868 : vector<16xf32>
        %get3A_870 = arith.constant 47 : i32
        %get3A_871 = arith.index_cast %get3A_870 : i32 to index
        %get3A_872 = arith.index_cast %mul3A_755 : i32 to index
        %get3A_873 = tpu.vector_load %arg8[%get3A_871, %get3A_872] {strides = array<i32>} : memref<64x512xf32, #tpu.memory_space<vmem>>, vector<1x16xf32>,
        %get3A_874 = vector.shape_cast %get3A_873 : vector<1x16xf32> to vector<16xf32>
        %mul3A_875 = arith.mulf %get3A_874, %get3A_312 : vector<16xf32>
        %add3A_876 = arith.addf %add3A_848, %mul3A_875 : vector<16xf32>
        %get3A_877 = arith.constant 48 : i32
        %get3A_878 = arith.index_cast %get3A_877 : i32 to index
        %get3A_879 = arith.index_cast %mul3A_755 : i32 to index
        %get3A_880 = tpu.vector_load %arg8[%get3A_878, %get3A_879] {strides = array<i32>} : memref<64x512xf32, #tpu.memory_space<vmem>>, vector<1x16xf32>,
        %get3A_881 = vector.shape_cast %get3A_880 : vector<1x16xf32> to vector<16xf32>
        %mul3A_882 = arith.mulf %get3A_881, %get3A_317 : vector<16xf32>
        %add3A_883 = arith.addf %add3A_855, %mul3A_882 : vector<16xf32>
        %get3A_884 = arith.constant 49 : i32
        %get3A_885 = arith.index_cast %get3A_884 : i32 to index
        %get3A_886 = arith.index_cast %mul3A_755 : i32 to index
        %get3A_887 = tpu.vector_load %arg8[%get3A_885, %get3A_886] {strides = array<i32>} : memref<64x512xf32, #tpu.memory_space<vmem>>, vector<1x16xf32>,
        %get3A_888 = vector.shape_cast %get3A_887 : vector<1x16xf32> to vector<16xf32>
        %mul3A_889 = arith.mulf %get3A_888, %get3A_322 : vector<16xf32>
        %add3A_890 = arith.addf %add3A_862, %mul3A_889 : vector<16xf32>
        %get3A_891 = arith.constant 50 : i32
        %get3A_892 = arith.index_cast %get3A_891 : i32 to index
        %get3A_893 = arith.index_cast %mul3A_755 : i32 to index
        %get3A_894 = tpu.vector_load %arg8[%get3A_892, %get3A_893] {strides = array<i32>} : memref<64x512xf32, #tpu.memory_space<vmem>>, vector<1x16xf32>,
        %get3A_895 = vector.shape_cast %get3A_894 : vector<1x16xf32> to vector<16xf32>
        %mul3A_896 = arith.mulf %get3A_895, %get3A_327 : vector<16xf32>
        %add3A_897 = arith.addf %add3A_869, %mul3A_896 : vector<16xf32>
        %get3A_898 = arith.constant 51 : i32
        %get3A_899 = arith.index_cast %get3A_898 : i32 to index
        %get3A_900 = arith.index_cast %mul3A_755 : i32 to index
        %get3A_901 = tpu.vector_load %arg8[%get3A_899, %get3A_900] {strides = array<i32>} : memref<64x512xf32, #tpu.memory_space<vmem>>, vector<1x16xf32>,
        %get3A_902 = vector.shape_cast %get3A_901 : vector<1x16xf32> to vector<16xf32>
        %mul3A_903 = arith.mulf %get3A_902, %get3A_332 : vector<16xf32>
        %add3A_904 = arith.addf %add3A_876, %mul3A_903 : vector<16xf32>
        %get3A_905 = arith.constant 52 : i32
        %get3A_906 = arith.index_cast %get3A_905 : i32 to index
        %get3A_907 = arith.index_cast %mul3A_755 : i32 to index
        %get3A_908 = tpu.vector_load %arg8[%get3A_906, %get3A_907] {strides = array<i32>} : memref<64x512xf32, #tpu.memory_space<vmem>>, vector<1x16xf32>,
        %get3A_909 = vector.shape_cast %get3A_908 : vector<1x16xf32> to vector<16xf32>
        %mul3A_910 = arith.mulf %get3A_909, %get3A_337 : vector<16xf32>
        %add3A_911 = arith.addf %add3A_883, %mul3A_910 : vector<16xf32>
        %get3A_912 = arith.constant 53 : i32
        %get3A_913 = arith.index_cast %get3A_912 : i32 to index
        %get3A_914 = arith.index_cast %mul3A_755 : i32 to index
        %get3A_915 = tpu.vector_load %arg8[%get3A_913, %get3A_914] {strides = array<i32>} : memref<64x512xf32, #tpu.memory_space<vmem>>, vector<1x16xf32>,
        %get3A_916 = vector.shape_cast %get3A_915 : vector<1x16xf32> to vector<16xf32>
        %mul3A_917 = arith.mulf %get3A_916, %get3A_342 : vector<16xf32>
        %add3A_918 = arith.addf %add3A_890, %mul3A_917 : vector<16xf32>
        %get3A_919 = arith.constant 54 : i32
        %get3A_920 = arith.index_cast %get3A_919 : i32 to index
        %get3A_921 = arith.index_cast %mul3A_755 : i32 to index
        %get3A_922 = tpu.vector_load %arg8[%get3A_920, %get3A_921] {strides = array<i32>} : memref<64x512xf32, #tpu.memory_space<vmem>>, vector<1x16xf32>,
        %get3A_923 = vector.shape_cast %get3A_922 : vector<1x16xf32> to vector<16xf32>
        %mul3A_924 = arith.mulf %get3A_923, %get3A_347 : vector<16xf32>
        %add3A_925 = arith.addf %add3A_897, %mul3A_924 : vector<16xf32>
        %get3A_926 = arith.constant 55 : i32
        %get3A_927 = arith.index_cast %get3A_926 : i32 to index
        %get3A_928 = arith.index_cast %mul3A_755 : i32 to index
        %get3A_929 = tpu.vector_load %arg8[%get3A_927, %get3A_928] {strides = array<i32>} : memref<64x512xf32, #tpu.memory_space<vmem>>, vector<1x16xf32>,
        %get3A_930 = vector.shape_cast %get3A_929 : vector<1x16xf32> to vector<16xf32>
        %mul3A_931 = arith.mulf %get3A_930, %get3A_352 : vector<16xf32>
        %add3A_932 = arith.addf %add3A_904, %mul3A_931 : vector<16xf32>
        %get3A_933 = arith.constant 56 : i32
        %get3A_934 = arith.index_cast %get3A_933 : i32 to index
        %get3A_935 = arith.index_cast %mul3A_755 : i32 to index
        %get3A_936 = tpu.vector_load %arg8[%get3A_934, %get3A_935] {strides = array<i32>} : memref<64x512xf32, #tpu.memory_space<vmem>>, vector<1x16xf32>,
        %get3A_937 = vector.shape_cast %get3A_936 : vector<1x16xf32> to vector<16xf32>
        %mul3A_938 = arith.mulf %get3A_937, %get3A_357 : vector<16xf32>
        %add3A_939 = arith.addf %add3A_911, %mul3A_938 : vector<16xf32>
        %get3A_940 = arith.constant 57 : i32
        %get3A_941 = arith.index_cast %get3A_940 : i32 to index
        %get3A_942 = arith.index_cast %mul3A_755 : i32 to index
        %get3A_943 = tpu.vector_load %arg8[%get3A_941, %get3A_942] {strides = array<i32>} : memref<64x512xf32, #tpu.memory_space<vmem>>, vector<1x16xf32>,
        %get3A_944 = vector.shape_cast %get3A_943 : vector<1x16xf32> to vector<16xf32>
        %mul3A_945 = arith.mulf %get3A_944, %get3A_362 : vector<16xf32>
        %add3A_946 = arith.addf %add3A_918, %mul3A_945 : vector<16xf32>
        %get3A_947 = arith.constant 58 : i32
        %get3A_948 = arith.index_cast %get3A_947 : i32 to index
        %get3A_949 = arith.index_cast %mul3A_755 : i32 to index
        %get3A_950 = tpu.vector_load %arg8[%get3A_948, %get3A_949] {strides = array<i32>} : memref<64x512xf32, #tpu.memory_space<vmem>>, vector<1x16xf32>,
        %get3A_951 = vector.shape_cast %get3A_950 : vector<1x16xf32> to vector<16xf32>
        %mul3A_952 = arith.mulf %get3A_951, %get3A_367 : vector<16xf32>
        %add3A_953 = arith.addf %add3A_925, %mul3A_952 : vector<16xf32>
        %get3A_954 = arith.constant 59 : i32
        %get3A_955 = arith.index_cast %get3A_954 : i32 to index
        %get3A_956 = arith.index_cast %mul3A_755 : i32 to index
        %get3A_957 = tpu.vector_load %arg8[%get3A_955, %get3A_956] {strides = array<i32>} : memref<64x512xf32, #tpu.memory_space<vmem>>, vector<1x16xf32>,
        %get3A_958 = vector.shape_cast %get3A_957 : vector<1x16xf32> to vector<16xf32>
        %mul3A_959 = arith.mulf %get3A_958, %get3A_372 : vector<16xf32>
        %add3A_960 = arith.addf %add3A_932, %mul3A_959 : vector<16xf32>
        %get3A_961 = arith.constant 60 : i32
        %get3A_962 = arith.index_cast %get3A_961 : i32 to index
        %get3A_963 = arith.index_cast %mul3A_755 : i32 to index
        %get3A_964 = tpu.vector_load %arg8[%get3A_962, %get3A_963] {strides = array<i32>} : memref<64x512xf32, #tpu.memory_space<vmem>>, vector<1x16xf32>,
        %get3A_965 = vector.shape_cast %get3A_964 : vector<1x16xf32> to vector<16xf32>
        %mul3A_966 = arith.mulf %get3A_965, %get3A_377 : vector<16xf32>
        %add3A_967 = arith.addf %add3A_939, %mul3A_966 : vector<16xf32>
        %get3A_968 = arith.constant 61 : i32
        %get3A_969 = arith.index_cast %get3A_968 : i32 to index
        %get3A_970 = arith.index_cast %mul3A_755 : i32 to index
        %get3A_971 = tpu.vector_load %arg8[%get3A_969, %get3A_970] {strides = array<i32>} : memref<64x512xf32, #tpu.memory_space<vmem>>, vector<1x16xf32>,
        %get3A_972 = vector.shape_cast %get3A_971 : vector<1x16xf32> to vector<16xf32>
        %mul3A_973 = arith.mulf %get3A_972, %get3A_382 : vector<16xf32>
        %add3A_974 = arith.addf %add3A_946, %mul3A_973 : vector<16xf32>
        %get3A_975 = arith.constant 62 : i32
        %get3A_976 = arith.index_cast %get3A_975 : i32 to index
        %get3A_977 = arith.index_cast %mul3A_755 : i32 to index
        %get3A_978 = tpu.vector_load %arg8[%get3A_976, %get3A_977] {strides = array<i32>} : memref<64x512xf32, #tpu.memory_space<vmem>>, vector<1x16xf32>,
        %get3A_979 = vector.shape_cast %get3A_978 : vector<1x16xf32> to vector<16xf32>
        %mul3A_980 = arith.mulf %get3A_979, %get3A_387 : vector<16xf32>
        %add3A_981 = arith.addf %add3A_953, %mul3A_980 : vector<16xf32>
        %get3A_982 = arith.constant 63 : i32
        %get3A_983 = arith.index_cast %get3A_982 : i32 to index
        %get3A_984 = arith.index_cast %mul3A_755 : i32 to index
        %get3A_985 = tpu.vector_load %arg8[%get3A_983, %get3A_984] {strides = array<i32>} : memref<64x512xf32, #tpu.memory_space<vmem>>, vector<1x16xf32>,
        %get3A_986 = vector.shape_cast %get3A_985 : vector<1x16xf32> to vector<16xf32>
        %mul3A_987 = arith.mulf %get3A_986, %get3A_392 : vector<16xf32>
        %add3A_988 = arith.addf %add3A_960, %mul3A_987 : vector<16xf32>
        %add3A_989 = arith.addf %add3A_967, %add3A_974 : vector<16xf32>
        %add3A_990 = arith.addf %add3A_981, %add3A_988 : vector<16xf32>
        %add3A_991 = arith.addf %add3A_989, %add3A_990 : vector<16xf32>
        %swap3A_992 = arith.index_cast %add3A_753 : i32 to index
        %swap3A_993 = tpu.vector_load %arg10[%swap3A_992] {strides = array<i32>} : memref<12288xf32, #tpu.memory_space<vmem>>, vector<16xf32>,
        %swap3A_994 = vector.shape_cast %swap3A_993 : vector<16xf32> to vector<16xf32>
        %swap3A_995 = vector.shape_cast %add3A_991 : vector<16xf32> to vector<16xf32>
        tpu.vector_store %arg10[%swap3A_992], %swap3A_995 {strides = array<i32>} : memref<12288xf32, #tpu.memory_space<vmem>>, vector<16xf32>,
        %get3A_996 = arith.constant 0 : index
        %get3A_997 = tpu.vector_load %arg13[%get3A_996] {strides = array<i32>} : memref<16xf32, #tpu.memory_space<vmem>>, vector<16xf32>,
        %get3A_998 = vector.shape_cast %get3A_997 : vector<16xf32> to vector<16xf32>
        %max3A = arith.maximumf %get3A_998, %add3A_991 : vector<16xf32>
        %swap3A_999 = arith.constant 0 : index
        %swap3A_1000 = tpu.vector_load %arg13[%swap3A_999] {strides = array<i32>} : memref<16xf32, #tpu.memory_space<vmem>>, vector<16xf32>,
        %swap3A_1001 = vector.shape_cast %swap3A_1000 : vector<16xf32> to vector<16xf32>
        %swap3A_1002 = vector.shape_cast %max3A : vector<16xf32> to vector<16xf32>
        tpu.vector_store %arg13[%swap3A_999], %swap3A_1002 {strides = array<i32>} : memref<16xf32, #tpu.memory_space<vmem>>, vector<16xf32>,
      }
      %scan3A_398 = arith.constant 32 : i32
      %add3A_399 = arith.constant 2 : i32
      %add3A_400 = arith.addi %mul3A_55, %add3A_399 : i32
      %lt3A = arith.constant 24 : i32
      %lt3A_401 = arith.cmpi slt, %add3A_400, %lt3A : i32
      %convert_element_type3A = arith.extui %lt3A_401 : i1 to i32
      %cond3A = arith.constant 0 : i32
      %cond3A_402 = arith.cmpi ne, %convert_element_type3A, %cond3A : i32
      scf.if %cond3A_402 {
        %add3A_750 = arith.constant 2 : i32
        %add3A_751 = arith.addi %mul3A_55, %add3A_750 : i32
        %mul3A_752 = arith.constant 512 : i32
        %mul3A_753 = arith.muli %add3A_751, %mul3A_752 : i32
        %add3A_754 = arith.addi %mul3A_2, %mul3A_753 : i32
        %dma_start3A_755 = arith.constant 0 : i32
        %dma_start3A_756 = tpu.memref_slice %arg2[%dma_start3A_755, %add3A_754] : memref<64x1000000xf32, #tpu.memory_space<hbm>> -> memref<64x512xf32, #tpu.memory_space<hbm>>
        %dma_start3A_757 = arith.constant 0 : i32
        %dma_start3A_758 = tpu.memref_slice %arg2[%dma_start3A_757, %add3A_754] : memref<64x1000000xf32, #tpu.memory_space<hbm>> -> memref<64x512xf32, #tpu.memory_space<hbm>>
        tpu.enqueue_dma source(%dma_start3A_758 : memref<64x512xf32, #tpu.memory_space<hbm>>) target(%arg8 : memref<64x512xf32, #tpu.memory_space<vmem>>) target_semaphore(%arg16 : memref<!tpu.dma_semaphore, #tpu.memory_space<semaphore_mem>>)
      } else {
      }
      %dma_wait3A_403 = arith.constant 0 : i32
      %dma_wait3A_404 = arith.constant 0 : i32
      %dma_wait3A_405 = tpu.memref_slice %arg2[%dma_wait3A_403, %dma_wait3A_404] : memref<64x1000000xf32, #tpu.memory_space<hbm>> -> memref<64x512xf32, #tpu.memory_space<hbm>>
      %dma_wait3A_406 = arith.constant 0 : i32
      %dma_wait3A_407 = arith.constant 0 : i32
      %dma_wait3A_408 = tpu.memref_slice %arg2[%dma_wait3A_406, %dma_wait3A_407] : memref<64x1000000xf32, #tpu.memory_space<hbm>> -> memref<64x512xf32, #tpu.memory_space<hbm>>
      tpu.wait_dma2 semaphore(%arg17 : memref<!tpu.dma_semaphore, #tpu.memory_space<semaphore_mem>>) src(%dma_wait3A_408 : memref<64x512xf32, #tpu.memory_space<hbm>>) dst(%arg9 : memref<64x512xf32, #tpu.memory_space<vmem>>)
      %mul3A_409 = arith.constant 512 : i32
      %mul3A_410 = arith.muli %add3A_59, %mul3A_409 : i32
      %get3A_411 = arith.constant 0 : i32
      %get3A_412 = arith.index_cast %get3A_411 : i32 to index
      %get3A_413 = arith.constant 0 : index
      %get3A_414 = tpu.vector_load %arg12[%get3A_412, %get3A_413] {strides = array<i32>} : memref<64x16xf32, #tpu.memory_space<vmem>>, vector<1x16xf32>,
      %get3A_415 = vector.shape_cast %get3A_414 : vector<1x16xf32> to vector<16xf32>
      %get3A_416 = arith.constant 1 : i32
      %get3A_417 = arith.index_cast %get3A_416 : i32 to index
      %get3A_418 = arith.constant 0 : index
      %get3A_419 = tpu.vector_load %arg12[%get3A_417, %get3A_418] {strides = array<i32>} : memref<64x16xf32, #tpu.memory_space<vmem>>, vector<1x16xf32>,
      %get3A_420 = vector.shape_cast %get3A_419 : vector<1x16xf32> to vector<16xf32>
      %get3A_421 = arith.constant 2 : i32
      %get3A_422 = arith.index_cast %get3A_421 : i32 to index
      %get3A_423 = arith.constant 0 : index
      %get3A_424 = tpu.vector_load %arg12[%get3A_422, %get3A_423] {strides = array<i32>} : memref<64x16xf32, #tpu.memory_space<vmem>>, vector<1x16xf32>,
      %get3A_425 = vector.shape_cast %get3A_424 : vector<1x16xf32> to vector<16xf32>
      %get3A_426 = arith.constant 3 : i32
      %get3A_427 = arith.index_cast %get3A_426 : i32 to index
      %get3A_428 = arith.constant 0 : index
      %get3A_429 = tpu.vector_load %arg12[%get3A_427, %get3A_428] {strides = array<i32>} : memref<64x16xf32, #tpu.memory_space<vmem>>, vector<1x16xf32>,
      %get3A_430 = vector.shape_cast %get3A_429 : vector<1x16xf32> to vector<16xf32>
      %get3A_431 = arith.constant 4 : i32
      %get3A_432 = arith.index_cast %get3A_431 : i32 to index
      %get3A_433 = arith.constant 0 : index
      %get3A_434 = tpu.vector_load %arg12[%get3A_432, %get3A_433] {strides = array<i32>} : memref<64x16xf32, #tpu.memory_space<vmem>>, vector<1x16xf32>,
      %get3A_435 = vector.shape_cast %get3A_434 : vector<1x16xf32> to vector<16xf32>
      %get3A_436 = arith.constant 5 : i32
      %get3A_437 = arith.index_cast %get3A_436 : i32 to index
      %get3A_438 = arith.constant 0 : index
      %get3A_439 = tpu.vector_load %arg12[%get3A_437, %get3A_438] {strides = array<i32>} : memref<64x16xf32, #tpu.memory_space<vmem>>, vector<1x16xf32>,
      %get3A_440 = vector.shape_cast %get3A_439 : vector<1x16xf32> to vector<16xf32>
      %get3A_441 = arith.constant 6 : i32
      %get3A_442 = arith.index_cast %get3A_441 : i32 to index
      %get3A_443 = arith.constant 0 : index
      %get3A_444 = tpu.vector_load %arg12[%get3A_442, %get3A_443] {strides = array<i32>} : memref<64x16xf32, #tpu.memory_space<vmem>>, vector<1x16xf32>,
      %get3A_445 = vector.shape_cast %get3A_444 : vector<1x16xf32> to vector<16xf32>
      %get3A_446 = arith.constant 7 : i32
      %get3A_447 = arith.index_cast %get3A_446 : i32 to index
      %get3A_448 = arith.constant 0 : index
      %get3A_449 = tpu.vector_load %arg12[%get3A_447, %get3A_448] {strides = array<i32>} : memref<64x16xf32, #tpu.memory_space<vmem>>, vector<1x16xf32>,
      %get3A_450 = vector.shape_cast %get3A_449 : vector<1x16xf32> to vector<16xf32>
      %get3A_451 = arith.constant 8 : i32
      %get3A_452 = arith.index_cast %get3A_451 : i32 to index
      %get3A_453 = arith.constant 0 : index
      %get3A_454 = tpu.vector_load %arg12[%get3A_452, %get3A_453] {strides = array<i32>} : memref<64x16xf32, #tpu.memory_space<vmem>>, vector<1x16xf32>,
      %get3A_455 = vector.shape_cast %get3A_454 : vector<1x16xf32> to vector<16xf32>
      %get3A_456 = arith.constant 9 : i32
      %get3A_457 = arith.index_cast %get3A_456 : i32 to index
      %get3A_458 = arith.constant 0 : index
      %get3A_459 = tpu.vector_load %arg12[%get3A_457, %get3A_458] {strides = array<i32>} : memref<64x16xf32, #tpu.memory_space<vmem>>, vector<1x16xf32>,
      %get3A_460 = vector.shape_cast %get3A_459 : vector<1x16xf32> to vector<16xf32>
      %get3A_461 = arith.constant 10 : i32
      %get3A_462 = arith.index_cast %get3A_461 : i32 to index
      %get3A_463 = arith.constant 0 : index
      %get3A_464 = tpu.vector_load %arg12[%get3A_462, %get3A_463] {strides = array<i32>} : memref<64x16xf32, #tpu.memory_space<vmem>>, vector<1x16xf32>,
      %get3A_465 = vector.shape_cast %get3A_464 : vector<1x16xf32> to vector<16xf32>
      %get3A_466 = arith.constant 11 : i32
      %get3A_467 = arith.index_cast %get3A_466 : i32 to index
      %get3A_468 = arith.constant 0 : index
      %get3A_469 = tpu.vector_load %arg12[%get3A_467, %get3A_468] {strides = array<i32>} : memref<64x16xf32, #tpu.memory_space<vmem>>, vector<1x16xf32>,
      %get3A_470 = vector.shape_cast %get3A_469 : vector<1x16xf32> to vector<16xf32>
      %get3A_471 = arith.constant 12 : i32
      %get3A_472 = arith.index_cast %get3A_471 : i32 to index
      %get3A_473 = arith.constant 0 : index
      %get3A_474 = tpu.vector_load %arg12[%get3A_472, %get3A_473] {strides = array<i32>} : memref<64x16xf32, #tpu.memory_space<vmem>>, vector<1x16xf32>,
      %get3A_475 = vector.shape_cast %get3A_474 : vector<1x16xf32> to vector<16xf32>
      %get3A_476 = arith.constant 13 : i32
      %get3A_477 = arith.index_cast %get3A_476 : i32 to index
      %get3A_478 = arith.constant 0 : index
      %get3A_479 = tpu.vector_load %arg12[%get3A_477, %get3A_478] {strides = array<i32>} : memref<64x16xf32, #tpu.memory_space<vmem>>, vector<1x16xf32>,
      %get3A_480 = vector.shape_cast %get3A_479 : vector<1x16xf32> to vector<16xf32>
      %get3A_481 = arith.constant 14 : i32
      %get3A_482 = arith.index_cast %get3A_481 : i32 to index
      %get3A_483 = arith.constant 0 : index
      %get3A_484 = tpu.vector_load %arg12[%get3A_482, %get3A_483] {strides = array<i32>} : memref<64x16xf32, #tpu.memory_space<vmem>>, vector<1x16xf32>,
      %get3A_485 = vector.shape_cast %get3A_484 : vector<1x16xf32> to vector<16xf32>
      %get3A_486 = arith.constant 15 : i32
      %get3A_487 = arith.index_cast %get3A_486 : i32 to index
      %get3A_488 = arith.constant 0 : index
      %get3A_489 = tpu.vector_load %arg12[%get3A_487, %get3A_488] {strides = array<i32>} : memref<64x16xf32, #tpu.memory_space<vmem>>, vector<1x16xf32>,
      %get3A_490 = vector.shape_cast %get3A_489 : vector<1x16xf32> to vector<16xf32>
      %get3A_491 = arith.constant 16 : i32
      %get3A_492 = arith.index_cast %get3A_491 : i32 to index
      %get3A_493 = arith.constant 0 : index
      %get3A_494 = tpu.vector_load %arg12[%get3A_492, %get3A_493] {strides = array<i32>} : memref<64x16xf32, #tpu.memory_space<vmem>>, vector<1x16xf32>,
      %get3A_495 = vector.shape_cast %get3A_494 : vector<1x16xf32> to vector<16xf32>
      %get3A_496 = arith.constant 17 : i32
      %get3A_497 = arith.index_cast %get3A_496 : i32 to index
      %get3A_498 = arith.constant 0 : index
      %get3A_499 = tpu.vector_load %arg12[%get3A_497, %get3A_498] {strides = array<i32>} : memref<64x16xf32, #tpu.memory_space<vmem>>, vector<1x16xf32>,
      %get3A_500 = vector.shape_cast %get3A_499 : vector<1x16xf32> to vector<16xf32>
      %get3A_501 = arith.constant 18 : i32
      %get3A_502 = arith.index_cast %get3A_501 : i32 to index
      %get3A_503 = arith.constant 0 : index
      %get3A_504 = tpu.vector_load %arg12[%get3A_502, %get3A_503] {strides = array<i32>} : memref<64x16xf32, #tpu.memory_space<vmem>>, vector<1x16xf32>,
      %get3A_505 = vector.shape_cast %get3A_504 : vector<1x16xf32> to vector<16xf32>
      %get3A_506 = arith.constant 19 : i32
      %get3A_507 = arith.index_cast %get3A_506 : i32 to index
      %get3A_508 = arith.constant 0 : index
      %get3A_509 = tpu.vector_load %arg12[%get3A_507, %get3A_508] {strides = array<i32>} : memref<64x16xf32, #tpu.memory_space<vmem>>, vector<1x16xf32>,
      %get3A_510 = vector.shape_cast %get3A_509 : vector<1x16xf32> to vector<16xf32>
      %get3A_511 = arith.constant 20 : i32
      %get3A_512 = arith.index_cast %get3A_511 : i32 to index
      %get3A_513 = arith.constant 0 : index
      %get3A_514 = tpu.vector_load %arg12[%get3A_512, %get3A_513] {strides = array<i32>} : memref<64x16xf32, #tpu.memory_space<vmem>>, vector<1x16xf32>,
      %get3A_515 = vector.shape_cast %get3A_514 : vector<1x16xf32> to vector<16xf32>
      %get3A_516 = arith.constant 21 : i32
      %get3A_517 = arith.index_cast %get3A_516 : i32 to index
      %get3A_518 = arith.constant 0 : index
      %get3A_519 = tpu.vector_load %arg12[%get3A_517, %get3A_518] {strides = array<i32>} : memref<64x16xf32, #tpu.memory_space<vmem>>, vector<1x16xf32>,
      %get3A_520 = vector.shape_cast %get3A_519 : vector<1x16xf32> to vector<16xf32>
      %get3A_521 = arith.constant 22 : i32
      %get3A_522 = arith.index_cast %get3A_521 : i32 to index
      %get3A_523 = arith.constant 0 : index
      %get3A_524 = tpu.vector_load %arg12[%get3A_522, %get3A_523] {strides = array<i32>} : memref<64x16xf32, #tpu.memory_space<vmem>>, vector<1x16xf32>,
      %get3A_525 = vector.shape_cast %get3A_524 : vector<1x16xf32> to vector<16xf32>
      %get3A_526 = arith.constant 23 : i32
      %get3A_527 = arith.index_cast %get3A_526 : i32 to index
      %get3A_528 = arith.constant 0 : index
      %get3A_529 = tpu.vector_load %arg12[%get3A_527, %get3A_528] {strides = array<i32>} : memref<64x16xf32, #tpu.memory_space<vmem>>, vector<1x16xf32>,
      %get3A_530 = vector.shape_cast %get3A_529 : vector<1x16xf32> to vector<16xf32>
      %get3A_531 = arith.constant 24 : i32
      %get3A_532 = arith.index_cast %get3A_531 : i32 to index
      %get3A_533 = arith.constant 0 : index
      %get3A_534 = tpu.vector_load %arg12[%get3A_532, %get3A_533] {strides = array<i32>} : memref<64x16xf32, #tpu.memory_space<vmem>>, vector<1x16xf32>,
      %get3A_535 = vector.shape_cast %get3A_534 : vector<1x16xf32> to vector<16xf32>
      %get3A_536 = arith.constant 25 : i32
      %get3A_537 = arith.index_cast %get3A_536 : i32 to index
      %get3A_538 = arith.constant 0 : index
      %get3A_539 = tpu.vector_load %arg12[%get3A_537, %get3A_538] {strides = array<i32>} : memref<64x16xf32, #tpu.memory_space<vmem>>, vector<1x16xf32>,
      %get3A_540 = vector.shape_cast %get3A_539 : vector<1x16xf32> to vector<16xf32>
      %get3A_541 = arith.constant 26 : i32
      %get3A_542 = arith.index_cast %get3A_541 : i32 to index
      %get3A_543 = arith.constant 0 : index
      %get3A_544 = tpu.vector_load %arg12[%get3A_542, %get3A_543] {strides = array<i32>} : memref<64x16xf32, #tpu.memory_space<vmem>>, vector<1x16xf32>,
      %get3A_545 = vector.shape_cast %get3A_544 : vector<1x16xf32> to vector<16xf32>
      %get3A_546 = arith.constant 27 : i32
      %get3A_547 = arith.index_cast %get3A_546 : i32 to index
      %get3A_548 = arith.constant 0 : index
      %get3A_549 = tpu.vector_load %arg12[%get3A_547, %get3A_548] {strides = array<i32>} : memref<64x16xf32, #tpu.memory_space<vmem>>, vector<1x16xf32>,
      %get3A_550 = vector.shape_cast %get3A_549 : vector<1x16xf32> to vector<16xf32>
      %get3A_551 = arith.constant 28 : i32
      %get3A_552 = arith.index_cast %get3A_551 : i32 to index
      %get3A_553 = arith.constant 0 : index
      %get3A_554 = tpu.vector_load %arg12[%get3A_552, %get3A_553] {strides = array<i32>} : memref<64x16xf32, #tpu.memory_space<vmem>>, vector<1x16xf32>,
      %get3A_555 = vector.shape_cast %get3A_554 : vector<1x16xf32> to vector<16xf32>
      %get3A_556 = arith.constant 29 : i32
      %get3A_557 = arith.index_cast %get3A_556 : i32 to index
      %get3A_558 = arith.constant 0 : index
      %get3A_559 = tpu.vector_load %arg12[%get3A_557, %get3A_558] {strides = array<i32>} : memref<64x16xf32, #tpu.memory_space<vmem>>, vector<1x16xf32>,
      %get3A_560 = vector.shape_cast %get3A_559 : vector<1x16xf32> to vector<16xf32>
      %get3A_561 = arith.constant 30 : i32
      %get3A_562 = arith.index_cast %get3A_561 : i32 to index
      %get3A_563 = arith.constant 0 : index
      %get3A_564 = tpu.vector_load %arg12[%get3A_562, %get3A_563] {strides = array<i32>} : memref<64x16xf32, #tpu.memory_space<vmem>>, vector<1x16xf32>,
      %get3A_565 = vector.shape_cast %get3A_564 : vector<1x16xf32> to vector<16xf32>
      %get3A_566 = arith.constant 31 : i32
      %get3A_567 = arith.index_cast %get3A_566 : i32 to index
      %get3A_568 = arith.constant 0 : index
      %get3A_569 = tpu.vector_load %arg12[%get3A_567, %get3A_568] {strides = array<i32>} : memref<64x16xf32, #tpu.memory_space<vmem>>, vector<1x16xf32>,
      %get3A_570 = vector.shape_cast %get3A_569 : vector<1x16xf32> to vector<16xf32>
      %scan3A_571 = arith.constant 0 : i32
      %scan3A_572 = arith.constant 0 : i32
      %scan3A_573 = arith.constant 32 : i32
      %scan3A_574 = arith.addi %scan3A_572, %scan3A_573 : i32
      %scan3A_575 = arith.constant 1 : i32
      scf.for %scan3A_750 = %scan3A_572 to %scan3A_574 step %scan3A_575  : i32 {
        %mul3A_751 = arith.constant 16 : i32
        %mul3A_752 = arith.muli %scan3A_750, %mul3A_751 : i32
        %add3A_753 = arith.addi %mul3A_410, %mul3A_752 : i32
        %mul3A_754 = arith.constant 16 : i32
        %mul3A_755 = arith.muli %scan3A_750, %mul3A_754 : i32
        %get3A_756 = arith.index_cast %add3A_753 : i32 to index
        %get3A_757 = tpu.vector_load %arg11[%get3A_756] {strides = array<i32>} : memref<12288xf32, #tpu.memory_space<vmem>>, vector<16xf32>,
        %get3A_758 = vector.shape_cast %get3A_757 : vector<16xf32> to vector<16xf32>
        %broadcast_in_dim3A_759 = arith.constant 0.000000e+00 : f32
        %broadcast_in_dim3A_760 = vector.broadcast %broadcast_in_dim3A_759 : f32 to vector<16xf32>
        %broadcast_in_dim3A_761 = arith.constant 0.000000e+00 : f32
        %broadcast_in_dim3A_762 = vector.broadcast %broadcast_in_dim3A_761 : f32 to vector<16xf32>
        %broadcast_in_dim3A_763 = arith.constant 0.000000e+00 : f32
        %broadcast_in_dim3A_764 = vector.broadcast %broadcast_in_dim3A_763 : f32 to vector<16xf32>
        %get3A_765 = arith.constant 0 : i32
        %get3A_766 = arith.index_cast %get3A_765 : i32 to index
        %get3A_767 = arith.index_cast %mul3A_755 : i32 to index
        %get3A_768 = tpu.vector_load %arg9[%get3A_766, %get3A_767] {strides = array<i32>} : memref<64x512xf32, #tpu.memory_space<vmem>>, vector<1x16xf32>,
        %get3A_769 = vector.shape_cast %get3A_768 : vector<1x16xf32> to vector<16xf32>
        %mul3A_770 = arith.mulf %get3A_769, %get3A_415 : vector<16xf32>
        %add3A_771 = arith.addf %get3A_758, %mul3A_770 : vector<16xf32>
        %get3A_772 = arith.constant 1 : i32
        %get3A_773 = arith.index_cast %get3A_772 : i32 to index
        %get3A_774 = arith.index_cast %mul3A_755 : i32 to index
        %get3A_775 = tpu.vector_load %arg9[%get3A_773, %get3A_774] {strides = array<i32>} : memref<64x512xf32, #tpu.memory_space<vmem>>, vector<1x16xf32>,
        %get3A_776 = vector.shape_cast %get3A_775 : vector<1x16xf32> to vector<16xf32>
        %mul3A_777 = arith.mulf %get3A_776, %get3A_420 : vector<16xf32>
        %add3A_778 = arith.addf %broadcast_in_dim3A_760, %mul3A_777 : vector<16xf32>
        %get3A_779 = arith.constant 2 : i32
        %get3A_780 = arith.index_cast %get3A_779 : i32 to index
        %get3A_781 = arith.index_cast %mul3A_755 : i32 to index
        %get3A_782 = tpu.vector_load %arg9[%get3A_780, %get3A_781] {strides = array<i32>} : memref<64x512xf32, #tpu.memory_space<vmem>>, vector<1x16xf32>,
        %get3A_783 = vector.shape_cast %get3A_782 : vector<1x16xf32> to vector<16xf32>
        %mul3A_784 = arith.mulf %get3A_783, %get3A_425 : vector<16xf32>
        %add3A_785 = arith.addf %broadcast_in_dim3A_762, %mul3A_784 : vector<16xf32>
        %get3A_786 = arith.constant 3 : i32
        %get3A_787 = arith.index_cast %get3A_786 : i32 to index
        %get3A_788 = arith.index_cast %mul3A_755 : i32 to index
        %get3A_789 = tpu.vector_load %arg9[%get3A_787, %get3A_788] {strides = array<i32>} : memref<64x512xf32, #tpu.memory_space<vmem>>, vector<1x16xf32>,
        %get3A_790 = vector.shape_cast %get3A_789 : vector<1x16xf32> to vector<16xf32>
        %mul3A_791 = arith.mulf %get3A_790, %get3A_430 : vector<16xf32>
        %add3A_792 = arith.addf %broadcast_in_dim3A_764, %mul3A_791 : vector<16xf32>
        %get3A_793 = arith.constant 4 : i32
        %get3A_794 = arith.index_cast %get3A_793 : i32 to index
        %get3A_795 = arith.index_cast %mul3A_755 : i32 to index
        %get3A_796 = tpu.vector_load %arg9[%get3A_794, %get3A_795] {strides = array<i32>} : memref<64x512xf32, #tpu.memory_space<vmem>>, vector<1x16xf32>,
        %get3A_797 = vector.shape_cast %get3A_796 : vector<1x16xf32> to vector<16xf32>
        %mul3A_798 = arith.mulf %get3A_797, %get3A_435 : vector<16xf32>
        %add3A_799 = arith.addf %add3A_771, %mul3A_798 : vector<16xf32>
        %get3A_800 = arith.constant 5 : i32
        %get3A_801 = arith.index_cast %get3A_800 : i32 to index
        %get3A_802 = arith.index_cast %mul3A_755 : i32 to index
        %get3A_803 = tpu.vector_load %arg9[%get3A_801, %get3A_802] {strides = array<i32>} : memref<64x512xf32, #tpu.memory_space<vmem>>, vector<1x16xf32>,
        %get3A_804 = vector.shape_cast %get3A_803 : vector<1x16xf32> to vector<16xf32>
        %mul3A_805 = arith.mulf %get3A_804, %get3A_440 : vector<16xf32>
        %add3A_806 = arith.addf %add3A_778, %mul3A_805 : vector<16xf32>
        %get3A_807 = arith.constant 6 : i32
        %get3A_808 = arith.index_cast %get3A_807 : i32 to index
        %get3A_809 = arith.index_cast %mul3A_755 : i32 to index
        %get3A_810 = tpu.vector_load %arg9[%get3A_808, %get3A_809] {strides = array<i32>} : memref<64x512xf32, #tpu.memory_space<vmem>>, vector<1x16xf32>,
        %get3A_811 = vector.shape_cast %get3A_810 : vector<1x16xf32> to vector<16xf32>
        %mul3A_812 = arith.mulf %get3A_811, %get3A_445 : vector<16xf32>
        %add3A_813 = arith.addf %add3A_785, %mul3A_812 : vector<16xf32>
        %get3A_814 = arith.constant 7 : i32
        %get3A_815 = arith.index_cast %get3A_814 : i32 to index
        %get3A_816 = arith.index_cast %mul3A_755 : i32 to index
        %get3A_817 = tpu.vector_load %arg9[%get3A_815, %get3A_816] {strides = array<i32>} : memref<64x512xf32, #tpu.memory_space<vmem>>, vector<1x16xf32>,
        %get3A_818 = vector.shape_cast %get3A_817 : vector<1x16xf32> to vector<16xf32>
        %mul3A_819 = arith.mulf %get3A_818, %get3A_450 : vector<16xf32>
        %add3A_820 = arith.addf %add3A_792, %mul3A_819 : vector<16xf32>
        %get3A_821 = arith.constant 8 : i32
        %get3A_822 = arith.index_cast %get3A_821 : i32 to index
        %get3A_823 = arith.index_cast %mul3A_755 : i32 to index
        %get3A_824 = tpu.vector_load %arg9[%get3A_822, %get3A_823] {strides = array<i32>} : memref<64x512xf32, #tpu.memory_space<vmem>>, vector<1x16xf32>,
        %get3A_825 = vector.shape_cast %get3A_824 : vector<1x16xf32> to vector<16xf32>
        %mul3A_826 = arith.mulf %get3A_825, %get3A_455 : vector<16xf32>
        %add3A_827 = arith.addf %add3A_799, %mul3A_826 : vector<16xf32>
        %get3A_828 = arith.constant 9 : i32
        %get3A_829 = arith.index_cast %get3A_828 : i32 to index
        %get3A_830 = arith.index_cast %mul3A_755 : i32 to index
        %get3A_831 = tpu.vector_load %arg9[%get3A_829, %get3A_830] {strides = array<i32>} : memref<64x512xf32, #tpu.memory_space<vmem>>, vector<1x16xf32>,
        %get3A_832 = vector.shape_cast %get3A_831 : vector<1x16xf32> to vector<16xf32>
        %mul3A_833 = arith.mulf %get3A_832, %get3A_460 : vector<16xf32>
        %add3A_834 = arith.addf %add3A_806, %mul3A_833 : vector<16xf32>
        %get3A_835 = arith.constant 10 : i32
        %get3A_836 = arith.index_cast %get3A_835 : i32 to index
        %get3A_837 = arith.index_cast %mul3A_755 : i32 to index
        %get3A_838 = tpu.vector_load %arg9[%get3A_836, %get3A_837] {strides = array<i32>} : memref<64x512xf32, #tpu.memory_space<vmem>>, vector<1x16xf32>,
        %get3A_839 = vector.shape_cast %get3A_838 : vector<1x16xf32> to vector<16xf32>
        %mul3A_840 = arith.mulf %get3A_839, %get3A_465 : vector<16xf32>
        %add3A_841 = arith.addf %add3A_813, %mul3A_840 : vector<16xf32>
        %get3A_842 = arith.constant 11 : i32
        %get3A_843 = arith.index_cast %get3A_842 : i32 to index
        %get3A_844 = arith.index_cast %mul3A_755 : i32 to index
        %get3A_845 = tpu.vector_load %arg9[%get3A_843, %get3A_844] {strides = array<i32>} : memref<64x512xf32, #tpu.memory_space<vmem>>, vector<1x16xf32>,
        %get3A_846 = vector.shape_cast %get3A_845 : vector<1x16xf32> to vector<16xf32>
        %mul3A_847 = arith.mulf %get3A_846, %get3A_470 : vector<16xf32>
        %add3A_848 = arith.addf %add3A_820, %mul3A_847 : vector<16xf32>
        %get3A_849 = arith.constant 12 : i32
        %get3A_850 = arith.index_cast %get3A_849 : i32 to index
        %get3A_851 = arith.index_cast %mul3A_755 : i32 to index
        %get3A_852 = tpu.vector_load %arg9[%get3A_850, %get3A_851] {strides = array<i32>} : memref<64x512xf32, #tpu.memory_space<vmem>>, vector<1x16xf32>,
        %get3A_853 = vector.shape_cast %get3A_852 : vector<1x16xf32> to vector<16xf32>
        %mul3A_854 = arith.mulf %get3A_853, %get3A_475 : vector<16xf32>
        %add3A_855 = arith.addf %add3A_827, %mul3A_854 : vector<16xf32>
        %get3A_856 = arith.constant 13 : i32
        %get3A_857 = arith.index_cast %get3A_856 : i32 to index
        %get3A_858 = arith.index_cast %mul3A_755 : i32 to index
        %get3A_859 = tpu.vector_load %arg9[%get3A_857, %get3A_858] {strides = array<i32>} : memref<64x512xf32, #tpu.memory_space<vmem>>, vector<1x16xf32>,
        %get3A_860 = vector.shape_cast %get3A_859 : vector<1x16xf32> to vector<16xf32>
        %mul3A_861 = arith.mulf %get3A_860, %get3A_480 : vector<16xf32>
        %add3A_862 = arith.addf %add3A_834, %mul3A_861 : vector<16xf32>
        %get3A_863 = arith.constant 14 : i32
        %get3A_864 = arith.index_cast %get3A_863 : i32 to index
        %get3A_865 = arith.index_cast %mul3A_755 : i32 to index
        %get3A_866 = tpu.vector_load %arg9[%get3A_864, %get3A_865] {strides = array<i32>} : memref<64x512xf32, #tpu.memory_space<vmem>>, vector<1x16xf32>,
        %get3A_867 = vector.shape_cast %get3A_866 : vector<1x16xf32> to vector<16xf32>
        %mul3A_868 = arith.mulf %get3A_867, %get3A_485 : vector<16xf32>
        %add3A_869 = arith.addf %add3A_841, %mul3A_868 : vector<16xf32>
        %get3A_870 = arith.constant 15 : i32
        %get3A_871 = arith.index_cast %get3A_870 : i32 to index
        %get3A_872 = arith.index_cast %mul3A_755 : i32 to index
        %get3A_873 = tpu.vector_load %arg9[%get3A_871, %get3A_872] {strides = array<i32>} : memref<64x512xf32, #tpu.memory_space<vmem>>, vector<1x16xf32>,
        %get3A_874 = vector.shape_cast %get3A_873 : vector<1x16xf32> to vector<16xf32>
        %mul3A_875 = arith.mulf %get3A_874, %get3A_490 : vector<16xf32>
        %add3A_876 = arith.addf %add3A_848, %mul3A_875 : vector<16xf32>
        %get3A_877 = arith.constant 16 : i32
        %get3A_878 = arith.index_cast %get3A_877 : i32 to index
        %get3A_879 = arith.index_cast %mul3A_755 : i32 to index
        %get3A_880 = tpu.vector_load %arg9[%get3A_878, %get3A_879] {strides = array<i32>} : memref<64x512xf32, #tpu.memory_space<vmem>>, vector<1x16xf32>,
        %get3A_881 = vector.shape_cast %get3A_880 : vector<1x16xf32> to vector<16xf32>
        %mul3A_882 = arith.mulf %get3A_881, %get3A_495 : vector<16xf32>
        %add3A_883 = arith.addf %add3A_855, %mul3A_882 : vector<16xf32>
        %get3A_884 = arith.constant 17 : i32
        %get3A_885 = arith.index_cast %get3A_884 : i32 to index
        %get3A_886 = arith.index_cast %mul3A_755 : i32 to index
        %get3A_887 = tpu.vector_load %arg9[%get3A_885, %get3A_886] {strides = array<i32>} : memref<64x512xf32, #tpu.memory_space<vmem>>, vector<1x16xf32>,
        %get3A_888 = vector.shape_cast %get3A_887 : vector<1x16xf32> to vector<16xf32>
        %mul3A_889 = arith.mulf %get3A_888, %get3A_500 : vector<16xf32>
        %add3A_890 = arith.addf %add3A_862, %mul3A_889 : vector<16xf32>
        %get3A_891 = arith.constant 18 : i32
        %get3A_892 = arith.index_cast %get3A_891 : i32 to index
        %get3A_893 = arith.index_cast %mul3A_755 : i32 to index
        %get3A_894 = tpu.vector_load %arg9[%get3A_892, %get3A_893] {strides = array<i32>} : memref<64x512xf32, #tpu.memory_space<vmem>>, vector<1x16xf32>,
        %get3A_895 = vector.shape_cast %get3A_894 : vector<1x16xf32> to vector<16xf32>
        %mul3A_896 = arith.mulf %get3A_895, %get3A_505 : vector<16xf32>
        %add3A_897 = arith.addf %add3A_869, %mul3A_896 : vector<16xf32>
        %get3A_898 = arith.constant 19 : i32
        %get3A_899 = arith.index_cast %get3A_898 : i32 to index
        %get3A_900 = arith.index_cast %mul3A_755 : i32 to index
        %get3A_901 = tpu.vector_load %arg9[%get3A_899, %get3A_900] {strides = array<i32>} : memref<64x512xf32, #tpu.memory_space<vmem>>, vector<1x16xf32>,
        %get3A_902 = vector.shape_cast %get3A_901 : vector<1x16xf32> to vector<16xf32>
        %mul3A_903 = arith.mulf %get3A_902, %get3A_510 : vector<16xf32>
        %add3A_904 = arith.addf %add3A_876, %mul3A_903 : vector<16xf32>
        %get3A_905 = arith.constant 20 : i32
        %get3A_906 = arith.index_cast %get3A_905 : i32 to index
        %get3A_907 = arith.index_cast %mul3A_755 : i32 to index
        %get3A_908 = tpu.vector_load %arg9[%get3A_906, %get3A_907] {strides = array<i32>} : memref<64x512xf32, #tpu.memory_space<vmem>>, vector<1x16xf32>,
        %get3A_909 = vector.shape_cast %get3A_908 : vector<1x16xf32> to vector<16xf32>
        %mul3A_910 = arith.mulf %get3A_909, %get3A_515 : vector<16xf32>
        %add3A_911 = arith.addf %add3A_883, %mul3A_910 : vector<16xf32>
        %get3A_912 = arith.constant 21 : i32
        %get3A_913 = arith.index_cast %get3A_912 : i32 to index
        %get3A_914 = arith.index_cast %mul3A_755 : i32 to index
        %get3A_915 = tpu.vector_load %arg9[%get3A_913, %get3A_914] {strides = array<i32>} : memref<64x512xf32, #tpu.memory_space<vmem>>, vector<1x16xf32>,
        %get3A_916 = vector.shape_cast %get3A_915 : vector<1x16xf32> to vector<16xf32>
        %mul3A_917 = arith.mulf %get3A_916, %get3A_520 : vector<16xf32>
        %add3A_918 = arith.addf %add3A_890, %mul3A_917 : vector<16xf32>
        %get3A_919 = arith.constant 22 : i32
        %get3A_920 = arith.index_cast %get3A_919 : i32 to index
        %get3A_921 = arith.index_cast %mul3A_755 : i32 to index
        %get3A_922 = tpu.vector_load %arg9[%get3A_920, %get3A_921] {strides = array<i32>} : memref<64x512xf32, #tpu.memory_space<vmem>>, vector<1x16xf32>,
        %get3A_923 = vector.shape_cast %get3A_922 : vector<1x16xf32> to vector<16xf32>
        %mul3A_924 = arith.mulf %get3A_923, %get3A_525 : vector<16xf32>
        %add3A_925 = arith.addf %add3A_897, %mul3A_924 : vector<16xf32>
        %get3A_926 = arith.constant 23 : i32
        %get3A_927 = arith.index_cast %get3A_926 : i32 to index
        %get3A_928 = arith.index_cast %mul3A_755 : i32 to index
        %get3A_929 = tpu.vector_load %arg9[%get3A_927, %get3A_928] {strides = array<i32>} : memref<64x512xf32, #tpu.memory_space<vmem>>, vector<1x16xf32>,
        %get3A_930 = vector.shape_cast %get3A_929 : vector<1x16xf32> to vector<16xf32>
        %mul3A_931 = arith.mulf %get3A_930, %get3A_530 : vector<16xf32>
        %add3A_932 = arith.addf %add3A_904, %mul3A_931 : vector<16xf32>
        %get3A_933 = arith.constant 24 : i32
        %get3A_934 = arith.index_cast %get3A_933 : i32 to index
        %get3A_935 = arith.index_cast %mul3A_755 : i32 to index
        %get3A_936 = tpu.vector_load %arg9[%get3A_934, %get3A_935] {strides = array<i32>} : memref<64x512xf32, #tpu.memory_space<vmem>>, vector<1x16xf32>,
        %get3A_937 = vector.shape_cast %get3A_936 : vector<1x16xf32> to vector<16xf32>
        %mul3A_938 = arith.mulf %get3A_937, %get3A_535 : vector<16xf32>
        %add3A_939 = arith.addf %add3A_911, %mul3A_938 : vector<16xf32>
        %get3A_940 = arith.constant 25 : i32
        %get3A_941 = arith.index_cast %get3A_940 : i32 to index
        %get3A_942 = arith.index_cast %mul3A_755 : i32 to index
        %get3A_943 = tpu.vector_load %arg9[%get3A_941, %get3A_942] {strides = array<i32>} : memref<64x512xf32, #tpu.memory_space<vmem>>, vector<1x16xf32>,
        %get3A_944 = vector.shape_cast %get3A_943 : vector<1x16xf32> to vector<16xf32>
        %mul3A_945 = arith.mulf %get3A_944, %get3A_540 : vector<16xf32>
        %add3A_946 = arith.addf %add3A_918, %mul3A_945 : vector<16xf32>
        %get3A_947 = arith.constant 26 : i32
        %get3A_948 = arith.index_cast %get3A_947 : i32 to index
        %get3A_949 = arith.index_cast %mul3A_755 : i32 to index
        %get3A_950 = tpu.vector_load %arg9[%get3A_948, %get3A_949] {strides = array<i32>} : memref<64x512xf32, #tpu.memory_space<vmem>>, vector<1x16xf32>,
        %get3A_951 = vector.shape_cast %get3A_950 : vector<1x16xf32> to vector<16xf32>
        %mul3A_952 = arith.mulf %get3A_951, %get3A_545 : vector<16xf32>
        %add3A_953 = arith.addf %add3A_925, %mul3A_952 : vector<16xf32>
        %get3A_954 = arith.constant 27 : i32
        %get3A_955 = arith.index_cast %get3A_954 : i32 to index
        %get3A_956 = arith.index_cast %mul3A_755 : i32 to index
        %get3A_957 = tpu.vector_load %arg9[%get3A_955, %get3A_956] {strides = array<i32>} : memref<64x512xf32, #tpu.memory_space<vmem>>, vector<1x16xf32>,
        %get3A_958 = vector.shape_cast %get3A_957 : vector<1x16xf32> to vector<16xf32>
        %mul3A_959 = arith.mulf %get3A_958, %get3A_550 : vector<16xf32>
        %add3A_960 = arith.addf %add3A_932, %mul3A_959 : vector<16xf32>
        %get3A_961 = arith.constant 28 : i32
        %get3A_962 = arith.index_cast %get3A_961 : i32 to index
        %get3A_963 = arith.index_cast %mul3A_755 : i32 to index
        %get3A_964 = tpu.vector_load %arg9[%get3A_962, %get3A_963] {strides = array<i32>} : memref<64x512xf32, #tpu.memory_space<vmem>>, vector<1x16xf32>,
        %get3A_965 = vector.shape_cast %get3A_964 : vector<1x16xf32> to vector<16xf32>
        %mul3A_966 = arith.mulf %get3A_965, %get3A_555 : vector<16xf32>
        %add3A_967 = arith.addf %add3A_939, %mul3A_966 : vector<16xf32>
        %get3A_968 = arith.constant 29 : i32
        %get3A_969 = arith.index_cast %get3A_968 : i32 to index
        %get3A_970 = arith.index_cast %mul3A_755 : i32 to index
        %get3A_971 = tpu.vector_load %arg9[%get3A_969, %get3A_970] {strides = array<i32>} : memref<64x512xf32, #tpu.memory_space<vmem>>, vector<1x16xf32>,
        %get3A_972 = vector.shape_cast %get3A_971 : vector<1x16xf32> to vector<16xf32>
        %mul3A_973 = arith.mulf %get3A_972, %get3A_560 : vector<16xf32>
        %add3A_974 = arith.addf %add3A_946, %mul3A_973 : vector<16xf32>
        %get3A_975 = arith.constant 30 : i32
        %get3A_976 = arith.index_cast %get3A_975 : i32 to index
        %get3A_977 = arith.index_cast %mul3A_755 : i32 to index
        %get3A_978 = tpu.vector_load %arg9[%get3A_976, %get3A_977] {strides = array<i32>} : memref<64x512xf32, #tpu.memory_space<vmem>>, vector<1x16xf32>,
        %get3A_979 = vector.shape_cast %get3A_978 : vector<1x16xf32> to vector<16xf32>
        %mul3A_980 = arith.mulf %get3A_979, %get3A_565 : vector<16xf32>
        %add3A_981 = arith.addf %add3A_953, %mul3A_980 : vector<16xf32>
        %get3A_982 = arith.constant 31 : i32
        %get3A_983 = arith.index_cast %get3A_982 : i32 to index
        %get3A_984 = arith.index_cast %mul3A_755 : i32 to index
        %get3A_985 = tpu.vector_load %arg9[%get3A_983, %get3A_984] {strides = array<i32>} : memref<64x512xf32, #tpu.memory_space<vmem>>, vector<1x16xf32>,
        %get3A_986 = vector.shape_cast %get3A_985 : vector<1x16xf32> to vector<16xf32>
        %mul3A_987 = arith.mulf %get3A_986, %get3A_570 : vector<16xf32>
        %add3A_988 = arith.addf %add3A_960, %mul3A_987 : vector<16xf32>
        %add3A_989 = arith.addf %add3A_967, %add3A_974 : vector<16xf32>
        %add3A_990 = arith.addf %add3A_981, %add3A_988 : vector<16xf32>
        %add3A_991 = arith.addf %add3A_989, %add3A_990 : vector<16xf32>
        %swap3A_992 = arith.index_cast %add3A_753 : i32 to index
        %swap3A_993 = tpu.vector_load %arg10[%swap3A_992] {strides = array<i32>} : memref<12288xf32, #tpu.memory_space<vmem>>, vector<16xf32>,
        %swap3A_994 = vector.shape_cast %swap3A_993 : vector<16xf32> to vector<16xf32>
        %swap3A_995 = vector.shape_cast %add3A_991 : vector<16xf32> to vector<16xf32>
        tpu.vector_store %arg10[%swap3A_992], %swap3A_995 {strides = array<i32>} : memref<12288xf32, #tpu.memory_space<vmem>>, vector<16xf32>,
      }
      %scan3A_576 = arith.constant 32 : i32
      %get3A_577 = arith.constant 32 : i32
      %get3A_578 = arith.index_cast %get3A_577 : i32 to index
      %get3A_579 = arith.constant 0 : index
      %get3A_580 = tpu.vector_load %arg12[%get3A_578, %get3A_579] {strides = array<i32>} : memref<64x16xf32, #tpu.memory_space<vmem>>, vector<1x16xf32>,
      %get3A_581 = vector.shape_cast %get3A_580 : vector<1x16xf32> to vector<16xf32>
      %get3A_582 = arith.constant 33 : i32
      %get3A_583 = arith.index_cast %get3A_582 : i32 to index
      %get3A_584 = arith.constant 0 : index
      %get3A_585 = tpu.vector_load %arg12[%get3A_583, %get3A_584] {strides = array<i32>} : memref<64x16xf32, #tpu.memory_space<vmem>>, vector<1x16xf32>,
      %get3A_586 = vector.shape_cast %get3A_585 : vector<1x16xf32> to vector<16xf32>
      %get3A_587 = arith.constant 34 : i32
      %get3A_588 = arith.index_cast %get3A_587 : i32 to index
      %get3A_589 = arith.constant 0 : index
      %get3A_590 = tpu.vector_load %arg12[%get3A_588, %get3A_589] {strides = array<i32>} : memref<64x16xf32, #tpu.memory_space<vmem>>, vector<1x16xf32>,
      %get3A_591 = vector.shape_cast %get3A_590 : vector<1x16xf32> to vector<16xf32>
      %get3A_592 = arith.constant 35 : i32
      %get3A_593 = arith.index_cast %get3A_592 : i32 to index
      %get3A_594 = arith.constant 0 : index
      %get3A_595 = tpu.vector_load %arg12[%get3A_593, %get3A_594] {strides = array<i32>} : memref<64x16xf32, #tpu.memory_space<vmem>>, vector<1x16xf32>,
      %get3A_596 = vector.shape_cast %get3A_595 : vector<1x16xf32> to vector<16xf32>
      %get3A_597 = arith.constant 36 : i32
      %get3A_598 = arith.index_cast %get3A_597 : i32 to index
      %get3A_599 = arith.constant 0 : index
      %get3A_600 = tpu.vector_load %arg12[%get3A_598, %get3A_599] {strides = array<i32>} : memref<64x16xf32, #tpu.memory_space<vmem>>, vector<1x16xf32>,
      %get3A_601 = vector.shape_cast %get3A_600 : vector<1x16xf32> to vector<16xf32>
      %get3A_602 = arith.constant 37 : i32
      %get3A_603 = arith.index_cast %get3A_602 : i32 to index
      %get3A_604 = arith.constant 0 : index
      %get3A_605 = tpu.vector_load %arg12[%get3A_603, %get3A_604] {strides = array<i32>} : memref<64x16xf32, #tpu.memory_space<vmem>>, vector<1x16xf32>,
      %get3A_606 = vector.shape_cast %get3A_605 : vector<1x16xf32> to vector<16xf32>
      %get3A_607 = arith.constant 38 : i32
      %get3A_608 = arith.index_cast %get3A_607 : i32 to index
      %get3A_609 = arith.constant 0 : index
      %get3A_610 = tpu.vector_load %arg12[%get3A_608, %get3A_609] {strides = array<i32>} : memref<64x16xf32, #tpu.memory_space<vmem>>, vector<1x16xf32>,
      %get3A_611 = vector.shape_cast %get3A_610 : vector<1x16xf32> to vector<16xf32>
      %get3A_612 = arith.constant 39 : i32
      %get3A_613 = arith.index_cast %get3A_612 : i32 to index
      %get3A_614 = arith.constant 0 : index
      %get3A_615 = tpu.vector_load %arg12[%get3A_613, %get3A_614] {strides = array<i32>} : memref<64x16xf32, #tpu.memory_space<vmem>>, vector<1x16xf32>,
      %get3A_616 = vector.shape_cast %get3A_615 : vector<1x16xf32> to vector<16xf32>
      %get3A_617 = arith.constant 40 : i32
      %get3A_618 = arith.index_cast %get3A_617 : i32 to index
      %get3A_619 = arith.constant 0 : index
      %get3A_620 = tpu.vector_load %arg12[%get3A_618, %get3A_619] {strides = array<i32>} : memref<64x16xf32, #tpu.memory_space<vmem>>, vector<1x16xf32>,
      %get3A_621 = vector.shape_cast %get3A_620 : vector<1x16xf32> to vector<16xf32>
      %get3A_622 = arith.constant 41 : i32
      %get3A_623 = arith.index_cast %get3A_622 : i32 to index
      %get3A_624 = arith.constant 0 : index
      %get3A_625 = tpu.vector_load %arg12[%get3A_623, %get3A_624] {strides = array<i32>} : memref<64x16xf32, #tpu.memory_space<vmem>>, vector<1x16xf32>,
      %get3A_626 = vector.shape_cast %get3A_625 : vector<1x16xf32> to vector<16xf32>
      %get3A_627 = arith.constant 42 : i32
      %get3A_628 = arith.index_cast %get3A_627 : i32 to index
      %get3A_629 = arith.constant 0 : index
      %get3A_630 = tpu.vector_load %arg12[%get3A_628, %get3A_629] {strides = array<i32>} : memref<64x16xf32, #tpu.memory_space<vmem>>, vector<1x16xf32>,
      %get3A_631 = vector.shape_cast %get3A_630 : vector<1x16xf32> to vector<16xf32>
      %get3A_632 = arith.constant 43 : i32
      %get3A_633 = arith.index_cast %get3A_632 : i32 to index
      %get3A_634 = arith.constant 0 : index
      %get3A_635 = tpu.vector_load %arg12[%get3A_633, %get3A_634] {strides = array<i32>} : memref<64x16xf32, #tpu.memory_space<vmem>>, vector<1x16xf32>,
      %get3A_636 = vector.shape_cast %get3A_635 : vector<1x16xf32> to vector<16xf32>
      %get3A_637 = arith.constant 44 : i32
      %get3A_638 = arith.index_cast %get3A_637 : i32 to index
      %get3A_639 = arith.constant 0 : index
      %get3A_640 = tpu.vector_load %arg12[%get3A_638, %get3A_639] {strides = array<i32>} : memref<64x16xf32, #tpu.memory_space<vmem>>, vector<1x16xf32>,
      %get3A_641 = vector.shape_cast %get3A_640 : vector<1x16xf32> to vector<16xf32>
      %get3A_642 = arith.constant 45 : i32
      %get3A_643 = arith.index_cast %get3A_642 : i32 to index
      %get3A_644 = arith.constant 0 : index
      %get3A_645 = tpu.vector_load %arg12[%get3A_643, %get3A_644] {strides = array<i32>} : memref<64x16xf32, #tpu.memory_space<vmem>>, vector<1x16xf32>,
      %get3A_646 = vector.shape_cast %get3A_645 : vector<1x16xf32> to vector<16xf32>
      %get3A_647 = arith.constant 46 : i32
      %get3A_648 = arith.index_cast %get3A_647 : i32 to index
      %get3A_649 = arith.constant 0 : index
      %get3A_650 = tpu.vector_load %arg12[%get3A_648, %get3A_649] {strides = array<i32>} : memref<64x16xf32, #tpu.memory_space<vmem>>, vector<1x16xf32>,
      %get3A_651 = vector.shape_cast %get3A_650 : vector<1x16xf32> to vector<16xf32>
      %get3A_652 = arith.constant 47 : i32
      %get3A_653 = arith.index_cast %get3A_652 : i32 to index
      %get3A_654 = arith.constant 0 : index
      %get3A_655 = tpu.vector_load %arg12[%get3A_653, %get3A_654] {strides = array<i32>} : memref<64x16xf32, #tpu.memory_space<vmem>>, vector<1x16xf32>,
      %get3A_656 = vector.shape_cast %get3A_655 : vector<1x16xf32> to vector<16xf32>
      %get3A_657 = arith.constant 48 : i32
      %get3A_658 = arith.index_cast %get3A_657 : i32 to index
      %get3A_659 = arith.constant 0 : index
      %get3A_660 = tpu.vector_load %arg12[%get3A_658, %get3A_659] {strides = array<i32>} : memref<64x16xf32, #tpu.memory_space<vmem>>, vector<1x16xf32>,
      %get3A_661 = vector.shape_cast %get3A_660 : vector<1x16xf32> to vector<16xf32>
      %get3A_662 = arith.constant 49 : i32
      %get3A_663 = arith.index_cast %get3A_662 : i32 to index
      %get3A_664 = arith.constant 0 : index
      %get3A_665 = tpu.vector_load %arg12[%get3A_663, %get3A_664] {strides = array<i32>} : memref<64x16xf32, #tpu.memory_space<vmem>>, vector<1x16xf32>,
      %get3A_666 = vector.shape_cast %get3A_665 : vector<1x16xf32> to vector<16xf32>
      %get3A_667 = arith.constant 50 : i32
      %get3A_668 = arith.index_cast %get3A_667 : i32 to index
      %get3A_669 = arith.constant 0 : index
      %get3A_670 = tpu.vector_load %arg12[%get3A_668, %get3A_669] {strides = array<i32>} : memref<64x16xf32, #tpu.memory_space<vmem>>, vector<1x16xf32>,
      %get3A_671 = vector.shape_cast %get3A_670 : vector<1x16xf32> to vector<16xf32>
      %get3A_672 = arith.constant 51 : i32
      %get3A_673 = arith.index_cast %get3A_672 : i32 to index
      %get3A_674 = arith.constant 0 : index
      %get3A_675 = tpu.vector_load %arg12[%get3A_673, %get3A_674] {strides = array<i32>} : memref<64x16xf32, #tpu.memory_space<vmem>>, vector<1x16xf32>,
      %get3A_676 = vector.shape_cast %get3A_675 : vector<1x16xf32> to vector<16xf32>
      %get3A_677 = arith.constant 52 : i32
      %get3A_678 = arith.index_cast %get3A_677 : i32 to index
      %get3A_679 = arith.constant 0 : index
      %get3A_680 = tpu.vector_load %arg12[%get3A_678, %get3A_679] {strides = array<i32>} : memref<64x16xf32, #tpu.memory_space<vmem>>, vector<1x16xf32>,
      %get3A_681 = vector.shape_cast %get3A_680 : vector<1x16xf32> to vector<16xf32>
      %get3A_682 = arith.constant 53 : i32
      %get3A_683 = arith.index_cast %get3A_682 : i32 to index
      %get3A_684 = arith.constant 0 : index
      %get3A_685 = tpu.vector_load %arg12[%get3A_683, %get3A_684] {strides = array<i32>} : memref<64x16xf32, #tpu.memory_space<vmem>>, vector<1x16xf32>,
      %get3A_686 = vector.shape_cast %get3A_685 : vector<1x16xf32> to vector<16xf32>
      %get3A_687 = arith.constant 54 : i32
      %get3A_688 = arith.index_cast %get3A_687 : i32 to index
      %get3A_689 = arith.constant 0 : index
      %get3A_690 = tpu.vector_load %arg12[%get3A_688, %get3A_689] {strides = array<i32>} : memref<64x16xf32, #tpu.memory_space<vmem>>, vector<1x16xf32>,
      %get3A_691 = vector.shape_cast %get3A_690 : vector<1x16xf32> to vector<16xf32>
      %get3A_692 = arith.constant 55 : i32
      %get3A_693 = arith.index_cast %get3A_692 : i32 to index
      %get3A_694 = arith.constant 0 : index
      %get3A_695 = tpu.vector_load %arg12[%get3A_693, %get3A_694] {strides = array<i32>} : memref<64x16xf32, #tpu.memory_space<vmem>>, vector<1x16xf32>,
      %get3A_696 = vector.shape_cast %get3A_695 : vector<1x16xf32> to vector<16xf32>
      %get3A_697 = arith.constant 56 : i32
      %get3A_698 = arith.index_cast %get3A_697 : i32 to index
      %get3A_699 = arith.constant 0 : index
      %get3A_700 = tpu.vector_load %arg12[%get3A_698, %get3A_699] {strides = array<i32>} : memref<64x16xf32, #tpu.memory_space<vmem>>, vector<1x16xf32>,
      %get3A_701 = vector.shape_cast %get3A_700 : vector<1x16xf32> to vector<16xf32>
      %get3A_702 = arith.constant 57 : i32
      %get3A_703 = arith.index_cast %get3A_702 : i32 to index
      %get3A_704 = arith.constant 0 : index
      %get3A_705 = tpu.vector_load %arg12[%get3A_703, %get3A_704] {strides = array<i32>} : memref<64x16xf32, #tpu.memory_space<vmem>>, vector<1x16xf32>,
      %get3A_706 = vector.shape_cast %get3A_705 : vector<1x16xf32> to vector<16xf32>
      %get3A_707 = arith.constant 58 : i32
      %get3A_708 = arith.index_cast %get3A_707 : i32 to index
      %get3A_709 = arith.constant 0 : index
      %get3A_710 = tpu.vector_load %arg12[%get3A_708, %get3A_709] {strides = array<i32>} : memref<64x16xf32, #tpu.memory_space<vmem>>, vector<1x16xf32>,
      %get3A_711 = vector.shape_cast %get3A_710 : vector<1x16xf32> to vector<16xf32>
      %get3A_712 = arith.constant 59 : i32
      %get3A_713 = arith.index_cast %get3A_712 : i32 to index
      %get3A_714 = arith.constant 0 : index
      %get3A_715 = tpu.vector_load %arg12[%get3A_713, %get3A_714] {strides = array<i32>} : memref<64x16xf32, #tpu.memory_space<vmem>>, vector<1x16xf32>,
      %get3A_716 = vector.shape_cast %get3A_715 : vector<1x16xf32> to vector<16xf32>
      %get3A_717 = arith.constant 60 : i32
      %get3A_718 = arith.index_cast %get3A_717 : i32 to index
      %get3A_719 = arith.constant 0 : index
      %get3A_720 = tpu.vector_load %arg12[%get3A_718, %get3A_719] {strides = array<i32>} : memref<64x16xf32, #tpu.memory_space<vmem>>, vector<1x16xf32>,
      %get3A_721 = vector.shape_cast %get3A_720 : vector<1x16xf32> to vector<16xf32>
      %get3A_722 = arith.constant 61 : i32
      %get3A_723 = arith.index_cast %get3A_722 : i32 to index
      %get3A_724 = arith.constant 0 : index
      %get3A_725 = tpu.vector_load %arg12[%get3A_723, %get3A_724] {strides = array<i32>} : memref<64x16xf32, #tpu.memory_space<vmem>>, vector<1x16xf32>,
      %get3A_726 = vector.shape_cast %get3A_725 : vector<1x16xf32> to vector<16xf32>
      %get3A_727 = arith.constant 62 : i32
      %get3A_728 = arith.index_cast %get3A_727 : i32 to index
      %get3A_729 = arith.constant 0 : index
      %get3A_730 = tpu.vector_load %arg12[%get3A_728, %get3A_729] {strides = array<i32>} : memref<64x16xf32, #tpu.memory_space<vmem>>, vector<1x16xf32>,
      %get3A_731 = vector.shape_cast %get3A_730 : vector<1x16xf32> to vector<16xf32>
      %get3A_732 = arith.constant 63 : i32
      %get3A_733 = arith.index_cast %get3A_732 : i32 to index
      %get3A_734 = arith.constant 0 : index
      %get3A_735 = tpu.vector_load %arg12[%get3A_733, %get3A_734] {strides = array<i32>} : memref<64x16xf32, #tpu.memory_space<vmem>>, vector<1x16xf32>,
      %get3A_736 = vector.shape_cast %get3A_735 : vector<1x16xf32> to vector<16xf32>
      %scan3A_737 = arith.constant 0 : i32
      %scan3A_738 = arith.constant 0 : i32
      %scan3A_739 = arith.constant 32 : i32
      %scan3A_740 = arith.addi %scan3A_738, %scan3A_739 : i32
      %scan3A_741 = arith.constant 1 : i32
      scf.for %scan3A_750 = %scan3A_738 to %scan3A_740 step %scan3A_741  : i32 {
        %mul3A_751 = arith.constant 16 : i32
        %mul3A_752 = arith.muli %scan3A_750, %mul3A_751 : i32
        %add3A_753 = arith.addi %mul3A_410, %mul3A_752 : i32
        %mul3A_754 = arith.constant 16 : i32
        %mul3A_755 = arith.muli %scan3A_750, %mul3A_754 : i32
        %get3A_756 = arith.index_cast %add3A_753 : i32 to index
        %get3A_757 = tpu.vector_load %arg10[%get3A_756] {strides = array<i32>} : memref<12288xf32, #tpu.memory_space<vmem>>, vector<16xf32>,
        %get3A_758 = vector.shape_cast %get3A_757 : vector<16xf32> to vector<16xf32>
        %broadcast_in_dim3A_759 = arith.constant 0.000000e+00 : f32
        %broadcast_in_dim3A_760 = vector.broadcast %broadcast_in_dim3A_759 : f32 to vector<16xf32>
        %broadcast_in_dim3A_761 = arith.constant 0.000000e+00 : f32
        %broadcast_in_dim3A_762 = vector.broadcast %broadcast_in_dim3A_761 : f32 to vector<16xf32>
        %broadcast_in_dim3A_763 = arith.constant 0.000000e+00 : f32
        %broadcast_in_dim3A_764 = vector.broadcast %broadcast_in_dim3A_763 : f32 to vector<16xf32>
        %get3A_765 = arith.constant 32 : i32
        %get3A_766 = arith.index_cast %get3A_765 : i32 to index
        %get3A_767 = arith.index_cast %mul3A_755 : i32 to index
        %get3A_768 = tpu.vector_load %arg9[%get3A_766, %get3A_767] {strides = array<i32>} : memref<64x512xf32, #tpu.memory_space<vmem>>, vector<1x16xf32>,
        %get3A_769 = vector.shape_cast %get3A_768 : vector<1x16xf32> to vector<16xf32>
        %mul3A_770 = arith.mulf %get3A_769, %get3A_581 : vector<16xf32>
        %add3A_771 = arith.addf %get3A_758, %mul3A_770 : vector<16xf32>
        %get3A_772 = arith.constant 33 : i32
        %get3A_773 = arith.index_cast %get3A_772 : i32 to index
        %get3A_774 = arith.index_cast %mul3A_755 : i32 to index
        %get3A_775 = tpu.vector_load %arg9[%get3A_773, %get3A_774] {strides = array<i32>} : memref<64x512xf32, #tpu.memory_space<vmem>>, vector<1x16xf32>,
        %get3A_776 = vector.shape_cast %get3A_775 : vector<1x16xf32> to vector<16xf32>
        %mul3A_777 = arith.mulf %get3A_776, %get3A_586 : vector<16xf32>
        %add3A_778 = arith.addf %broadcast_in_dim3A_760, %mul3A_777 : vector<16xf32>
        %get3A_779 = arith.constant 34 : i32
        %get3A_780 = arith.index_cast %get3A_779 : i32 to index
        %get3A_781 = arith.index_cast %mul3A_755 : i32 to index
        %get3A_782 = tpu.vector_load %arg9[%get3A_780, %get3A_781] {strides = array<i32>} : memref<64x512xf32, #tpu.memory_space<vmem>>, vector<1x16xf32>,
        %get3A_783 = vector.shape_cast %get3A_782 : vector<1x16xf32> to vector<16xf32>
        %mul3A_784 = arith.mulf %get3A_783, %get3A_591 : vector<16xf32>
        %add3A_785 = arith.addf %broadcast_in_dim3A_762, %mul3A_784 : vector<16xf32>
        %get3A_786 = arith.constant 35 : i32
        %get3A_787 = arith.index_cast %get3A_786 : i32 to index
        %get3A_788 = arith.index_cast %mul3A_755 : i32 to index
        %get3A_789 = tpu.vector_load %arg9[%get3A_787, %get3A_788] {strides = array<i32>} : memref<64x512xf32, #tpu.memory_space<vmem>>, vector<1x16xf32>,
        %get3A_790 = vector.shape_cast %get3A_789 : vector<1x16xf32> to vector<16xf32>
        %mul3A_791 = arith.mulf %get3A_790, %get3A_596 : vector<16xf32>
        %add3A_792 = arith.addf %broadcast_in_dim3A_764, %mul3A_791 : vector<16xf32>
        %get3A_793 = arith.constant 36 : i32
        %get3A_794 = arith.index_cast %get3A_793 : i32 to index
        %get3A_795 = arith.index_cast %mul3A_755 : i32 to index
        %get3A_796 = tpu.vector_load %arg9[%get3A_794, %get3A_795] {strides = array<i32>} : memref<64x512xf32, #tpu.memory_space<vmem>>, vector<1x16xf32>,
        %get3A_797 = vector.shape_cast %get3A_796 : vector<1x16xf32> to vector<16xf32>
        %mul3A_798 = arith.mulf %get3A_797, %get3A_601 : vector<16xf32>
        %add3A_799 = arith.addf %add3A_771, %mul3A_798 : vector<16xf32>
        %get3A_800 = arith.constant 37 : i32
        %get3A_801 = arith.index_cast %get3A_800 : i32 to index
        %get3A_802 = arith.index_cast %mul3A_755 : i32 to index
        %get3A_803 = tpu.vector_load %arg9[%get3A_801, %get3A_802] {strides = array<i32>} : memref<64x512xf32, #tpu.memory_space<vmem>>, vector<1x16xf32>,
        %get3A_804 = vector.shape_cast %get3A_803 : vector<1x16xf32> to vector<16xf32>
        %mul3A_805 = arith.mulf %get3A_804, %get3A_606 : vector<16xf32>
        %add3A_806 = arith.addf %add3A_778, %mul3A_805 : vector<16xf32>
        %get3A_807 = arith.constant 38 : i32
        %get3A_808 = arith.index_cast %get3A_807 : i32 to index
        %get3A_809 = arith.index_cast %mul3A_755 : i32 to index
        %get3A_810 = tpu.vector_load %arg9[%get3A_808, %get3A_809] {strides = array<i32>} : memref<64x512xf32, #tpu.memory_space<vmem>>, vector<1x16xf32>,
        %get3A_811 = vector.shape_cast %get3A_810 : vector<1x16xf32> to vector<16xf32>
        %mul3A_812 = arith.mulf %get3A_811, %get3A_611 : vector<16xf32>
        %add3A_813 = arith.addf %add3A_785, %mul3A_812 : vector<16xf32>
        %get3A_814 = arith.constant 39 : i32
        %get3A_815 = arith.index_cast %get3A_814 : i32 to index
        %get3A_816 = arith.index_cast %mul3A_755 : i32 to index
        %get3A_817 = tpu.vector_load %arg9[%get3A_815, %get3A_816] {strides = array<i32>} : memref<64x512xf32, #tpu.memory_space<vmem>>, vector<1x16xf32>,
        %get3A_818 = vector.shape_cast %get3A_817 : vector<1x16xf32> to vector<16xf32>
        %mul3A_819 = arith.mulf %get3A_818, %get3A_616 : vector<16xf32>
        %add3A_820 = arith.addf %add3A_792, %mul3A_819 : vector<16xf32>
        %get3A_821 = arith.constant 40 : i32
        %get3A_822 = arith.index_cast %get3A_821 : i32 to index
        %get3A_823 = arith.index_cast %mul3A_755 : i32 to index
        %get3A_824 = tpu.vector_load %arg9[%get3A_822, %get3A_823] {strides = array<i32>} : memref<64x512xf32, #tpu.memory_space<vmem>>, vector<1x16xf32>,
        %get3A_825 = vector.shape_cast %get3A_824 : vector<1x16xf32> to vector<16xf32>
        %mul3A_826 = arith.mulf %get3A_825, %get3A_621 : vector<16xf32>
        %add3A_827 = arith.addf %add3A_799, %mul3A_826 : vector<16xf32>
        %get3A_828 = arith.constant 41 : i32
        %get3A_829 = arith.index_cast %get3A_828 : i32 to index
        %get3A_830 = arith.index_cast %mul3A_755 : i32 to index
        %get3A_831 = tpu.vector_load %arg9[%get3A_829, %get3A_830] {strides = array<i32>} : memref<64x512xf32, #tpu.memory_space<vmem>>, vector<1x16xf32>,
        %get3A_832 = vector.shape_cast %get3A_831 : vector<1x16xf32> to vector<16xf32>
        %mul3A_833 = arith.mulf %get3A_832, %get3A_626 : vector<16xf32>
        %add3A_834 = arith.addf %add3A_806, %mul3A_833 : vector<16xf32>
        %get3A_835 = arith.constant 42 : i32
        %get3A_836 = arith.index_cast %get3A_835 : i32 to index
        %get3A_837 = arith.index_cast %mul3A_755 : i32 to index
        %get3A_838 = tpu.vector_load %arg9[%get3A_836, %get3A_837] {strides = array<i32>} : memref<64x512xf32, #tpu.memory_space<vmem>>, vector<1x16xf32>,
        %get3A_839 = vector.shape_cast %get3A_838 : vector<1x16xf32> to vector<16xf32>
        %mul3A_840 = arith.mulf %get3A_839, %get3A_631 : vector<16xf32>
        %add3A_841 = arith.addf %add3A_813, %mul3A_840 : vector<16xf32>
        %get3A_842 = arith.constant 43 : i32
        %get3A_843 = arith.index_cast %get3A_842 : i32 to index
        %get3A_844 = arith.index_cast %mul3A_755 : i32 to index
        %get3A_845 = tpu.vector_load %arg9[%get3A_843, %get3A_844] {strides = array<i32>} : memref<64x512xf32, #tpu.memory_space<vmem>>, vector<1x16xf32>,
        %get3A_846 = vector.shape_cast %get3A_845 : vector<1x16xf32> to vector<16xf32>
        %mul3A_847 = arith.mulf %get3A_846, %get3A_636 : vector<16xf32>
        %add3A_848 = arith.addf %add3A_820, %mul3A_847 : vector<16xf32>
        %get3A_849 = arith.constant 44 : i32
        %get3A_850 = arith.index_cast %get3A_849 : i32 to index
        %get3A_851 = arith.index_cast %mul3A_755 : i32 to index
        %get3A_852 = tpu.vector_load %arg9[%get3A_850, %get3A_851] {strides = array<i32>} : memref<64x512xf32, #tpu.memory_space<vmem>>, vector<1x16xf32>,
        %get3A_853 = vector.shape_cast %get3A_852 : vector<1x16xf32> to vector<16xf32>
        %mul3A_854 = arith.mulf %get3A_853, %get3A_641 : vector<16xf32>
        %add3A_855 = arith.addf %add3A_827, %mul3A_854 : vector<16xf32>
        %get3A_856 = arith.constant 45 : i32
        %get3A_857 = arith.index_cast %get3A_856 : i32 to index
        %get3A_858 = arith.index_cast %mul3A_755 : i32 to index
        %get3A_859 = tpu.vector_load %arg9[%get3A_857, %get3A_858] {strides = array<i32>} : memref<64x512xf32, #tpu.memory_space<vmem>>, vector<1x16xf32>,
        %get3A_860 = vector.shape_cast %get3A_859 : vector<1x16xf32> to vector<16xf32>
        %mul3A_861 = arith.mulf %get3A_860, %get3A_646 : vector<16xf32>
        %add3A_862 = arith.addf %add3A_834, %mul3A_861 : vector<16xf32>
        %get3A_863 = arith.constant 46 : i32
        %get3A_864 = arith.index_cast %get3A_863 : i32 to index
        %get3A_865 = arith.index_cast %mul3A_755 : i32 to index
        %get3A_866 = tpu.vector_load %arg9[%get3A_864, %get3A_865] {strides = array<i32>} : memref<64x512xf32, #tpu.memory_space<vmem>>, vector<1x16xf32>,
        %get3A_867 = vector.shape_cast %get3A_866 : vector<1x16xf32> to vector<16xf32>
        %mul3A_868 = arith.mulf %get3A_867, %get3A_651 : vector<16xf32>
        %add3A_869 = arith.addf %add3A_841, %mul3A_868 : vector<16xf32>
        %get3A_870 = arith.constant 47 : i32
        %get3A_871 = arith.index_cast %get3A_870 : i32 to index
        %get3A_872 = arith.index_cast %mul3A_755 : i32 to index
        %get3A_873 = tpu.vector_load %arg9[%get3A_871, %get3A_872] {strides = array<i32>} : memref<64x512xf32, #tpu.memory_space<vmem>>, vector<1x16xf32>,
        %get3A_874 = vector.shape_cast %get3A_873 : vector<1x16xf32> to vector<16xf32>
        %mul3A_875 = arith.mulf %get3A_874, %get3A_656 : vector<16xf32>
        %add3A_876 = arith.addf %add3A_848, %mul3A_875 : vector<16xf32>
        %get3A_877 = arith.constant 48 : i32
        %get3A_878 = arith.index_cast %get3A_877 : i32 to index
        %get3A_879 = arith.index_cast %mul3A_755 : i32 to index
        %get3A_880 = tpu.vector_load %arg9[%get3A_878, %get3A_879] {strides = array<i32>} : memref<64x512xf32, #tpu.memory_space<vmem>>, vector<1x16xf32>,
        %get3A_881 = vector.shape_cast %get3A_880 : vector<1x16xf32> to vector<16xf32>
        %mul3A_882 = arith.mulf %get3A_881, %get3A_661 : vector<16xf32>
        %add3A_883 = arith.addf %add3A_855, %mul3A_882 : vector<16xf32>
        %get3A_884 = arith.constant 49 : i32
        %get3A_885 = arith.index_cast %get3A_884 : i32 to index
        %get3A_886 = arith.index_cast %mul3A_755 : i32 to index
        %get3A_887 = tpu.vector_load %arg9[%get3A_885, %get3A_886] {strides = array<i32>} : memref<64x512xf32, #tpu.memory_space<vmem>>, vector<1x16xf32>,
        %get3A_888 = vector.shape_cast %get3A_887 : vector<1x16xf32> to vector<16xf32>
        %mul3A_889 = arith.mulf %get3A_888, %get3A_666 : vector<16xf32>
        %add3A_890 = arith.addf %add3A_862, %mul3A_889 : vector<16xf32>
        %get3A_891 = arith.constant 50 : i32
        %get3A_892 = arith.index_cast %get3A_891 : i32 to index
        %get3A_893 = arith.index_cast %mul3A_755 : i32 to index
        %get3A_894 = tpu.vector_load %arg9[%get3A_892, %get3A_893] {strides = array<i32>} : memref<64x512xf32, #tpu.memory_space<vmem>>, vector<1x16xf32>,
        %get3A_895 = vector.shape_cast %get3A_894 : vector<1x16xf32> to vector<16xf32>
        %mul3A_896 = arith.mulf %get3A_895, %get3A_671 : vector<16xf32>
        %add3A_897 = arith.addf %add3A_869, %mul3A_896 : vector<16xf32>
        %get3A_898 = arith.constant 51 : i32
        %get3A_899 = arith.index_cast %get3A_898 : i32 to index
        %get3A_900 = arith.index_cast %mul3A_755 : i32 to index
        %get3A_901 = tpu.vector_load %arg9[%get3A_899, %get3A_900] {strides = array<i32>} : memref<64x512xf32, #tpu.memory_space<vmem>>, vector<1x16xf32>,
        %get3A_902 = vector.shape_cast %get3A_901 : vector<1x16xf32> to vector<16xf32>
        %mul3A_903 = arith.mulf %get3A_902, %get3A_676 : vector<16xf32>
        %add3A_904 = arith.addf %add3A_876, %mul3A_903 : vector<16xf32>
        %get3A_905 = arith.constant 52 : i32
        %get3A_906 = arith.index_cast %get3A_905 : i32 to index
        %get3A_907 = arith.index_cast %mul3A_755 : i32 to index
        %get3A_908 = tpu.vector_load %arg9[%get3A_906, %get3A_907] {strides = array<i32>} : memref<64x512xf32, #tpu.memory_space<vmem>>, vector<1x16xf32>,
        %get3A_909 = vector.shape_cast %get3A_908 : vector<1x16xf32> to vector<16xf32>
        %mul3A_910 = arith.mulf %get3A_909, %get3A_681 : vector<16xf32>
        %add3A_911 = arith.addf %add3A_883, %mul3A_910 : vector<16xf32>
        %get3A_912 = arith.constant 53 : i32
        %get3A_913 = arith.index_cast %get3A_912 : i32 to index
        %get3A_914 = arith.index_cast %mul3A_755 : i32 to index
        %get3A_915 = tpu.vector_load %arg9[%get3A_913, %get3A_914] {strides = array<i32>} : memref<64x512xf32, #tpu.memory_space<vmem>>, vector<1x16xf32>,
        %get3A_916 = vector.shape_cast %get3A_915 : vector<1x16xf32> to vector<16xf32>
        %mul3A_917 = arith.mulf %get3A_916, %get3A_686 : vector<16xf32>
        %add3A_918 = arith.addf %add3A_890, %mul3A_917 : vector<16xf32>
        %get3A_919 = arith.constant 54 : i32
        %get3A_920 = arith.index_cast %get3A_919 : i32 to index
        %get3A_921 = arith.index_cast %mul3A_755 : i32 to index
        %get3A_922 = tpu.vector_load %arg9[%get3A_920, %get3A_921] {strides = array<i32>} : memref<64x512xf32, #tpu.memory_space<vmem>>, vector<1x16xf32>,
        %get3A_923 = vector.shape_cast %get3A_922 : vector<1x16xf32> to vector<16xf32>
        %mul3A_924 = arith.mulf %get3A_923, %get3A_691 : vector<16xf32>
        %add3A_925 = arith.addf %add3A_897, %mul3A_924 : vector<16xf32>
        %get3A_926 = arith.constant 55 : i32
        %get3A_927 = arith.index_cast %get3A_926 : i32 to index
        %get3A_928 = arith.index_cast %mul3A_755 : i32 to index
        %get3A_929 = tpu.vector_load %arg9[%get3A_927, %get3A_928] {strides = array<i32>} : memref<64x512xf32, #tpu.memory_space<vmem>>, vector<1x16xf32>,
        %get3A_930 = vector.shape_cast %get3A_929 : vector<1x16xf32> to vector<16xf32>
        %mul3A_931 = arith.mulf %get3A_930, %get3A_696 : vector<16xf32>
        %add3A_932 = arith.addf %add3A_904, %mul3A_931 : vector<16xf32>
        %get3A_933 = arith.constant 56 : i32
        %get3A_934 = arith.index_cast %get3A_933 : i32 to index
        %get3A_935 = arith.index_cast %mul3A_755 : i32 to index
        %get3A_936 = tpu.vector_load %arg9[%get3A_934, %get3A_935] {strides = array<i32>} : memref<64x512xf32, #tpu.memory_space<vmem>>, vector<1x16xf32>,
        %get3A_937 = vector.shape_cast %get3A_936 : vector<1x16xf32> to vector<16xf32>
        %mul3A_938 = arith.mulf %get3A_937, %get3A_701 : vector<16xf32>
        %add3A_939 = arith.addf %add3A_911, %mul3A_938 : vector<16xf32>
        %get3A_940 = arith.constant 57 : i32
        %get3A_941 = arith.index_cast %get3A_940 : i32 to index
        %get3A_942 = arith.index_cast %mul3A_755 : i32 to index
        %get3A_943 = tpu.vector_load %arg9[%get3A_941, %get3A_942] {strides = array<i32>} : memref<64x512xf32, #tpu.memory_space<vmem>>, vector<1x16xf32>,
        %get3A_944 = vector.shape_cast %get3A_943 : vector<1x16xf32> to vector<16xf32>
        %mul3A_945 = arith.mulf %get3A_944, %get3A_706 : vector<16xf32>
        %add3A_946 = arith.addf %add3A_918, %mul3A_945 : vector<16xf32>
        %get3A_947 = arith.constant 58 : i32
        %get3A_948 = arith.index_cast %get3A_947 : i32 to index
        %get3A_949 = arith.index_cast %mul3A_755 : i32 to index
        %get3A_950 = tpu.vector_load %arg9[%get3A_948, %get3A_949] {strides = array<i32>} : memref<64x512xf32, #tpu.memory_space<vmem>>, vector<1x16xf32>,
        %get3A_951 = vector.shape_cast %get3A_950 : vector<1x16xf32> to vector<16xf32>
        %mul3A_952 = arith.mulf %get3A_951, %get3A_711 : vector<16xf32>
        %add3A_953 = arith.addf %add3A_925, %mul3A_952 : vector<16xf32>
        %get3A_954 = arith.constant 59 : i32
        %get3A_955 = arith.index_cast %get3A_954 : i32 to index
        %get3A_956 = arith.index_cast %mul3A_755 : i32 to index
        %get3A_957 = tpu.vector_load %arg9[%get3A_955, %get3A_956] {strides = array<i32>} : memref<64x512xf32, #tpu.memory_space<vmem>>, vector<1x16xf32>,
        %get3A_958 = vector.shape_cast %get3A_957 : vector<1x16xf32> to vector<16xf32>
        %mul3A_959 = arith.mulf %get3A_958, %get3A_716 : vector<16xf32>
        %add3A_960 = arith.addf %add3A_932, %mul3A_959 : vector<16xf32>
        %get3A_961 = arith.constant 60 : i32
        %get3A_962 = arith.index_cast %get3A_961 : i32 to index
        %get3A_963 = arith.index_cast %mul3A_755 : i32 to index
        %get3A_964 = tpu.vector_load %arg9[%get3A_962, %get3A_963] {strides = array<i32>} : memref<64x512xf32, #tpu.memory_space<vmem>>, vector<1x16xf32>,
        %get3A_965 = vector.shape_cast %get3A_964 : vector<1x16xf32> to vector<16xf32>
        %mul3A_966 = arith.mulf %get3A_965, %get3A_721 : vector<16xf32>
        %add3A_967 = arith.addf %add3A_939, %mul3A_966 : vector<16xf32>
        %get3A_968 = arith.constant 61 : i32
        %get3A_969 = arith.index_cast %get3A_968 : i32 to index
        %get3A_970 = arith.index_cast %mul3A_755 : i32 to index
        %get3A_971 = tpu.vector_load %arg9[%get3A_969, %get3A_970] {strides = array<i32>} : memref<64x512xf32, #tpu.memory_space<vmem>>, vector<1x16xf32>,
        %get3A_972 = vector.shape_cast %get3A_971 : vector<1x16xf32> to vector<16xf32>
        %mul3A_973 = arith.mulf %get3A_972, %get3A_726 : vector<16xf32>
        %add3A_974 = arith.addf %add3A_946, %mul3A_973 : vector<16xf32>
        %get3A_975 = arith.constant 62 : i32
        %get3A_976 = arith.index_cast %get3A_975 : i32 to index
        %get3A_977 = arith.index_cast %mul3A_755 : i32 to index
        %get3A_978 = tpu.vector_load %arg9[%get3A_976, %get3A_977] {strides = array<i32>} : memref<64x512xf32, #tpu.memory_space<vmem>>, vector<1x16xf32>,
        %get3A_979 = vector.shape_cast %get3A_978 : vector<1x16xf32> to vector<16xf32>
        %mul3A_980 = arith.mulf %get3A_979, %get3A_731 : vector<16xf32>
        %add3A_981 = arith.addf %add3A_953, %mul3A_980 : vector<16xf32>
        %get3A_982 = arith.constant 63 : i32
        %get3A_983 = arith.index_cast %get3A_982 : i32 to index
        %get3A_984 = arith.index_cast %mul3A_755 : i32 to index
        %get3A_985 = tpu.vector_load %arg9[%get3A_983, %get3A_984] {strides = array<i32>} : memref<64x512xf32, #tpu.memory_space<vmem>>, vector<1x16xf32>,
        %get3A_986 = vector.shape_cast %get3A_985 : vector<1x16xf32> to vector<16xf32>
        %mul3A_987 = arith.mulf %get3A_986, %get3A_736 : vector<16xf32>
        %add3A_988 = arith.addf %add3A_960, %mul3A_987 : vector<16xf32>
        %add3A_989 = arith.addf %add3A_967, %add3A_974 : vector<16xf32>
        %add3A_990 = arith.addf %add3A_981, %add3A_988 : vector<16xf32>
        %add3A_991 = arith.addf %add3A_989, %add3A_990 : vector<16xf32>
        %swap3A_992 = arith.index_cast %add3A_753 : i32 to index
        %swap3A_993 = tpu.vector_load %arg10[%swap3A_992] {strides = array<i32>} : memref<12288xf32, #tpu.memory_space<vmem>>, vector<16xf32>,
        %swap3A_994 = vector.shape_cast %swap3A_993 : vector<16xf32> to vector<16xf32>
        %swap3A_995 = vector.shape_cast %add3A_991 : vector<16xf32> to vector<16xf32>
        tpu.vector_store %arg10[%swap3A_992], %swap3A_995 {strides = array<i32>} : memref<12288xf32, #tpu.memory_space<vmem>>, vector<16xf32>,
        %get3A_996 = arith.constant 0 : index
        %get3A_997 = tpu.vector_load %arg13[%get3A_996] {strides = array<i32>} : memref<16xf32, #tpu.memory_space<vmem>>, vector<16xf32>,
        %get3A_998 = vector.shape_cast %get3A_997 : vector<16xf32> to vector<16xf32>
        %max3A = arith.maximumf %get3A_998, %add3A_991 : vector<16xf32>
        %swap3A_999 = arith.constant 0 : index
        %swap3A_1000 = tpu.vector_load %arg13[%swap3A_999] {strides = array<i32>} : memref<16xf32, #tpu.memory_space<vmem>>, vector<16xf32>,
        %swap3A_1001 = vector.shape_cast %swap3A_1000 : vector<16xf32> to vector<16xf32>
        %swap3A_1002 = vector.shape_cast %max3A : vector<16xf32> to vector<16xf32>
        tpu.vector_store %arg13[%swap3A_999], %swap3A_1002 {strides = array<i32>} : memref<16xf32, #tpu.memory_space<vmem>>, vector<16xf32>,
      }
      %scan3A_742 = arith.constant 32 : i32
      %add3A_743 = arith.constant 2 : i32
      %add3A_744 = arith.addi %add3A_59, %add3A_743 : i32
      %lt3A_745 = arith.constant 24 : i32
      %lt3A_746 = arith.cmpi slt, %add3A_744, %lt3A_745 : i32
      %convert_element_type3A_747 = arith.extui %lt3A_746 : i1 to i32
      %cond3A_748 = arith.constant 0 : i32
      %cond3A_749 = arith.cmpi ne, %convert_element_type3A_747, %cond3A_748 : i32
      scf.if %cond3A_749 {
        %add3A_750 = arith.constant 2 : i32
        %add3A_751 = arith.addi %add3A_59, %add3A_750 : i32
        %mul3A_752 = arith.constant 512 : i32
        %mul3A_753 = arith.muli %add3A_751, %mul3A_752 : i32
        %add3A_754 = arith.addi %mul3A_2, %mul3A_753 : i32
        %dma_start3A_755 = arith.constant 0 : i32
        %dma_start3A_756 = tpu.memref_slice %arg2[%dma_start3A_755, %add3A_754] : memref<64x1000000xf32, #tpu.memory_space<hbm>> -> memref<64x512xf32, #tpu.memory_space<hbm>>
        %dma_start3A_757 = arith.constant 0 : i32
        %dma_start3A_758 = tpu.memref_slice %arg2[%dma_start3A_757, %add3A_754] : memref<64x1000000xf32, #tpu.memory_space<hbm>> -> memref<64x512xf32, #tpu.memory_space<hbm>>
        tpu.enqueue_dma source(%dma_start3A_758 : memref<64x512xf32, #tpu.memory_space<hbm>>) target(%arg9 : memref<64x512xf32, #tpu.memory_space<vmem>>) target_semaphore(%arg17 : memref<!tpu.dma_semaphore, #tpu.memory_space<semaphore_mem>>)
      } else {
      }
    }
    %scan3A_20 = arith.constant 12 : i32
    %get3A = arith.constant 0 : index
    %get3A_21 = tpu.vector_load %arg13[%get3A] {strides = array<i32>} : memref<16xf32, #tpu.memory_space<vmem>>, vector<16xf32>,
    %get3A_22 = vector.shape_cast %get3A_21 : vector<16xf32> to vector<16xf32>
    %broadcast_in_dim3A_23 = arith.constant 0.000000e+00 : f32
    %broadcast_in_dim3A_24 = vector.broadcast %broadcast_in_dim3A_23 : f32 to vector<16xf32>
    %swap3A_25 = arith.constant 0 : index
    %swap3A_26 = tpu.vector_load %arg14[%swap3A_25] {strides = array<i32>} : memref<16xf32, #tpu.memory_space<vmem>>, vector<16xf32>,
    %swap3A_27 = vector.shape_cast %swap3A_26 : vector<16xf32> to vector<16xf32>
    %swap3A_28 = vector.shape_cast %broadcast_in_dim3A_24 : vector<16xf32> to vector<16xf32>
    tpu.vector_store %arg14[%swap3A_25], %swap3A_28 {strides = array<i32>} : memref<16xf32, #tpu.memory_space<vmem>>, vector<16xf32>,
    %scan3A_29 = arith.constant 0 : i32
    %scan3A_30 = arith.constant 0 : i32
    %scan3A_31 = arith.constant 768 : i32
    %scan3A_32 = arith.addi %scan3A_30, %scan3A_31 : i32
    %scan3A_33 = arith.constant 1 : i32
    scf.for %scan3A_53 = %scan3A_30 to %scan3A_32 step %scan3A_33  : i32 {
      %get3A_54 = arith.constant 0 : index
      %get3A_55 = tpu.vector_load %arg14[%get3A_54] {strides = array<i32>} : memref<16xf32, #tpu.memory_space<vmem>>, vector<16xf32>,
      %get3A_56 = vector.shape_cast %get3A_55 : vector<16xf32> to vector<16xf32>
      %mul3A_57 = arith.constant 16 : i32
      %mul3A_58 = arith.muli %scan3A_53, %mul3A_57 : i32
      %get3A_59 = arith.index_cast %mul3A_58 : i32 to index
      %get3A_60 = tpu.vector_load %arg10[%get3A_59] {strides = array<i32>} : memref<12288xf32, #tpu.memory_space<vmem>>, vector<16xf32>,
      %get3A_61 = vector.shape_cast %get3A_60 : vector<16xf32> to vector<16xf32>
      %sub3A = arith.subf %get3A_61, %get3A_22 : vector<16xf32>
      %exp3A = math.exp %sub3A : vector<16xf32>
      %add3A_62 = arith.addf %get3A_56, %exp3A : vector<16xf32>
      %swap3A_63 = arith.constant 0 : index
      %swap3A_64 = tpu.vector_load %arg14[%swap3A_63] {strides = array<i32>} : memref<16xf32, #tpu.memory_space<vmem>>, vector<16xf32>,
      %swap3A_65 = vector.shape_cast %swap3A_64 : vector<16xf32> to vector<16xf32>
      %swap3A_66 = vector.shape_cast %add3A_62 : vector<16xf32> to vector<16xf32>
      tpu.vector_store %arg14[%swap3A_63], %swap3A_66 {strides = array<i32>} : memref<16xf32, #tpu.memory_space<vmem>>, vector<16xf32>,
    }
    %scan3A_34 = arith.constant 768 : i32
    "tpu.region"() ({
      %run_scoped3A = tpu.sem_alloc : memref<!tpu.dma_semaphore, #tpu.memory_space<semaphore_mem>>
      %dma_start3A_53 = tpu.memref_slice %arg5[%mul3A_2] : memref<393216xf32, #tpu.memory_space<hbm>> -> memref<12288xf32, #tpu.memory_space<hbm>>
      %dma_start3A_54 = tpu.memref_slice %arg5[%mul3A_2] : memref<393216xf32, #tpu.memory_space<hbm>> -> memref<12288xf32, #tpu.memory_space<hbm>>
      tpu.enqueue_dma source(%arg10 : memref<12288xf32, #tpu.memory_space<vmem>>) target(%dma_start3A_54 : memref<12288xf32, #tpu.memory_space<hbm>>) target_semaphore(%run_scoped3A : memref<!tpu.dma_semaphore, #tpu.memory_space<semaphore_mem>>)
      %dma_wait3A = tpu.memref_slice %arg5[%mul3A_2] : memref<393216xf32, #tpu.memory_space<hbm>> -> memref<12288xf32, #tpu.memory_space<hbm>>
      %dma_wait3A_55 = tpu.memref_slice %arg5[%mul3A_2] : memref<393216xf32, #tpu.memory_space<hbm>> -> memref<12288xf32, #tpu.memory_space<hbm>>
      tpu.wait_dma2 semaphore(%run_scoped3A : memref<!tpu.dma_semaphore, #tpu.memory_space<semaphore_mem>>) src(%arg10 : memref<12288xf32, #tpu.memory_space<vmem>>) dst(%dma_wait3A_55 : memref<12288xf32, #tpu.memory_space<hbm>>)
      tpu.yield
    }) : () -> ()
    %get3A_35 = arith.constant 0 : index
    %get3A_36 = tpu.vector_load %arg13[%get3A_35] {strides = array<i32>} : memref<16xf32, #tpu.memory_space<vmem>>, vector<16xf32>,
    %get3A_37 = vector.shape_cast %get3A_36 : vector<16xf32> to vector<16xf32>
    %swap3A_38 = arith.constant 0 : i32
    %swap3A_39 = arith.index_cast %swap3A_38 : i32 to index
    %swap3A_40 = arith.constant 0 : index
    %swap3A_41 = tpu.vector_load %arg15[%swap3A_39, %swap3A_40] {strides = array<i32>} : memref<1x16xf32, #tpu.memory_space<vmem>>, vector<1x16xf32>,
    %swap3A_42 = vector.shape_cast %swap3A_41 : vector<1x16xf32> to vector<16xf32>
    %swap3A_43 = vector.shape_cast %get3A_37 : vector<16xf32> to vector<1x16xf32>
    tpu.vector_store %arg15[%swap3A_39, %swap3A_40], %swap3A_43 {strides = array<i32>} : memref<1x16xf32, #tpu.memory_space<vmem>>, vector<1x16xf32>,
    "tpu.region"() ({
      %run_scoped3A = tpu.sem_alloc : memref<!tpu.dma_semaphore, #tpu.memory_space<semaphore_mem>>
      %dma_start3A_53 = arith.constant 0 : i32
      %dma_start3A_54 = tpu.memref_slice %arg6[%add3A, %dma_start3A_53] : memref<32x16xf32, #tpu.memory_space<hbm>> -> memref<1x16xf32, #tpu.memory_space<hbm>>
      %dma_start3A_55 = arith.constant 0 : i32
      %dma_start3A_56 = tpu.memref_slice %arg6[%add3A, %dma_start3A_55] : memref<32x16xf32, #tpu.memory_space<hbm>> -> memref<1x16xf32, #tpu.memory_space<hbm>>
      tpu.enqueue_dma source(%arg15 : memref<1x16xf32, #tpu.memory_space<vmem>>) target(%dma_start3A_56 : memref<1x16xf32, #tpu.memory_space<hbm>>) target_semaphore(%run_scoped3A : memref<!tpu.dma_semaphore, #tpu.memory_space<semaphore_mem>>)
      %dma_wait3A = arith.constant 0 : i32
      %dma_wait3A_57 = tpu.memref_slice %arg6[%add3A, %dma_wait3A] : memref<32x16xf32, #tpu.memory_space<hbm>> -> memref<1x16xf32, #tpu.memory_space<hbm>>
      %dma_wait3A_58 = arith.constant 0 : i32
      %dma_wait3A_59 = tpu.memref_slice %arg6[%add3A, %dma_wait3A_58] : memref<32x16xf32, #tpu.memory_space<hbm>> -> memref<1x16xf32, #tpu.memory_space<hbm>>
      tpu.wait_dma2 semaphore(%run_scoped3A : memref<!tpu.dma_semaphore, #tpu.memory_space<semaphore_mem>>) src(%arg15 : memref<1x16xf32, #tpu.memory_space<vmem>>) dst(%dma_wait3A_59 : memref<1x16xf32, #tpu.memory_space<hbm>>)
      tpu.yield
    }) : () -> ()
    %get3A_44 = arith.constant 0 : index
    %get3A_45 = tpu.vector_load %arg14[%get3A_44] {strides = array<i32>} : memref<16xf32, #tpu.memory_space<vmem>>, vector<16xf32>,
    %get3A_46 = vector.shape_cast %get3A_45 : vector<16xf32> to vector<16xf32>
    %swap3A_47 = arith.constant 0 : i32
    %swap3A_48 = arith.index_cast %swap3A_47 : i32 to index
    %swap3A_49 = arith.constant 0 : index
    %swap3A_50 = tpu.vector_load %arg15[%swap3A_48, %swap3A_49] {strides = array<i32>} : memref<1x16xf32, #tpu.memory_space<vmem>>, vector<1x16xf32>,
    %swap3A_51 = vector.shape_cast %swap3A_50 : vector<1x16xf32> to vector<16xf32>
    %swap3A_52 = vector.shape_cast %get3A_46 : vector<16xf32> to vector<1x16xf32>
    tpu.vector_store %arg15[%swap3A_48, %swap3A_49], %swap3A_52 {strides = array<i32>} : memref<1x16xf32, #tpu.memory_space<vmem>>, vector<1x16xf32>,
    "tpu.region"() ({
      %run_scoped3A = tpu.sem_alloc : memref<!tpu.dma_semaphore, #tpu.memory_space<semaphore_mem>>
      %dma_start3A_53 = arith.constant 0 : i32
      %dma_start3A_54 = tpu.memref_slice %arg7[%add3A, %dma_start3A_53] : memref<32x16xf32, #tpu.memory_space<hbm>> -> memref<1x16xf32, #tpu.memory_space<hbm>>
      %dma_start3A_55 = arith.constant 0 : i32
      %dma_start3A_56 = tpu.memref_slice %arg7[%add3A, %dma_start3A_55] : memref<32x16xf32, #tpu.memory_space<hbm>> -> memref<1x16xf32, #tpu.memory_space<hbm>>
      tpu.enqueue_dma source(%arg15 : memref<1x16xf32, #tpu.memory_space<vmem>>) target(%dma_start3A_56 : memref<1x16xf32, #tpu.memory_space<hbm>>) target_semaphore(%run_scoped3A : memref<!tpu.dma_semaphore, #tpu.memory_space<semaphore_mem>>)
      %dma_wait3A = arith.constant 0 : i32
      %dma_wait3A_57 = tpu.memref_slice %arg7[%add3A, %dma_wait3A] : memref<32x16xf32, #tpu.memory_space<hbm>> -> memref<1x16xf32, #tpu.memory_space<hbm>>
      %dma_wait3A_58 = arith.constant 0 : i32
      %dma_wait3A_59 = tpu.memref_slice %arg7[%add3A, %dma_wait3A_58] : memref<32x16xf32, #tpu.memory_space<hbm>> -> memref<1x16xf32, #tpu.memory_space<hbm>>
      tpu.wait_dma2 semaphore(%run_scoped3A : memref<!tpu.dma_semaphore, #tpu.memory_space<semaphore_mem>>) src(%arg15 : memref<1x16xf32, #tpu.memory_space<vmem>>) dst(%dma_wait3A_59 : memref<1x16xf32, #tpu.memory_space<hbm>>)
      tpu.yield
    }) : () -> ()
    return
  }
}

module attributes {stable_mosaic.version = 14 : i64} {
  func.func @_matvec_body(%arg0: i32, %arg1: memref<64x1xf32, #tpu.memory_space<vmem>>, %arg2: memref<64x32768xf32, #tpu.memory_space<vmem>>, %arg3: memref<32768xf32, #tpu.memory_space<vmem>>, %arg4: memref<32768xf32, #tpu.memory_space<vmem>>, %arg5: memref<2xf32, #tpu.memory_space<smem>>, %arg6: memref<1xf32, #tpu.memory_space<smem>>, %arg7: memref<1xf32, #tpu.memory_space<smem>>) attributes {dimension_semantics = [#tpu.dimension_semantics<arbitrary>], iteration_bounds = array<i64: 19>, scalar_prefetch = 0 : i64, scratch_operands = 2 : i64, tpu.core_type = #tpu.core_type<tc>, window_params = [{pipeline_mode = #tpu.pipeline_mode<synchronous>, transform_indices = @transform_0, window_bounds = array<i64: 64, 1>}, {transform_indices = @transform_1, window_bounds = array<i64: 64, 32768>}, {transform_indices = @transform_2, window_bounds = array<i64: 32768>}, {transform_indices = @transform_3, window_bounds = array<i64: 32768>}, {transform_indices = @transform_4, window_bounds = array<i64: 2>}]} {
    %eq3A = arith.constant 0 : i32
    %eq3A_0 = arith.cmpi eq, %arg0, %eq3A : i32
    %convert_element_type3A = arith.extui %eq3A_0 : i1 to i32
    %cond3A = arith.constant 0 : i32
    %cond3A_1 = arith.cmpi ne, %convert_element_type3A, %cond3A : i32
    scf.if %cond3A_1 {
      %swap3A_45 = arith.constant 0xFF800000 : f32
      %swap3A_46 = arith.constant 0 : index
      %swap3A_47 = memref.load %arg6[%swap3A_46] : memref<1xf32, #tpu.memory_space<smem>>
      memref.store %swap3A_45, %arg6[%swap3A_46] : memref<1xf32, #tpu.memory_space<smem>>
      %swap3A_48 = arith.constant 0.000000e+00 : f32
      %swap3A_49 = arith.constant 0 : index
      %swap3A_50 = memref.load %arg7[%swap3A_49] : memref<1xf32, #tpu.memory_space<smem>>
      memref.store %swap3A_48, %arg7[%swap3A_49] : memref<1xf32, #tpu.memory_space<smem>>
    } else {
    }
    %get3A = arith.constant 0 : index
    %get3A_2 = arith.constant 0 : index
    %get3A_3 = vector.load %arg1[%get3A, %get3A_2] : memref<64x1xf32, #tpu.memory_space<vmem>>, vector<64x1xf32>
    %get3A_4 = arith.constant 0 : index
    %get3A_5 = arith.constant 0 : index
    %get3A_6 = vector.load %arg2[%get3A_4, %get3A_5] : memref<64x32768xf32, #tpu.memory_space<vmem>>, vector<64x32768xf32>
    %dot_general3A = arith.constant dense<0.000000e+00> : vector<1x32768xf32>
    %dot_general3A_7 = tpu.matmul %get3A_3, %get3A_6, %dot_general3A {dimension_numbers = #tpu.dot_dimension_numbers<[0], [0], [1], [1], [0, 1, 1, 1], [], []>, transpose_lhs_hint = false} : vector<64x1xf32>, vector<64x32768xf32>, vector<1x32768xf32> -> vector<1x32768xf32>
    %get3A_8 = arith.constant 0 : index
    %get3A_9 = vector.load %arg3[%get3A_8] : memref<32768xf32, #tpu.memory_space<vmem>>, vector<32768xf32>
    %broadcast_in_dim3A = vector.shape_cast %get3A_9 : vector<32768xf32> to vector<1x32768xf32>
    %add3A = arith.addf %dot_general3A_7, %broadcast_in_dim3A : vector<1x32768xf32>
    %add3A_10 = arith.constant 12 : i32
    %add3A_11 = arith.addi %add3A_10, %arg0 : i32
    %mul3A = arith.constant 32768 : i32
    %mul3A_12 = arith.muli %add3A_11, %mul3A : i32
    %iota3A = tpu.iota {dimensions = array<i32: 1>} : vector<1x32768xi32>
    %add3A_13 = vector.broadcast %mul3A_12 : i32 to vector<1x32768xi32>
    %add3A_14 = arith.addi %add3A_13, %iota3A : vector<1x32768xi32>
    %lt3A = arith.constant 1000000 : i32
    %lt3A_15 = vector.broadcast %lt3A : i32 to vector<1x32768xi32>
    %lt3A_16 = arith.cmpi slt, %add3A_14, %lt3A_15 : vector<1x32768xi32>
    %jit3A = arith.constant 0xFF800000 : f32
    %broadcast_in_dim3A_17 = vector.broadcast %jit3A : f32 to vector<1x32768xf32>
    %select_n3A = arith.select %lt3A_16, %add3A, %broadcast_in_dim3A_17 : vector<1x32768xi1>, vector<1x32768xf32>
    %squeeze3A = vector.shape_cast %select_n3A : vector<1x32768xf32> to vector<32768xf32>
    %swap3A = arith.constant 0 : index
    %swap3A_18 = vector.load %arg4[%swap3A] : memref<32768xf32, #tpu.memory_space<vmem>>, vector<32768xf32>
    tpu.vector_store %arg4[%swap3A], %squeeze3A {strides = array<i32>} : memref<32768xf32, #tpu.memory_space<vmem>>, vector<32768xf32>,
    %get3A_19 = arith.constant 0 : index
    %get3A_20 = memref.load %arg6[%get3A_19] : memref<1xf32, #tpu.memory_space<smem>>
    %reduce_max3A = vector.shape_cast %select_n3A : vector<1x32768xf32> to vector<1x1x32768xf32>
    %reduce_max3A_21 = arith.constant dense<0xFF800000> : vector<1xf32>
    %reduce_max3A_22 = vector.multi_reduction <maximumf>, %reduce_max3A, %reduce_max3A_21 [1, 2] : vector<1x1x32768xf32> to vector<1xf32>
    %reduce_max3A_23 = vector.shape_cast %reduce_max3A_22 : vector<1xf32> to vector<1x1x1xf32>
    %reduce_max3A_24 = vector.extract %reduce_max3A_23[0, 0, 0] : f32 from vector<1x1x1xf32>
    %max3A = arith.maximumf %get3A_20, %reduce_max3A_24 : f32
    %sub3A = vector.broadcast %max3A : f32 to vector<1x32768xf32>
    %sub3A_25 = arith.subf %select_n3A, %sub3A : vector<1x32768xf32>
    %exp3A = math.exp %sub3A_25 : vector<1x32768xf32>
    %reduce_sum3A = vector.shape_cast %exp3A : vector<1x32768xf32> to vector<1x1x32768xf32>
    %reduce_sum3A_26 = arith.constant dense<0.000000e+00> : vector<1xf32>
    %reduce_sum3A_27 = vector.multi_reduction <add>, %reduce_sum3A, %reduce_sum3A_26 [1, 2] : vector<1x1x32768xf32> to vector<1xf32>
    %reduce_sum3A_28 = vector.shape_cast %reduce_sum3A_27 : vector<1xf32> to vector<1x1x1xf32>
    %reduce_sum3A_29 = vector.extract %reduce_sum3A_28[0, 0, 0] : f32 from vector<1x1x1xf32>
    %get3A_30 = arith.constant 0 : index
    %get3A_31 = memref.load %arg7[%get3A_30] : memref<1xf32, #tpu.memory_space<smem>>
    %sub3A_32 = arith.subf %get3A_20, %max3A : f32
    %exp3A_33 = math.exp %sub3A_32 : f32
    %mul3A_34 = arith.mulf %get3A_31, %exp3A_33 : f32
    %add3A_35 = arith.addf %mul3A_34, %reduce_sum3A_29 : f32
    %swap3A_36 = arith.constant 0 : index
    %swap3A_37 = memref.load %arg7[%swap3A_36] : memref<1xf32, #tpu.memory_space<smem>>
    memref.store %add3A_35, %arg7[%swap3A_36] : memref<1xf32, #tpu.memory_space<smem>>
    %swap3A_38 = arith.constant 0 : index
    %swap3A_39 = memref.load %arg6[%swap3A_38] : memref<1xf32, #tpu.memory_space<smem>>
    memref.store %max3A, %arg6[%swap3A_38] : memref<1xf32, #tpu.memory_space<smem>>
    %eq3A_40 = arith.constant 18 : i32
    %eq3A_41 = arith.cmpi eq, %arg0, %eq3A_40 : i32
    %convert_element_type3A_42 = arith.extui %eq3A_41 : i1 to i32
    %cond3A_43 = arith.constant 0 : i32
    %cond3A_44 = arith.cmpi ne, %convert_element_type3A_42, %cond3A_43 : i32
    scf.if %cond3A_44 {
      %get3A_45 = arith.constant 0 : index
      %get3A_46 = memref.load %arg6[%get3A_45] : memref<1xf32, #tpu.memory_space<smem>>
      %swap3A_47 = arith.constant 0 : index
      %swap3A_48 = memref.load %arg5[%swap3A_47] : memref<2xf32, #tpu.memory_space<smem>>
      memref.store %get3A_46, %arg5[%swap3A_47] : memref<2xf32, #tpu.memory_space<smem>>
      %get3A_49 = arith.constant 0 : index
      %get3A_50 = memref.load %arg7[%get3A_49] : memref<1xf32, #tpu.memory_space<smem>>
      %swap3A_51 = arith.constant 1 : index
      %swap3A_52 = memref.load %arg5[%swap3A_51] : memref<2xf32, #tpu.memory_space<smem>>
      memref.store %get3A_50, %arg5[%swap3A_51] : memref<2xf32, #tpu.memory_space<smem>>
    } else {
    }
    return
  }
  func.func @transform_0(%arg0: i32) -> (i32, i32) {
    %c0_i32 = arith.constant 0 : i32
    %c0_i32_0 = arith.constant 0 : i32
    %c0_i32_1 = arith.constant 0 : i32
    return %c0_i32, %c0_i32_0 : i32, i32
  }
  func.func @transform_1(%arg0: i32) -> (i32, i32) {
    %add3A = arith.constant 12 : i32
    %add3A_0 = arith.addi %add3A, %arg0 : i32
    %c0_i32 = arith.constant 0 : i32
    %c0_i32_1 = arith.constant 0 : i32
    return %c0_i32, %add3A_0 : i32, i32
  }
  func.func @transform_2(%arg0: i32) -> i32 {
    %add3A = arith.constant 12 : i32
    %add3A_0 = arith.addi %add3A, %arg0 : i32
    %c0_i32 = arith.constant 0 : i32
    return %add3A_0 : i32
  }
  func.func @transform_3(%arg0: i32) -> i32 {
    %c0_i32 = arith.constant 0 : i32
    return %arg0 : i32
  }
  func.func @transform_4(%arg0: i32) -> i32 {
    %c0_i32 = arith.constant 0 : i32
    %c0_i32_0 = arith.constant 0 : i32
    return %c0_i32 : i32
  }
}

module attributes {stable_mosaic.version = 14 : i64} {
  func.func @_gather_body(%arg0: i32, %arg1: memref<200xi32, #tpu.memory_space<smem>>, %arg2: memref<64x128xf32, #tpu.memory_space<vmem>>, %arg3: memref<64x128xf32, #tpu.memory_space<vmem>>) attributes {dimension_semantics = [#tpu.dimension_semantics<arbitrary>], iteration_bounds = array<i64: 200>, scalar_prefetch = 1 : i64, scratch_operands = 0 : i64, tpu.core_type = #tpu.core_type<tc>, window_params = [{transform_indices = @transform_0, window_bounds = array<i64: 64, 128>}, {pipeline_mode = #tpu.pipeline_mode<synchronous>, transform_indices = @transform_1, window_bounds = array<i64: 64, 128>}]} {
    %eq3A = arith.constant 0 : i32
    %eq3A_0 = arith.cmpi eq, %arg0, %eq3A : i32
    %convert_element_type3A = arith.extui %eq3A_0 : i1 to i32
    %cond3A = arith.constant 0 : i32
    %cond3A_1 = arith.cmpi ne, %convert_element_type3A, %cond3A : i32
    scf.if %cond3A_1 {
      %broadcast_in_dim3A_30 = arith.constant 0.000000e+00 : f32
      %broadcast_in_dim3A_31 = vector.broadcast %broadcast_in_dim3A_30 : f32 to vector<64x128xf32>
      %swap3A_32 = arith.constant 0 : index
      %swap3A_33 = arith.constant 0 : index
      %swap3A_34 = vector.load %arg3[%swap3A_32, %swap3A_33] : memref<64x128xf32, #tpu.memory_space<vmem>>, vector<64x128xf32>
      tpu.vector_store %arg3[%swap3A_32, %swap3A_33], %broadcast_in_dim3A_31 {strides = array<i32>} : memref<64x128xf32, #tpu.memory_space<vmem>>, vector<64x128xf32>,
    } else {
    }
    %get3A = arith.index_cast %arg0 : i32 to index
    %get3A_2 = memref.load %arg1[%get3A] : memref<200xi32, #tpu.memory_space<smem>>
    %jit3A = arith.constant 128 : i32
    %eq3A_3 = arith.constant 0 : i32
    %eq3A_4 = arith.cmpi eq, %jit3A, %eq3A_3 : i32
    %jit3A_5 = arith.constant 1 : i32
    %select_n3A = arith.select %eq3A_4, %jit3A_5, %jit3A : i32
    %rem3A = arith.remsi %get3A_2, %select_n3A : i32
    %ne3A = arith.constant 0 : i32
    %ne3A_6 = arith.cmpi ne, %rem3A, %ne3A : i32
    %lt3A = arith.constant 0 : i32
    %lt3A_7 = arith.cmpi slt, %rem3A, %lt3A : i32
    %lt3A_8 = arith.constant 0 : i32
    %lt3A_9 = arith.cmpi slt, %select_n3A, %lt3A_8 : i32
    %ne3A_10 = arith.xori %lt3A_7, %lt3A_9 : i1
    %and3A = arith.andi %ne3A_10, %ne3A_6 : i1
    %add3A = arith.addi %rem3A, %select_n3A : i32
    %select_n3A_11 = arith.select %and3A, %add3A, %rem3A : i32
    %iota3A = tpu.iota {dimensions = array<i32: 1>} : vector<64x128xi32>
    %eq3A_12 = vector.broadcast %select_n3A_11 : i32 to vector<64x128xi32>
    %eq3A_13 = arith.cmpi eq, %iota3A, %eq3A_12 : vector<64x128xi32>
    %get3A_14 = arith.constant 0 : index
    %get3A_15 = arith.constant 0 : index
    %get3A_16 = vector.load %arg3[%get3A_14, %get3A_15] : memref<64x128xf32, #tpu.memory_space<vmem>>, vector<64x128xf32>
    %get3A_17 = arith.constant 0 : index
    %get3A_18 = arith.constant 0 : index
    %get3A_19 = vector.load %arg2[%get3A_17, %get3A_18] : memref<64x128xf32, #tpu.memory_space<vmem>>, vector<64x128xf32>
    %jit3A_20 = arith.constant 0.000000e+00 : f32
    %broadcast_in_dim3A = vector.broadcast %jit3A_20 : f32 to vector<64x128xf32>
    %select_n3A_21 = arith.select %eq3A_13, %get3A_19, %broadcast_in_dim3A : vector<64x128xi1>, vector<64x128xf32>
    %add3A_22 = arith.addf %get3A_16, %select_n3A_21 : vector<64x128xf32>
    %swap3A = arith.constant 0 : index
    %swap3A_23 = arith.constant 0 : index
    %swap3A_24 = vector.load %arg3[%swap3A, %swap3A_23] : memref<64x128xf32, #tpu.memory_space<vmem>>, vector<64x128xf32>
    tpu.vector_store %arg3[%swap3A, %swap3A_23], %add3A_22 {strides = array<i32>} : memref<64x128xf32, #tpu.memory_space<vmem>>, vector<64x128xf32>,
    %eq3A_25 = arith.constant 199 : i32
    %eq3A_26 = arith.cmpi eq, %arg0, %eq3A_25 : i32
    %convert_element_type3A_27 = arith.extui %eq3A_26 : i1 to i32
    %cond3A_28 = arith.constant 0 : i32
    %cond3A_29 = arith.cmpi ne, %convert_element_type3A_27, %cond3A_28 : i32
    scf.if %cond3A_29 {
      %get3A_30 = arith.constant 0 : index
      %get3A_31 = arith.constant 0 : index
      %get3A_32 = vector.load %arg3[%get3A_30, %get3A_31] : memref<64x128xf32, #tpu.memory_space<vmem>>, vector<64x128xf32>
      %reduce_sum3A = arith.constant dense<0.000000e+00> : vector<64xf32>
      %reduce_sum3A_33 = vector.multi_reduction <add>, %get3A_32, %reduce_sum3A [1] : vector<64x128xf32> to vector<64xf32>
      %broadcast_in_dim3A_34 = vector.shape_cast %reduce_sum3A_33 : vector<64xf32> to vector<64x1xf32>
      %mul3A = arith.constant 5.000000e-03 : f32
      %mul3A_35 = vector.broadcast %mul3A : f32 to vector<64x1xf32>
      %mul3A_36 = arith.mulf %broadcast_in_dim3A_34, %mul3A_35 : vector<64x1xf32>
      %broadcast_in_dim3A_37 = vector.shape_cast %mul3A_36 : vector<64x1xf32> to vector<64x1xf32>
      %broadcast_in_dim3A_38 = vector.broadcast %broadcast_in_dim3A_37 : vector<64x1xf32> to vector<64x128xf32>
      %swap3A_39 = arith.constant 0 : index
      %swap3A_40 = arith.constant 0 : index
      %swap3A_41 = vector.load %arg3[%swap3A_39, %swap3A_40] : memref<64x128xf32, #tpu.memory_space<vmem>>, vector<64x128xf32>
      tpu.vector_store %arg3[%swap3A_39, %swap3A_40], %broadcast_in_dim3A_38 {strides = array<i32>} : memref<64x128xf32, #tpu.memory_space<vmem>>, vector<64x128xf32>,
    } else {
    }
    return
  }
  func.func @transform_0(%arg0: i32, %arg1: memref<200xi32, #tpu.memory_space<smem>>) -> (i32, i32) {
    %get3A = arith.index_cast %arg0 : i32 to index
    %get3A_0 = memref.load %arg1[%get3A] : memref<200xi32, #tpu.memory_space<smem>>
    %jit3A = arith.constant 128 : i32
    %div3A = arith.divsi %get3A_0, %jit3A : i32
    %sign3A = arith.constant 0 : i32
    %sign3A_1 = arith.cmpi sgt, %get3A_0, %sign3A : i32
    %sign3A_2 = arith.extui %sign3A_1 : i1 to i32
    %sign3A_3 = arith.constant 0 : i32
    %sign3A_4 = arith.cmpi slt, %get3A_0, %sign3A_3 : i32
    %sign3A_5 = arith.extui %sign3A_4 : i1 to i32
    %sign3A_6 = arith.subi %sign3A_2, %sign3A_5 : i32
    %sign3A_7 = arith.constant 0 : i32
    %sign3A_8 = arith.cmpi sgt, %jit3A, %sign3A_7 : i32
    %sign3A_9 = arith.extui %sign3A_8 : i1 to i32
    %sign3A_10 = arith.constant 0 : i32
    %sign3A_11 = arith.cmpi slt, %jit3A, %sign3A_10 : i32
    %sign3A_12 = arith.extui %sign3A_11 : i1 to i32
    %sign3A_13 = arith.subi %sign3A_9, %sign3A_12 : i32
    %ne3A = arith.cmpi ne, %sign3A_6, %sign3A_13 : i32
    %rem3A = arith.remsi %get3A_0, %jit3A : i32
    %ne3A_14 = arith.constant 0 : i32
    %ne3A_15 = arith.cmpi ne, %rem3A, %ne3A_14 : i32
    %and3A = arith.andi %ne3A, %ne3A_15 : i1
    %sub3A = arith.constant 1 : i32
    %sub3A_16 = arith.subi %div3A, %sub3A : i32
    %select_n3A = arith.select %and3A, %sub3A_16, %div3A : i32
    %c0_i32 = arith.constant 0 : i32
    %c0_i32_17 = arith.constant 0 : i32
    return %c0_i32, %select_n3A : i32, i32
  }
  func.func @transform_1(%arg0: i32, %arg1: memref<200xi32, #tpu.memory_space<smem>>) -> (i32, i32) {
    %c0_i32 = arith.constant 0 : i32
    %c0_i32_0 = arith.constant 0 : i32
    %c0_i32_1 = arith.constant 0 : i32
    return %c0_i32, %c0_i32_0 : i32, i32
  }
}

module attributes {stable_mosaic.version = 14 : i64} {
  func.func @_norm_body(%arg0: i32, %arg1: memref<32768xf32, #tpu.memory_space<vmem>>, %arg2: memref<32768xf32, #tpu.memory_space<vmem>>, %arg3: memref<32x16xf32, #tpu.memory_space<vmem>>, %arg4: memref<32x16xf32, #tpu.memory_space<vmem>>, %arg5: memref<2xf32, #tpu.memory_space<smem>>, %arg6: memref<32768xf32, #tpu.memory_space<vmem>>) attributes {dimension_semantics = [#tpu.dimension_semantics<arbitrary>], iteration_bounds = array<i64: 31>, scalar_prefetch = 0 : i64, scratch_operands = 0 : i64, tpu.core_type = #tpu.core_type<tc>, window_params = [{transform_indices = @transform_0, window_bounds = array<i64: 32768>}, {transform_indices = @transform_1, window_bounds = array<i64: 32768>}, {pipeline_mode = #tpu.pipeline_mode<synchronous>, transform_indices = @transform_2, window_bounds = array<i64: 32, 16>}, {pipeline_mode = #tpu.pipeline_mode<synchronous>, transform_indices = @transform_3, window_bounds = array<i64: 32, 16>}, {transform_indices = @transform_4, window_bounds = array<i64: 2>}, {transform_indices = @transform_5, window_bounds = array<i64: 32768>}]} {
    %get3A = arith.constant 0 : index
    %get3A_0 = arith.constant 0 : index
    %get3A_1 = vector.load %arg3[%get3A, %get3A_0] : memref<32x16xf32, #tpu.memory_space<vmem>>, vector<32x16xf32>
    %get3A_2 = arith.constant 0 : index
    %get3A_3 = arith.constant 0 : index
    %get3A_4 = vector.load %arg4[%get3A_2, %get3A_3] : memref<32x16xf32, #tpu.memory_space<vmem>>, vector<32x16xf32>
    %get3A_5 = arith.constant 0 : index
    %get3A_6 = memref.load %arg5[%get3A_5] : memref<2xf32, #tpu.memory_space<smem>>
    %get3A_7 = arith.constant 1 : index
    %get3A_8 = memref.load %arg5[%get3A_7] : memref<2xf32, #tpu.memory_space<smem>>
    %reduce_max3A = vector.shape_cast %get3A_1 : vector<32x16xf32> to vector<1x32x16xf32>
    %reduce_max3A_9 = arith.constant dense<0xFF800000> : vector<1xf32>
    %reduce_max3A_10 = vector.multi_reduction <maximumf>, %reduce_max3A, %reduce_max3A_9 [1, 2] : vector<1x32x16xf32> to vector<1xf32>
    %reduce_max3A_11 = vector.shape_cast %reduce_max3A_10 : vector<1xf32> to vector<1x1x1xf32>
    %reduce_max3A_12 = vector.extract %reduce_max3A_11[0, 0, 0] : f32 from vector<1x1x1xf32>
    %max3A = arith.maximumf %reduce_max3A_12, %get3A_6 : f32
    %sub3A = vector.broadcast %max3A : f32 to vector<32x16xf32>
    %sub3A_13 = arith.subf %get3A_1, %sub3A : vector<32x16xf32>
    %exp3A = math.exp %sub3A_13 : vector<32x16xf32>
    %mul3A = arith.mulf %get3A_4, %exp3A : vector<32x16xf32>
    %reduce_sum3A = vector.shape_cast %mul3A : vector<32x16xf32> to vector<1x32x16xf32>
    %reduce_sum3A_14 = arith.constant dense<0.000000e+00> : vector<1xf32>
    %reduce_sum3A_15 = vector.multi_reduction <add>, %reduce_sum3A, %reduce_sum3A_14 [1, 2] : vector<1x32x16xf32> to vector<1xf32>
    %reduce_sum3A_16 = vector.shape_cast %reduce_sum3A_15 : vector<1xf32> to vector<1x1x1xf32>
    %reduce_sum3A_17 = vector.extract %reduce_sum3A_16[0, 0, 0] : f32 from vector<1x1x1xf32>
    %sub3A_18 = arith.subf %get3A_6, %max3A : f32
    %exp3A_19 = math.exp %sub3A_18 : f32
    %mul3A_20 = arith.mulf %get3A_8, %exp3A_19 : f32
    %add3A = arith.addf %reduce_sum3A_17, %mul3A_20 : f32
    %log3A = math.log %add3A : f32
    %add3A_21 = arith.addf %max3A, %log3A : f32
    %lt3A = arith.constant 12 : i32
    %lt3A_22 = arith.cmpi slt, %arg0, %lt3A : i32
    %get3A_23 = arith.constant 0 : index
    %get3A_24 = vector.load %arg2[%get3A_23] : memref<32768xf32, #tpu.memory_space<vmem>>, vector<32768xf32>
    %get3A_25 = arith.constant 0 : index
    %get3A_26 = vector.load %arg1[%get3A_25] : memref<32768xf32, #tpu.memory_space<vmem>>, vector<32768xf32>
    %select_n3A = arith.select %lt3A_22, %get3A_24, %get3A_26 : vector<32768xf32>
    %sub3A_27 = vector.broadcast %add3A_21 : f32 to vector<32768xf32>
    %sub3A_28 = arith.subf %select_n3A, %sub3A_27 : vector<32768xf32>
    %swap3A = arith.constant 0 : index
    %swap3A_29 = vector.load %arg6[%swap3A] : memref<32768xf32, #tpu.memory_space<vmem>>, vector<32768xf32>
    tpu.vector_store %arg6[%swap3A], %sub3A_28 {strides = array<i32>} : memref<32768xf32, #tpu.memory_space<vmem>>, vector<32768xf32>,
    return
  }
  func.func @transform_0(%arg0: i32) -> i32 {
    %sub3A = arith.constant 12 : i32
    %sub3A_0 = arith.subi %arg0, %sub3A : i32
    %jit3A = arith.constant 0 : i32
    %jit3A_1 = arith.constant 18 : i32
    %max3A = arith.maxsi %jit3A, %sub3A_0 : i32
    %min3A = arith.minsi %jit3A_1, %max3A : i32
    %c0_i32 = arith.constant 0 : i32
    return %min3A : i32
  }
  func.func @transform_1(%arg0: i32) -> i32 {
    %min3A = arith.constant 11 : i32
    %min3A_0 = arith.minsi %arg0, %min3A : i32
    %c0_i32 = arith.constant 0 : i32
    return %min3A_0 : i32
  }
  func.func @transform_2(%arg0: i32) -> (i32, i32) {
    %c0_i32 = arith.constant 0 : i32
    %c0_i32_0 = arith.constant 0 : i32
    %c0_i32_1 = arith.constant 0 : i32
    return %c0_i32, %c0_i32_0 : i32, i32
  }
  func.func @transform_3(%arg0: i32) -> (i32, i32) {
    %c0_i32 = arith.constant 0 : i32
    %c0_i32_0 = arith.constant 0 : i32
    %c0_i32_1 = arith.constant 0 : i32
    return %c0_i32, %c0_i32_0 : i32, i32
  }
  func.func @transform_4(%arg0: i32) -> i32 {
    %c0_i32 = arith.constant 0 : i32
    %c0_i32_0 = arith.constant 0 : i32
    return %c0_i32 : i32
  }
  func.func @transform_5(%arg0: i32) -> i32 {
    %c0_i32 = arith.constant 0 : i32
    return %arg0 : i32
  }
}

</mosaic_0001>

<sc_bundles>
// kernel: kernel.6.cloned.1.call-start
scs
__scs_entry_jumppad:
0x0: {  	(pc) =	sbr.rel $0x88, $3  }
0x1: {  	(tag) =	ssettag $0x0;
	lr =	simm.s32 $0x1  }
0x2: {  	[smem:$0x3F9D] =	sst lr;
	_ =	strace $0xD0000000  }
0x3: {  	_ = 	snop  }
0x4: {  	_ = 	snop  }
0x5: {  	_ = 	snop  }
0x6: {  	_ = 	snop  }
0x7: {  	_ = 	snop  }
__scs_overlays_trampoline_lowered:
0x8: {  	[smem:$0x3FAC] =	sst s0  }
0x9: {  	[smem:$0x3FAD] =	sst s1  }
0xa: {  	[smem:$0x3FAE] =	sst s2  }
0xb: {  	[smem:$0x3FAF] =	sst s3  }
0xc: {  	[smem:$0x3FB0] =	sst s4  }
0xd: {  	[smem:$0x3FB1] =	sst s5  }
0xe: {  	[smem:$0x3FB2] =	sst s6  }
0xf: {  	[smem:$0x3FB3] =	sst s7  }
0x10: {  	[smem:$0x3FB4] =	sst s8  }
0x11: {  	[smem:$0x3FB5] =	sst s9;
	s0 =	simm.s32 @!p0 $0x0  }
0x12: {  	s1 =	sld [smem:$0x3F9B];
	s0 =	simm.s32 @p0 $0x1  }
0x13: {  	[smem:$0x3FB6] =	sst s0;
	s0 =	simm.s32 @!p1 $0x0  }
0x14: {  	s2 =	sld [smem:$0x3F9A];
	s0 =	simm.s32 @p1 $0x1  }
0x15: {  	[smem:$0x3FB7] =	sst s0;
	s0 =	simm.s32 @!p2 $0x0  }
0x16: {  	s3 =	sld [smem:$0x3FDB];
	s0 =	simm.s32 @p2 $0x1  }
0x17: {  	s4 =	simm.s32 $0x1BF5;
	[smem:$0x3FB9] =	sst s0  }
0x18: {  	s0 =	sld [smem:$0x3F9C];
	_ =	swait.ge [sflag:s4], $0x0  }
0x19: {  	s7 =	sld [smem:$0x3F9D]  }
0x1a: {  	s8 =	sadd.s32 $0xFFFFE003, lr  }
0x1b: {  	s9 =	sadd.s32 $0xFFFFFEF7, lr;
	s5 =	simm.s32 $0xFFFFFFFF;
	p2 =	slt.u32 s8, $0xFFFFF086  }
0x1c: {  	p1 =	slt.u32 s9, $0xF7A;
	s5 =	simm.s32 @!p2 $0x0  }
0x1d: {  	s5 =	simm.s32 @p1 $0x1;
	p0 =	seq.s32 s7, s2  }
0x1e: {  	s7 =	smul.u32 @!p0 $0xF7A, s2;
	p2 =	seq.s32 @!p0 s5, $0x0  }
0x1f: {  	s9 =	smul.u32 $0xF7A, s1;
	s8 =	simm.s32 @!p0 $0x1BF5;
	p2 =	por !p2, p0  }
0x20: {  	[sflag:s8] =	ssyncset.s32 @!p0 $0xFFFFF086;
	s6 =	sadd.s32 @!p0 s3, s7;
	s7 =	simm.s32 @!p0 $0x108  }
0x21: {  	s3 =	sadd.s32 s3, s9;
	s6 =	sadd.s32 @!p0 $0x88, s6;
	s7 =	simm.s32 @p2 $0x1082  }
0x22: {  	[simem:s7], [sflag:s8] =	dma.local @!p0 [hbm:s6], $0xF7A  }
0x23: {  	s9 =	sor.u32 $0xD0000000, s2;
	s6 =	simm.s32 $0x108;
	_ =	swait.ge @!p0 [sflag:s8], $0x0  }
0x24: {  	s3 =	sadd.s32 $0x88, s3;
	s6 =	simm.s32 @!p1 $0x1082;
	[sflag:s4] =	ssyncset.s32 $0xFFFFF086  }
0x25: {  	[simem:s6], [sflag:s4] =	dma.local [hbm:s3], $0xF7A  }
0x26: {  	[smem:$0x3F9D] =	sst s1;
	(tag) =	ssettag s2;
	_ =	strace s9  }
0x27: {  	s1 =	sld [smem:$0x3FAD]  }
0x28: {  	s2 =	sld [smem:$0x3FAE]  }
0x29: {  	s4 =	sld [smem:$0x3FB0]  }
0x2a: {  	p0 =	seq.s32 s5, $0x0;
	s5 =	sld [smem:$0x3FB1]  }
0x2b: {  	s6 =	sld [smem:$0x3FB2]  }
0x2c: {  	s7 =	sld [smem:$0x3FB3]  }
0x2d: {  	s3 =	simm.s32 $0x108;
	s8 =	sld [smem:$0x3FB4]  }
0x2e: {  	s3 =	simm.s32 @!p0 $0x1082;
	s9 =	sld [smem:$0x3FB5]  }
0x2f: {  	lr =	sadd.s32 s0, s3;
	s0 =	sld [smem:$0x3FAC]  }
0x30: {  	s3 =	sld [smem:$0x3FAF]  }
0x31: {  	[smem:$0x3FB8] =	sst s10  }
0x32: {  	s10 =	sld [smem:$0x3FB6];
	_ =	sdelay $0x3  }
0x33: {  	p0 =	seq.s32 s10, $0x1;
	s10 =	sld [smem:$0x3FB8];
	_ =	sdelay $0x3  }
0x34: {  	[smem:$0x3FB8] =	sst s10  }
0x35: {  	s10 =	sld [smem:$0x3FB7];
	_ =	sdelay $0x3  }
0x36: {  	p1 =	seq.s32 s10, $0x1;
	s10 =	sld [smem:$0x3FB8];
	_ =	sdelay $0x3  }
0x37: {  	[smem:$0x3FB8] =	sst s10  }
0x38: {  	s10 =	sld [smem:$0x3FB9]  }
0x39: {  	_ = 	snop;
	(pc) =	sbr.ind lr, $3  }
0x3a: {  	_ = 	snop  }
0x3b: {  	_ = 	snop  }
0x3c: {  	p2 =	seq.s32 s10, $0x1;
	s10 =	sld [smem:$0x3FB8]  }
0x3d: {  	_ =	shalt  }
0x3e: {  	_ =	shalt  }
0x3f: {  	_ =	shalt  }
0x40: {  	_ =	shalt  }
0x41: {  	_ =	shalt  }
0x42: {  	_ =	shalt  }
0x43: {  	_ =	shalt  }
0x44: {  	_ =	shalt  }
0x45: {  	_ =	shalt  }
0x46: {  	_ =	shalt  }
0x47: {  	_ =	shalt  }
0x48: {  	_ =	shalt  }
0x49: {  	_ =	shalt  }
0x4a: {  	_ =	shalt  }
0x4b: {  	_ =	shalt  }
0x4c: {  	_ =	shalt  }
0x4d: {  	_ =	shalt  }
0x4e: {  	_ =	shalt  }
0x4f: {  	_ =	shalt  }
0x50: {  	_ =	shalt  }
0x51: {  	_ =	shalt  }
0x52: {  	_ =	shalt  }
0x53: {  	_ =	shalt  }
0x54: {  	_ =	shalt  }
0x55: {  	_ =	shalt  }
0x56: {  	_ =	shalt  }
0x57: {  	_ =	shalt  }
0x58: {  	_ =	shalt  }
0x59: {  	_ =	shalt  }
0x5a: {  	_ =	shalt  }
0x5b: {  	_ =	shalt  }
0x5c: {  	_ =	shalt  }
0x5d: {  	_ =	shalt  }
0x5e: {  	_ =	shalt  }
0x5f: {  	_ =	shalt  }
0x60: {  	_ =	shalt  }
0x61: {  	_ =	shalt  }
0x62: {  	_ =	shalt  }
0x63: {  	_ =	shalt  }
0x64: {  	_ =	shalt  }
0x65: {  	_ =	shalt  }
0x66: {  	_ =	shalt  }
0x67: {  	_ =	shalt  }
0x68: {  	_ =	shalt  }
0x69: {  	_ =	shalt  }
0x6a: {  	_ =	shalt  }
0x6b: {  	_ =	shalt  }
0x6c: {  	_ =	shalt  }
0x6d: {  	_ =	shalt  }
0x6e: {  	_ =	shalt  }
0x6f: {  	_ =	shalt  }
0x70: {  	_ =	shalt  }
0x71: {  	_ =	shalt  }
0x72: {  	_ =	shalt  }
0x73: {  	_ =	shalt  }
0x74: {  	_ =	shalt  }
0x75: {  	_ =	shalt  }
0x76: {  	_ =	shalt  }
0x77: {  	_ =	shalt  }
0x78: {  	_ =	shalt  }
0x79: {  	_ =	shalt  }
0x7a: {  	_ =	shalt  }
0x7b: {  	_ =	shalt  }
0x7c: {  	_ =	shalt  }
0x7d: {  	_ =	shalt  }
0x7e: {  	_ =	shalt  }
0x7f: {  	_ =	shalt  }
0x80: {  	_ =	shalt  }
0x81: {  	_ =	shalt  }
0x82: {  	_ =	shalt  }
0x83: {  	_ =	shalt  }
0x84: {  	_ =	shalt  }
0x85: {  	_ =	shalt  }
0x86: {  	_ =	shalt  }
0x87: {  	_ =	shalt  }
.Lfunc_end0:
.L_simem_size_0:
called_computation_lowered:
.L_overlay_start_0:
0x88: {  	s2 =	sld [smem:$0x3FD9]  }
0x89: {  	s3 =	sld [smem:$0x3FFE];
	_ =	sdelay $0x1  }
0x8a: {  	s1 =	srdreg.scid  }
0x8b: {  	s0 =	sand.u32 $0x1, s1  }
0x8c: {  	s17 =	sshll.u32 s0, $0xA;
	s2 =	sadd.s32 s3, s2  }
0x8d: {  	s2 =	sadd.s32 s2, s17  }
0x8e: {  	[smem:$0x3FC4] =	sst s2  }
0x8f: {  	_ = 	snop  }
0x90: {  	s2 =	sld [smem:$0x3FC7]  }
0x91: {  	s18 =	sld [smem:$0x3FC6]  }
0x92: {  	s4 =	sld [smem:$0x3FD0];
	(tm) =	ssettm $0x1  }
0x93: {  	s5 =	sld [smem:$0x3FFB];
	_ =	sdelay $0x3  }
0x94: {  	_ =	strace s5  }
0x95: {  	s5 =	sld [smem:$0x3FFC];
	_ =	sdelay $0x3  }
0x96: {  	_ =	strace s5  }
0x97: {  	s5 =	sld [smem:$0x3FFD];
	_ =	sdelay $0x3  }
0x98: {  	_ =	strace s5  }
0x99: {  	_ =	strace $0x8FFFFFFF  }
0x9a: {  	s19 =	sld [smem:$0x3FDB];
	_ =	sdelay $0x1  }
0x9b: {  	s6 =	simm.s32 $_scs_section_size  }
0x9c: {  	s7 =	simm.s32 $_size__tile_overlayer_lowered;
	s8 =	simm.s32 $_tile_overlayer_lowered  }
0x9d: {  	s22 =	simm.s32 $0x1BFF;
	s21 =	sshll.u32 s8, $0x1;
	s5 =	sadd.s32 s6, s19  }
0x9e: {  	s9 =	simm.s32 $0x0;
	s20 =	sshll.u32 s7, $0x1;
	s7 =	sadd.s32 s21, s5  }
0x9f: {  	[timem:s9], [sflag:s22] =	dma.local [hbm:s7], s20  }
0xa0: {  	_ =	swait.ge [sflag:s22], s20  }
0xa1: {  	s6 =	ssub.s32 $0x0, s20;
	[sflag:s22] =	ssyncset.done $0x0  }
0xa2: {  	[sflag:s22] =	ssyncadd.s32 s6;
	_ =	sdelay $0x1  }
0xa3: {  	s23 =	simm.s32 $0x1B8B  }
0xa4: {  	_ =	swait.ge [sflag:s23], $0x1  }
0xa5: {  	[sflag:s23] =	ssyncset.done $0x0  }
0xa6: {  	s25 =	simm.s32 $0x1B8E;
	s24 =	sld [smem:$0x3FFE];
	[sflag:s23] =	ssyncadd.s32 $0xFFFFFFFF  }
0xa7: {  	s26 =	simm.s32 $execute0_lowered;
	[smem:$0x3FD2] =	sst s25  }
0xa8: {  	s7 =	sshll.u32 s26, $0x1;
	_ =	strace $0x80000046;
	[dreg:$0x1] =	wrdreg $0xFFFFFFFF  }
0xa9: {  	s28 =	simm.s32 $_size_execute0_lowered;
	s5 =	sadd.s32 s5, s7;
	[dreg:$0x0] =	wrdreg $0x0  }
0xaa: {  	s7 =	sshll.u32 s28, $0x1;
	[dreg:$0x2] =	wrdreg s5  }
0xab: {  	[dreg:$0x3] =	wrdreg s7  }
0xac: {  	[dreg:$0x4] =	wrdreg $0xC0  }
0xad: {  	_ =	task [dreg:s9], $0x5FFFF  }
0xae: {  	[dreg:$0x1] =	wrdreg $0xFFFFFFFF  }
0xaf: {  	[dreg:$0x0] =	wrdreg $0x60  }
0xb0: {  	[dreg:$0x2] =	wrdreg s2  }
0xb1: {  	[dreg:$0x3] =	wrdreg s18  }
0xb2: {  	[dreg:$0x4] =	wrdreg s24  }
0xb3: {  	[dreg:$0x5] =	wrdreg s4  }
0xb4: {  	[dreg:$0x6] =	wrdreg $0x9  }
0xb5: {  	_ =	task.clear_ibuf [dreg:s9], $0x7FFFF;
	_ =	strace $0x90000046  }
0xb6: {  	s29 =	simm.s32 $0x9;
	_ =	strace $0x80000048  }
0xb7: {  	_ =	swait.ge [sflag:s29], $0x1  }
0xb8: {  	[sflag:s29] =	ssyncadd.s32 $0xFFFFFFFF  }
0xb9: {  	_ =	strace $0x90000048  }
0xba: {  	_ =	sfence  }
0xbb: {  	s30 =	sld [smem:$0x0];
	_ =	sdelay $0x2  }
0xbc: {  	s31 =	sshll.u32 s1, $0xD;
	s1 =	sshrl.u32 s1, $0x2  }
0xbd: {  	s3 =	sand.u32 $0x4000, s31;
	s1 =	sadd.s32 s1, s30  }
0xbe: {  	s0 =	sor.u32 s3, s0;
	s1 =	sshll.u32 s1, $0x11  }
0xbf: {  	s0 =	sor.u32 s1, s0  }
0xc0: {  	s0 =	sadd.s32 $0x8F2B, s0  }
0xc1: {  	[sflag:s0] =	ssyncadd.remote.s32 $0x1  }
0xc2: {  	_ =	sfence.sel $0xFFFF  }
0xc3: {  	[dreg:$0x0] =	wrdreg $0xFFFFFFFF;
	(pc) =	sbr.abs _section_cstart, $3  }
0xc4: {  	[dreg:$0x1] =	wrdreg $0xFFFFFFFF  }
0xc5: {  	_ =	task.clear_ibuf [dreg:s9], $0x2FFFF;
	_ =	strace $0x9FFFFFFF  }
0xc6: {  	(tm) =	ssettm $0x7FFFFFFF  }
0xc7: {  	_ =	shalt  }
tec
execute0_lowered:
.L_overlay_start_1:
0x0: {  	(tag) =	ssettag $0x1  }
0x1: {  	s1 =	rddreg [dreg:$0x0]  }
0x2: {  	s0 =	rddreg [dreg:$0x1]  }
0x3: {  	s2 =	rddreg [dreg:$0x2]  }
0x4: {  	s4 =	rddreg [dreg:$0x3]  }
0x5: {  	s5 =	srdreg.scid;
	s6 =	stileid.u32  }
0x6: {  	s3 =	simm.s32 $0x0;
	s15 =	simm.s32 $0x3;
	s16 =	simm.s32 $0x1000  }
0x7: {  	s17 =	simm.s32 $0x7A1400;
	s18 =	simm.s32 $0x8000;
	s19 =	simm.s32 $0x1  }
0x8: {  	s20 =	simm.s32 $0x2;
	s5 =	sand.u32 $0x1, s5;
	s6 =	sshll.u32 s6, $0x1  }
0x9: {  	s23 =	simm.s32 $0x0;
	[smem:$0x7FF] =	sst s3;
	s6 =	sor.u32 s5, s6  }
0xa: {  	s7 =	sadd.s32 $0x1800, s2;
	_ =	strace $0x80000047;
	s10 =	smul.u32 $0x600, s6  }
0xb: {  	[dreg:$0x5] =	wrdreg s7;
	s5 =	ssub.s32 $0x2, s5;
	s31 =	smul.u32 $0x3000, s6  }
0xc: {  	s8 =	sshll.u32 s6, $0x4;
	s9 =	sshrl.u32 s5, $0x1;
	s11 =	smul.u32 $0x18000, s6  }
0xd: {  	s2 =	sadd.s32 s8, s2;
	s13 =	ssub.s32 s5, s9;
	s5 =	sadd.s32 s1, s31  }
0xe: {  	s0 =	sadd.s32 s0, s10;
	s8 =	sor.u32 $0x2000, s11;
	s9 =	sor.u32 $0x3000, s11  }
0xf: {  	s10 =	sadd.s32 s4, s10;
	s11 =	sadd.s32 $0x1C00, s2;
	s12 =	sadd.s32 $0x1E00, s2  }
0x10: {  	v0 =	vimm.f32 $-Inf;
	s13 =	smax.u32 s13, $0x1;
	[dreg:$0x6] =	wrdreg s0;
	s7 =	sadd.s32 $0x200, s5  }
.LBB2_1:
0x11: {  	s0 =	rddreg [dreg:$0x5];
	s2 =	simm.s32 $0x16000  }
0x12: {  	[tilespmem:s2], [sflag:$0x3] =	stream.linear.gather [hbm4b:s0+s3], $0x2000, $0x38;
	[tilespmem:$0x18180] =	vst v63  }
0x13: {  	_ =	swait.ge [sflag:s15], $0x2000  }
0x14: {  	[sflag:s15] =	ssyncset.done $0x0  }
0x15: {  	s24 =	simm.s32 $0x13000;
	s31 =	rddreg [dreg:$0x6];
	[sflag:s15] =	ssyncadd.s32 $0xFFFFE000  }
0x16: {  	[tilespmem:s24], [sflag:$0x3] =	stream.linear.gather [hbm4b:s31+s3], $0x3000, $0x38;
	[tilespmem:$0x18180] =	vst v63  }
0x17: {  	_ =	swait.ge [sflag:s15], $0x3000  }
0x18: {  	[sflag:s15] =	ssyncset.done $0x0  }
0x19: {  	[sflag:s15] =	ssyncadd.s32 $0xFFFFD000  }
0x1a: {  	s25 =	simm.s32 $0x10200;
	[tilespmem:$0x18000] =	vst v0  }
0x1b: {  	[tilespmem:s3], [sflag:$0x1] =	stream.strided.gather [hbm4b:s5+s16], $0x8000, s17, s16, $0x38;
	[tilespmem:$0x18180] =	vst v63  }
0x1c: {  	s26 =	simm.s32 $0x13200;
	s28 =	simm.s32 $0x10000;
	s29 =	simm.s32 $0x0  }
0x1d: {  	[tilespmem:s18], [sflag:$0x2] =	stream.strided.gather [hbm4b:s7+s16], $0x8000, s17, s16, $0x38;
	[tilespmem:$0x18180] =	vst v63  }
.LBB2_2:
0x1e: {  	_ =	swait.ge [sflag:s19], $0x8000  }
0x1f: {  	[sflag:s19] =	ssyncset.done $0x0  }
0x20: {  	[sflag:s19] =	ssyncadd.s32 $0xFFFF8000  }
0x21: {  	v17 =	vld [tilespmem:$0x16000]  }
0x22: {  	v18 =	vld [tilespmem:$0x16080]  }
0x23: {  	v15 =	vld [tilespmem:$0x16100]  }
0x24: {  	v16 =	vld [tilespmem:$0x16180]  }
0x25: {  	v19 =	vld [tilespmem:$0x16200]  }
0x26: {  	v20 =	vld [tilespmem:$0x16280]  }
0x27: {  	v14 =	vld [tilespmem:$0x16300]  }
0x28: {  	v13 =	vld [tilespmem:$0x16380]  }
0x29: {  	v21 =	vld [tilespmem:$0x16400]  }
0x2a: {  	v22 =	vld [tilespmem:$0x16480]  }
0x2b: {  	v12 =	vld [tilespmem:$0x16500]  }
0x2c: {  	v11 =	vld [tilespmem:$0x16580]  }
0x2d: {  	v23 =	vld [tilespmem:$0x16600]  }
0x2e: {  	v24 =	vld [tilespmem:$0x16680]  }
0x2f: {  	v10 =	vld [tilespmem:$0x16700]  }
0x30: {  	v9 =	vld [tilespmem:$0x16780]  }
0x31: {  	v25 =	vld [tilespmem:$0x16800]  }
0x32: {  	v26 =	vld [tilespmem:$0x16880]  }
0x33: {  	v8 =	vld [tilespmem:$0x16900]  }
0x34: {  	v7 =	vld [tilespmem:$0x16980]  }
0x35: {  	v27 =	vld [tilespmem:$0x16A00]  }
0x36: {  	v28 =	vld [tilespmem:$0x16A80]  }
0x37: {  	v6 =	vld [tilespmem:$0x16B00]  }
0x38: {  	v4 =	vld [tilespmem:$0x16B80]  }
0x39: {  	v29 =	vld [tilespmem:$0x16C00]  }
0x3a: {  	v30 =	vld [tilespmem:$0x16C80]  }
0x3b: {  	v5 =	vld [tilespmem:$0x16D00]  }
0x3c: {  	v1 =	vld [tilespmem:$0x16D80]  }
0x3d: {  	v31 =	vld [tilespmem:$0x16E00]  }
0x3e: {  	s2 =	simm.s32 $0x0;
	v32 =	vld [tilespmem:$0x16E80]  }
0x3f: {  	s0 =	sand.u32 $0x70, s2;
	s4 =	sand.u32 $0xC00, s2;
	v2 =	vld [tilespmem:$0x16F00]  }
0x40: {  	s0 =	sor.u32 s0, s4;
	v3 =	vld [tilespmem:$0x16F80]  }
0x41: {  	v33 =	vld [tilespmem:s0+$0x3200]  }
0x42: {  	v34 =	vld [tilespmem:s0+$0x3280]  }
0x43: {  	v35 =	vld [tilespmem:s0+$0x3000]  }
0x44: {  	v36 =	vld [tilespmem:s0+$0x3080]  }
0x45: {  	v37 =	vld [tilespmem:s0+$0x2200]  }
0x46: {  	v38 =	vld [tilespmem:s0+$0x2280]  }
0x47: {  	v39 =	vld [tilespmem:s0+$0x2000]  }
0x48: {  	v40 =	vld [tilespmem:s0+$0x2080]  }
0x49: {  	v41 =	vld [tilespmem:s0+$0x1200]  }
0x4a: {  	v42 =	vld [tilespmem:s0+$0x1280]  }
0x4b: {  	v43 =	vld [tilespmem:s0+$0x1000]  }
0x4c: {  	v44 =	vld [tilespmem:s0+$0x1080]  }
0x4d: {  	v45 =	vld [tilespmem:s24+$0x0]  }
0x4e: {  	v46 =	vld [tilespmem:s0+$0x200]  }
0x4f: {  	v47 =	vld [tilespmem:s0+$0x280]  }
0x50: {  	v48 =	vld [tilespmem:s0+$0x0];
	v33 =	vmul.f32 v33, v31;
	v34 =	vmul.f32 v34, v32  }
0x51: {  	v49 =	vld [tilespmem:s0+$0x80];
	v35 =	vmul.f32 v35, v29;
	v36 =	vmul.f32 v36, v30  }
0x52: {  	v50 =	vld [tilespmem:s0+$0x100];
	v37 =	vmul.f32 v37, v27;
	v38 =	vmul.f32 v38, v28  }
0x53: {  	s2 =	sor.u32 s2, s2;
	v51 =	vld [tilespmem:s0+$0x180];
	v39 =	vmul.f32 v39, v25;
	v40 =	vmul.f32 v40, v26  }
0x54: {  	s2 =	sor.u32 $0x380, s2;
	v52 =	vld [tilespmem:s0+$0x300];
	v41 =	vmul.f32 v41, v23;
	v42 =	vmul.f32 v42, v24  }
0x55: {  	v53 =	vld [tilespmem:s2+$0x0];
	v43 =	vmul.f32 v43, v21;
	v44 =	vmul.f32 v44, v22  }
0x56: {  	v54 =	vld [tilespmem:s0+$0x1100];
	v46 =	vmul.f32 v46, v19;
	v47 =	vmul.f32 v47, v20  }
0x57: {  	v55 =	vld [tilespmem:s0+$0x1180];
	v48 =	vmul.f32 v48, v17;
	v49 =	vmul.f32 v49, v18  }
0x58: {  	v56 =	vld [tilespmem:s0+$0x1300];
	v50 =	vmul.f32 v50, v15;
	v51 =	vmul.f32 v51, v16  }
0x59: {  	v63 =	vmul.f32 v52, v14;
	v52 =	vld [tilespmem:s0+$0x1380];
	v45 =	vadd.f32 v48, v45;
	v62 =	vadd.f32 $0.0e+00, v49  }
0x5a: {  	v57 =	vld [tilespmem:s0+$0x2100];
	v53 =	vmul.f32 v53, v13;
	v50 =	vadd.f32 $0.0e+00, v50;
	v51 =	vadd.f32 $0.0e+00, v51  }
0x5b: {  	v59 =	vmul.f32 v54, v12;
	v48 =	vld [tilespmem:s0+$0x2180];
	v45 =	vadd.f32 v46, v45;
	v58 =	vadd.f32 v47, v62  }
0x5c: {  	v61 =	vmul.f32 v55, v11;
	v49 =	vadd.f32 v63, v50;
	v60 =	vadd.f32 v53, v51;
	v62 =	vld [tilespmem:s0+$0x2300]  }
0x5d: {  	v63 =	vmul.f32 v56, v10;
	v46 =	vld [tilespmem:s0+$0x2380];
	v43 =	vadd.f32 v43, v45;
	v44 =	vadd.f32 v44, v58  }
0x5e: {  	v56 =	vld [tilespmem:s0+$0x3100];
	v55 =	vmul.f32 v52, v9;
	v47 =	vadd.f32 v59, v49;
	v54 =	vadd.f32 v61, v60  }
0x5f: {  	v58 =	vmul.f32 v57, v8;
	v59 =	vld [tilespmem:s0+$0x3180];
	v41 =	vadd.f32 v41, v43;
	v42 =	vadd.f32 v42, v44  }
0x60: {  	v61 =	vld [tilespmem:s0+$0x3300];
	v48 =	vmul.f32 v48, v7;
	v45 =	vadd.f32 v63, v47;
	v60 =	vadd.f32 v55, v54  }
0x61: {  	v63 =	vld [tilespmem:s0+$0x3380];
	v62 =	vmul.f32 v62, v6;
	v39 =	vadd.f32 v39, v41;
	v40 =	vadd.f32 v40, v42  }
0x62: {  	v46 =	vmul.f32 v46, v4;
	v43 =	vadd.f32 v58, v45;
	v48 =	vadd.f32 v48, v60  }
0x63: {  	v50 =	vmul.f32 v56, v5;
	v37 =	vadd.f32 v37, v39;
	v38 =	vadd.f32 v38, v40  }
0x64: {  	v53 =	vmul.f32 v59, v1;
	v51 =	vadd.f32 v62, v43;
	v52 =	vadd.f32 v46, v48  }
0x65: {  	v54 =	vmul.f32 v61, v2;
	v35 =	vadd.f32 v35, v37;
	v36 =	vadd.f32 v36, v38  }
0x66: {  	v57 =	vmul.f32 v63, v3;
	v55 =	vadd.f32 v50, v51;
	v56 =	vadd.f32 v53, v52  }
0x67: {  	v33 =	vadd.f32 v33, v35;
	v34 =	vadd.f32 v34, v36  }
0x68: {  	v58 =	vadd.f32 v54, v55;
	v59 =	vadd.f32 v57, v56;
	_ =	sdelay $0x1  }
0x69: {  	v33 =	vadd.f32 v34, v33;
	v60 =	vadd.f32 v59, v58;
	_ =	sdelay $0x1  }
0x6a: {  	s14 =	simm.s32 $0x10;
	s30 =	simm.s32 $0x80;
	v33 =	vadd.f32 v60, v33  }
0x6b: {  	s21 =	sand.u32 $0x70, s14;
	s22 =	sand.u32 $0xC00, s30  }
0x6c: {  	s2 =	sor.u32 s21, s22;
	[tilespmem:s28+$0x0] =	vst v33  }
0x6d: {  	v33 =	vld [tilespmem:s2+$0x3200]  }
0x6e: {  	v61 =	vld [tilespmem:s2+$0x3280]  }
0x6f: {  	v62 =	vld [tilespmem:s2+$0x3000]  }
0x70: {  	v63 =	vld [tilespmem:s2+$0x3080]  }
0x71: {  	v47 =	vld [tilespmem:s2+$0x2200]  }
0x72: {  	v48 =	vld [tilespmem:s2+$0x2280]  }
0x73: {  	v42 =	vld [tilespmem:s2+$0x2000]  }
0x74: {  	v44 =	vld [tilespmem:s2+$0x2080]  }
0x75: {  	v39 =	vld [tilespmem:s2+$0x1200]  }
0x76: {  	v41 =	vld [tilespmem:s2+$0x1280]  }
0x77: {  	v38 =	vld [tilespmem:s2+$0x1000]  }
0x78: {  	s21 =	sadd.s32 $0x10, s24;
	v40 =	vld [tilespmem:s2+$0x1080]  }
0x79: {  	v37 =	vld [tilespmem:s21+$0x0]  }
0x7a: {  	v45 =	vld [tilespmem:s2+$0x200]  }
0x7b: {  	v46 =	vld [tilespmem:s2+$0x280]  }
0x7c: {  	v43 =	vld [tilespmem:s2+$0x0];
	v33 =	vmul.f32 v33, v31;
	v34 =	vmul.f32 v61, v32  }
0x7d: {  	s31 =	sshll.u32 s29, $0xA;
	s4 =	simm.s32 $0x20;
	s0 =	smov.u32 s28;
	v49 =	vld [tilespmem:s2+$0x80];
	v35 =	vmul.f32 v62, v29;
	v36 =	vmul.f32 v63, v30  }
.LBB2_3:
0x7e: {  	p0 =	sne.s32 s4, $0x1F0;
	v50 =	vld [tilespmem:s2+$0x100];
	v47 =	vmul.f32 v47, v27;
	v48 =	vmul.f32 v48, v28  }
0x7f: {  	s22 =	sor.u32 s30, s14;
	v42 =	vmul.f32 v42, v25;
	v44 =	vmul.f32 v44, v26;
	s14 =	smov.u32 s4;
	v51 =	vld [tilespmem:s2+$0x180]  }
0x80: {  	v39 =	vmul.f32 v39, v23;
	v41 =	vmul.f32 v41, v24;
	s22 =	sor.u32 $0x380, s22;
	v52 =	vld [tilespmem:s2+$0x300]  }
0x81: {  	v38 =	vmul.f32 v38, v21;
	v40 =	vmul.f32 v40, v22;
	v53 =	vld [tilespmem:s22+$0x0]  }
0x82: {  	v45 =	vmul.f32 v45, v19;
	v46 =	vmul.f32 v46, v20;
	v54 =	vld [tilespmem:s2+$0x1100]  }
0x83: {  	v43 =	vmul.f32 v43, v17;
	v49 =	vmul.f32 v49, v18;
	v55 =	vld [tilespmem:s2+$0x1180]  }
0x84: {  	v50 =	vmul.f32 v50, v15;
	v51 =	vmul.f32 v51, v16;
	v56 =	vld [tilespmem:s2+$0x1300]  }
0x85: {  	v37 =	vadd.f32 v43, v37;
	v43 =	vadd.f32 $0.0e+00, v49;
	v49 =	vmul.f32 v52, v14;
	v52 =	vld [tilespmem:s2+$0x1380]  }
0x86: {  	v50 =	vadd.f32 $0.0e+00, v50;
	v51 =	vadd.f32 $0.0e+00, v51;
	v53 =	vmul.f32 v53, v13;
	v57 =	vld [tilespmem:s2+$0x2100]  }
0x87: {  	v37 =	vadd.f32 v45, v37;
	v43 =	vadd.f32 v46, v43;
	v45 =	vmul.f32 v54, v12;
	v46 =	vld [tilespmem:s2+$0x2180]  }
0x88: {  	v49 =	vadd.f32 v49, v50;
	v50 =	vadd.f32 v53, v51;
	v51 =	vmul.f32 v55, v11;
	v53 =	vld [tilespmem:s2+$0x2300]  }
0x89: {  	v37 =	vadd.f32 v38, v37;
	v38 =	vadd.f32 v40, v43;
	v40 =	vmul.f32 v56, v10;
	v43 =	vld [tilespmem:s2+$0x2380]  }
0x8a: {  	v45 =	vadd.f32 v45, v49;
	v49 =	vadd.f32 v51, v50;
	v50 =	vmul.f32 v52, v9;
	v51 =	vld [tilespmem:s2+$0x3100]  }
0x8b: {  	v37 =	vadd.f32 v39, v37;
	v38 =	vadd.f32 v41, v38;
	v39 =	vmul.f32 v57, v8;
	v41 =	vld [tilespmem:s2+$0x3180]  }
0x8c: {  	v40 =	vadd.f32 v40, v45;
	v45 =	vadd.f32 v50, v49;
	v46 =	vmul.f32 v46, v7;
	v49 =	vld [tilespmem:s2+$0x3300]  }
0x8d: {  	v37 =	vadd.f32 v42, v37;
	v38 =	vadd.f32 v44, v38;
	v42 =	vmul.f32 v53, v6;
	v44 =	vld [tilespmem:s2+$0x3380]  }
0x8e: {  	v39 =	vadd.f32 v39, v40;
	v40 =	vadd.f32 v46, v45;
	v43 =	vmul.f32 v43, v4  }
0x8f: {  	v37 =	vadd.f32 v47, v37;
	v38 =	vadd.f32 v48, v38;
	v45 =	vmul.f32 v51, v5  }
0x90: {  	v39 =	vadd.f32 v42, v39;
	v40 =	vadd.f32 v43, v40;
	v41 =	vmul.f32 v41, v1  }
0x91: {  	v35 =	vadd.f32 v35, v37;
	v36 =	vadd.f32 v36, v38;
	v37 =	vmul.f32 v49, v2  }
0x92: {  	v38 =	vadd.f32 v45, v39;
	v39 =	vadd.f32 v41, v40;
	v40 =	vmul.f32 v44, v3  }
0x93: {  	v33 =	vadd.f32 v33, v35;
	v34 =	vadd.f32 v34, v36  }
0x94: {  	v35 =	vadd.f32 v37, v38;
	v36 =	vadd.f32 v40, v39;
	_ =	sdelay $0x1  }
0x95: {  	v33 =	vadd.f32 v34, v33;
	v34 =	vadd.f32 v36, v35;
	_ =	sdelay $0x1  }
0x96: {  	s30 =	sadd.s32 $0x80, s30;
	v33 =	vadd.f32 v34, v33  }
0x97: {  	s0 =	sadd.s32 $0x10, s0;
	s22 =	sand.u32 $0xC00, s30;
	s2 =	sand.u32 $0x70, s4  }
0x98: {  	s2 =	sor.u32 s2, s22;
	[tilespmem:s0+$0x0] =	vst v33  }
0x99: {  	v33 =	vld [tilespmem:s2+$0x3200]  }
0x9a: {  	v34 =	vld [tilespmem:s2+$0x3280]  }
0x9b: {  	v35 =	vld [tilespmem:s2+$0x3000]  }
0x9c: {  	v36 =	vld [tilespmem:s2+$0x3080]  }
0x9d: {  	v47 =	vld [tilespmem:s2+$0x2200]  }
0x9e: {  	v48 =	vld [tilespmem:s2+$0x2280]  }
0x9f: {  	v42 =	vld [tilespmem:s2+$0x2000]  }
0xa0: {  	v44 =	vld [tilespmem:s2+$0x2080]  }
0xa1: {  	v39 =	vld [tilespmem:s2+$0x1200]  }
0xa2: {  	v41 =	vld [tilespmem:s2+$0x1280]  }
0xa3: {  	v38 =	vld [tilespmem:s2+$0x1000]  }
0xa4: {  	s21 =	sadd.s32 $0x10, s21;
	v40 =	vld [tilespmem:s2+$0x1080]  }
.Ltmp0:
0xa5: {  	v37 =	vld [tilespmem:s21+$0x0];
	(pc) =	sbr.rel @p0 .LBB2_3-.Ltmp0, $4  }
0xa6: {  	v45 =	vld [tilespmem:s2+$0x200]  }
0xa7: {  	v46 =	vld [tilespmem:s2+$0x280]  }
0xa8: {  	v33 =	vmul.f32 v33, v31;
	v34 =	vmul.f32 v34, v32;
	v43 =	vld [tilespmem:s2+$0x0]  }
0xa9: {  	s4 =	sadd.s32 $0x10, s4;
	v35 =	vmul.f32 v35, v29;
	v36 =	vmul.f32 v36, v30;
	v49 =	vld [tilespmem:s2+$0x80]  }
0xaa: {  	v29 =	vld [tilespmem:s2+$0x100];
	v27 =	vmul.f32 v47, v27;
	v28 =	vmul.f32 v48, v28  }
0xab: {  	v30 =	vld [tilespmem:s2+$0x180];
	s4 =	sor.u32 s30, s14;
	v25 =	vmul.f32 v42, v25;
	v26 =	vmul.f32 v44, v26  }
0xac: {  	v31 =	vld [tilespmem:s2+$0x300];
	v23 =	vmul.f32 v39, v23;
	v24 =	vmul.f32 v41, v24;
	s4 =	sor.u32 $0x380, s4  }
0xad: {  	v21 =	vmul.f32 v38, v21;
	v22 =	vmul.f32 v40, v22;
	v32 =	vld [tilespmem:s4+$0x0]  }
0xae: {  	v58 =	vld [tilespmem:s2+$0x1100];
	v19 =	vmul.f32 v45, v19;
	v20 =	vmul.f32 v46, v20  }
0xaf: {  	v59 =	vld [tilespmem:s2+$0x1180];
	v17 =	vmul.f32 v43, v17;
	v18 =	vmul.f32 v49, v18  }
0xb0: {  	v15 =	vmul.f32 v29, v15;
	v16 =	vmul.f32 v30, v16;
	v29 =	vld [tilespmem:s2+$0x1300]  }
0xb1: {  	v17 =	vadd.f32 v17, v37;
	v14 =	vmul.f32 v31, v14;
	v30 =	vld [tilespmem:s2+$0x1380];
	v18 =	vadd.f32 $0.0e+00, v18  }
0xb2: {  	v31 =	vld [tilespmem:s2+$0x2100];
	v15 =	vadd.f32 $0.0e+00, v15;
	v16 =	vadd.f32 $0.0e+00, v16;
	v13 =	vmul.f32 v32, v13  }
0xb3: {  	v12 =	vmul.f32 v58, v12;
	v17 =	vadd.f32 v19, v17;
	v19 =	vld [tilespmem:s2+$0x2180];
	v18 =	vadd.f32 v20, v18  }
0xb4: {  	v11 =	vmul.f32 v59, v11;
	v14 =	vadd.f32 v14, v15;
	v13 =	vadd.f32 v13, v16;
	v15 =	vld [tilespmem:s2+$0x2300]  }
0xb5: {  	v16 =	vadd.f32 v21, v17;
	v17 =	vadd.f32 v22, v18;
	v10 =	vmul.f32 v29, v10;
	v18 =	vld [tilespmem:s2+$0x2380]  }
0xb6: {  	v9 =	vmul.f32 v30, v9;
	v12 =	vadd.f32 v12, v14;
	v11 =	vadd.f32 v11, v13;
	v13 =	vld [tilespmem:s2+$0x3100]  }
0xb7: {  	v8 =	vmul.f32 v31, v8;
	v14 =	vadd.f32 v23, v16;
	v16 =	vadd.f32 v24, v17;
	v17 =	vld [tilespmem:s2+$0x3180]  }
0xb8: {  	v7 =	vmul.f32 v19, v7;
	v10 =	vadd.f32 v10, v12;
	v9 =	vadd.f32 v9, v11;
	v11 =	vld [tilespmem:s2+$0x3300]  }
0xb9: {  	v12 =	vadd.f32 v25, v14;
	v14 =	vadd.f32 v26, v16;
	v6 =	vmul.f32 v15, v6;
	v15 =	vld [tilespmem:s2+$0x3380]  }
0xba: {  	v8 =	vadd.f32 v8, v10;
	v7 =	vadd.f32 v7, v9;
	v4 =	vmul.f32 v18, v4  }
0xbb: {  	v9 =	vadd.f32 v27, v12;
	v10 =	vadd.f32 v28, v14;
	v5 =	vmul.f32 v13, v5  }
0xbc: {  	v6 =	vadd.f32 v6, v8;
	v4 =	vadd.f32 v4, v7;
	v1 =	vmul.f32 v17, v1  }
0xbd: {  	v7 =	vadd.f32 v35, v9;
	v8 =	vadd.f32 v36, v10;
	v2 =	vmul.f32 v11, v2  }
0xbe: {  	v5 =	vadd.f32 v5, v6;
	v1 =	vadd.f32 v1, v4;
	v3 =	vmul.f32 v15, v3  }
0xbf: {  	v4 =	vadd.f32 v33, v7;
	v6 =	vadd.f32 v34, v8  }
0xc0: {  	v2 =	vadd.f32 v2, v5;
	v1 =	vadd.f32 v3, v1;
	_ =	sdelay $0x1  }
0xc1: {  	v3 =	vadd.f32 v6, v4;
	v1 =	vadd.f32 v1, v2;
	_ =	sdelay $0x1  }
0xc2: {  	v1 =	vadd.f32 v1, v3  }
0xc3: {  	s0 =	sadd.s32 $0x10, s0  }
0xc4: {  	[tilespmem:s0+$0x0] =	vst v1  }
0xc5: {  	v1 =	vld [tilespmem:$0x17000]  }
0xc6: {  	v2 =	vld [tilespmem:$0x17080]  }
0xc7: {  	v3 =	vld [tilespmem:$0x17100]  }
0xc8: {  	v4 =	vld [tilespmem:$0x17180]  }
0xc9: {  	v5 =	vld [tilespmem:$0x17200]  }
0xca: {  	v6 =	vld [tilespmem:$0x17280]  }
0xcb: {  	v7 =	vld [tilespmem:$0x17300]  }
0xcc: {  	v8 =	vld [tilespmem:$0x17380]  }
0xcd: {  	v9 =	vld [tilespmem:$0x17400]  }
0xce: {  	v10 =	vld [tilespmem:$0x17480]  }
0xcf: {  	v11 =	vld [tilespmem:$0x17500]  }
0xd0: {  	v12 =	vld [tilespmem:$0x17580]  }
0xd1: {  	v13 =	vld [tilespmem:$0x17600]  }
0xd2: {  	v14 =	vld [tilespmem:$0x17680]  }
0xd3: {  	v15 =	vld [tilespmem:$0x17700]  }
0xd4: {  	v17 =	vld [tilespmem:$0x17780]  }
0xd5: {  	v18 =	vld [tilespmem:$0x17800]  }
0xd6: {  	v19 =	vld [tilespmem:$0x17880]  }
0xd7: {  	v20 =	vld [tilespmem:$0x17900]  }
0xd8: {  	v22 =	vld [tilespmem:$0x17980]  }
0xd9: {  	v23 =	vld [tilespmem:$0x17A00]  }
0xda: {  	v24 =	vld [tilespmem:$0x17A80]  }
0xdb: {  	v26 =	vld [tilespmem:$0x17B00]  }
0xdc: {  	v27 =	vld [tilespmem:$0x17B80]  }
0xdd: {  	v28 =	vld [tilespmem:$0x17C00]  }
0xde: {  	v25 =	vld [tilespmem:$0x17C80]  }
0xdf: {  	v30 =	vld [tilespmem:$0x17D00]  }
0xe0: {  	v31 =	vld [tilespmem:$0x17D80]  }
0xe1: {  	v21 =	vld [tilespmem:$0x17E00]  }
0xe2: {  	s30 =	simm.s32 $0x0;
	v16 =	vld [tilespmem:$0x17E80]  }
0xe3: {  	s6 =	sand.u32 $0x70, s30;
	s14 =	sand.u32 $0xC00, s30;
	v29 =	vld [tilespmem:$0x17F00]  }
0xe4: {  	s21 =	sor.u32 s6, s14;
	v32 =	vld [tilespmem:$0x17F80]  }
0xe5: {  	v33 =	vld [tilespmem:s21+$0x6000]  }
0xe6: {  	v34 =	vld [tilespmem:s21+$0x6100]  }
0xe7: {  	v35 =	vld [tilespmem:s21+$0x5280]  }
0xe8: {  	v36 =	vld [tilespmem:s21+$0x5300]  }
0xe9: {  	v37 =	vld [tilespmem:s21+$0x6180]  }
0xea: {  	v60 =	vld [tilespmem:s21+$0x5080]  }
0xeb: {  	v61 =	vld [tilespmem:s21+$0x5380]  }
0xec: {  	v62 =	vld [tilespmem:s21+$0x5100]  }
0xed: {  	v63 =	vld [tilespmem:s21+$0x5000]  }
0xee: {  	v52 =	vld [tilespmem:s21+$0x4280]  }
0xef: {  	v53 =	vld [tilespmem:s21+$0x5180]  }
0xf0: {  	v54 =	vld [tilespmem:s21+$0x4200]  }
0xf1: {  	v55 =	vld [tilespmem:s21+$0x4300]  }
0xf2: {  	v56 =	vld [tilespmem:s21+$0x4380]  }
0xf3: {  	v57 =	vld [tilespmem:s21+$0x4180]  }
0xf4: {  	v58 =	vld [tilespmem:s21+$0x5200];
	v49 =	vmul.f32 v63, v9;
	v41 =	vmul.f32 v52, v6  }
0xf5: {  	s22 =	sand.u32 $0x180, s30;
	s0 =	sadd.s32 $0x10000, s31;
	v59 =	vld [tilespmem:s21+$0x4100];
	v42 =	vmul.f32 v53, v12;
	v44 =	vmul.f32 v54, v5  }
0xf6: {  	s14 =	sadd.s32 s22, s0;
	v50 =	vld [tilespmem:s21+$0x4080];
	v40 =	vmul.f32 v62, v11;
	v45 =	vmul.f32 v55, v7  }
0xf7: {  	s2 =	sadd.s32 s6, s14;
	v51 =	vmul.f32 v60, v10;
	v60 =	vld [tilespmem:s21+$0x4000];
	v46 =	vmul.f32 v56, v8  }
0xf8: {  	v52 =	vld [tilespmem:s2+$0x0];
	v39 =	vmul.f32 v61, v17;
	v47 =	vmul.f32 v57, v4  }
0xf9: {  	v53 =	vmul.f32 v37, v22;
	v61 =	vld [tilespmem:s21+$0x6380];
	v48 =	vmul.f32 v58, v13  }
0xfa: {  	v54 =	vmul.f32 v36, v15;
	v36 =	vld [tilespmem:s21+$0x6080];
	v43 =	vmul.f32 v59, v3  }
0xfb: {  	v55 =	vmul.f32 v35, v14;
	v35 =	vld [tilespmem:s21+$0x6300];
	v50 =	vmul.f32 v50, v2;
	v47 =	vadd.f32 $0.0e+00, v47  }
0xfc: {  	v56 =	vmul.f32 v34, v20;
	v57 =	vld [tilespmem:s21+$0x6200];
	v62 =	vmul.f32 v60, v1  }
0xfd: {  	v33 =	vmul.f32 v33, v18;
	v58 =	vld [tilespmem:s21+$0x7180];
	v63 =	vadd.f32 $0.0e+00, v43;
	v60 =	vadd.f32 v46, v47  }
0xfe: {  	v46 =	vld [tilespmem:s21+$0x6280];
	v59 =	vmul.f32 v61, v27;
	v61 =	vadd.f32 v62, v52;
	v62 =	vadd.f32 $0.0e+00, v50  }
0xff: {  	v45 =	vadd.f32 v45, v63;
	v34 =	vmul.f32 v36, v19;
	v50 =	vld [tilespmem:s21+$0x7100];
	v42 =	vadd.f32 v42, v60  }
0x100: {  	v35 =	vmul.f32 v35, v26;
	v52 =	vld [tilespmem:s21+$0x7000];
	v63 =	vadd.f32 v44, v61;
	v60 =	vadd.f32 v41, v62  }
0x101: {  	v38 =	vld [tilespmem:s21+$0x7380];
	v36 =	vmul.f32 v57, v23;
	v40 =	vadd.f32 v40, v45;
	v61 =	vadd.f32 v39, v42  }
0x102: {  	v37 =	vmul.f32 v58, v31;
	v41 =	vld [tilespmem:s21+$0x7080];
	v62 =	vadd.f32 v49, v63;
	v44 =	vadd.f32 v51, v60  }
0x103: {  	v42 =	vld [tilespmem:s21+$0x7300];
	v39 =	vmul.f32 v46, v24;
	v63 =	vadd.f32 v54, v40;
	v45 =	vadd.f32 v53, v61  }
0x104: {  	v43 =	vld [tilespmem:s21+$0x7200];
	v40 =	vmul.f32 v50, v30;
	v48 =	vadd.f32 v48, v62;
	v49 =	vadd.f32 v55, v44  }
0x105: {  	s14 =	simm.s32 $0x10;
	v44 =	vmul.f32 v52, v28;
	v47 =	vadd.f32 v56, v63;
	v46 =	vadd.f32 v59, v45;
	v45 =	vld [tilespmem:s21+$0x7280]  }
.LBB2_5:
0x106: {  	p0 =	sne.s32 s14, $0x1F0  }
0x107: {  	v33 =	vadd.f32 v33, v48;
	v34 =	vadd.f32 v34, v49;
	v41 =	vmul.f32 v41, v25;
	s30 =	sadd.s32 $0x80, s30;
	s21 =	smov.u32 s14;
	s14 =	sadd.s32 $0x10, s14  }
0x108: {  	v38 =	vmul.f32 v38, v32;
	v35 =	vadd.f32 v35, v47;
	v42 =	vmul.f32 v42, v29  }
0x109: {  	v33 =	vadd.f32 v36, v33;
	v34 =	vadd.f32 v39, v34;
	v36 =	vmul.f32 v43, v21  }
0x10a: {  	v37 =	vadd.f32 v37, v46;
	v35 =	vadd.f32 v40, v35  }
0x10b: {  	v33 =	vadd.f32 v44, v33;
	v34 =	vadd.f32 v41, v34;
	v39 =	vmul.f32 v45, v16  }
0x10c: {  	v37 =	vadd.f32 v38, v37;
	v35 =	vadd.f32 v42, v35  }
0x10d: {  	v33 =	vadd.f32 v36, v33;
	v34 =	vadd.f32 v39, v34;
	_ =	sdelay $0x1  }
0x10e: {  	v33 =	vadd.f32 v34, v33;
	v34 =	vadd.f32 v37, v35;
	_ =	sdelay $0x1  }
0x10f: {  	v33 =	vadd.f32 v34, v33;
	_ =	sdelay $0x1  }
0x110: {  	[tilespmem:s2+$0x0] =	vst v33  }
0x111: {  	v34 =	vld [tilespmem:$0x18000];
	_ =	sdelay $0x4  }
0x112: {  	s4 =	sand.u32 $0xC00, s30;
	s2 =	sand.u32 $0x70, s21;
	v33 =	vmax.f32 v34, v33  }
0x113: {  	s4 =	sor.u32 s2, s4;
	[tilespmem:$0x18000] =	vst v33  }
0x114: {  	v33 =	vld [tilespmem:s4+$0x6000]  }
0x115: {  	v34 =	vld [tilespmem:s4+$0x6100]  }
0x116: {  	v35 =	vld [tilespmem:s4+$0x5280]  }
0x117: {  	v36 =	vld [tilespmem:s4+$0x5300]  }
0x118: {  	v37 =	vld [tilespmem:s4+$0x6180]  }
0x119: {  	s21 =	sand.u32 $0x180, s21;
	v38 =	vld [tilespmem:s4+$0x5080]  }
0x11a: {  	s21 =	sadd.s32 s21, s0;
	v39 =	vld [tilespmem:s4+$0x5380]  }
0x11b: {  	s2 =	sadd.s32 s2, s21;
	v40 =	vld [tilespmem:s4+$0x5100]  }
0x11c: {  	v41 =	vld [tilespmem:s4+$0x5000]  }
0x11d: {  	v42 =	vld [tilespmem:s4+$0x5200]  }
0x11e: {  	v43 =	vld [tilespmem:s4+$0x4280]  }
0x11f: {  	v44 =	vld [tilespmem:s4+$0x5180]  }
0x120: {  	v45 =	vld [tilespmem:s4+$0x4200]  }
0x121: {  	v46 =	vld [tilespmem:s4+$0x4300]  }
0x122: {  	v47 =	vld [tilespmem:s4+$0x4380]  }
0x123: {  	v49 =	vmul.f32 v41, v9;
	v48 =	vld [tilespmem:s4+$0x4180]  }
0x124: {  	v43 =	vmul.f32 v43, v6;
	v41 =	vld [tilespmem:s2+$0x0];
	v44 =	vmul.f32 v44, v12  }
0x125: {  	v40 =	vmul.f32 v40, v11;
	v50 =	vld [tilespmem:s4+$0x4100];
	v45 =	vmul.f32 v45, v5  }
0x126: {  	v52 =	vmul.f32 v38, v10;
	v51 =	vld [tilespmem:s4+$0x4080];
	v46 =	vmul.f32 v46, v7  }
0x127: {  	v39 =	vmul.f32 v39, v17;
	v38 =	vld [tilespmem:s4+$0x4000];
	v47 =	vmul.f32 v47, v8  }
0x128: {  	v53 =	vmul.f32 v37, v22;
	v48 =	vmul.f32 v48, v4;
	v37 =	vld [tilespmem:s4+$0x6380]  }
0x129: {  	v55 =	vmul.f32 v36, v15;
	v54 =	vmul.f32 v42, v13;
	v36 =	vld [tilespmem:s4+$0x6080]  }
0x12a: {  	v42 =	vmul.f32 v50, v3;
	v48 =	vadd.f32 $0.0e+00, v48;
	v50 =	vmul.f32 v35, v14;
	v35 =	vld [tilespmem:s4+$0x6300]  }
0x12b: {  	v56 =	vmul.f32 v34, v20;
	v51 =	vmul.f32 v51, v2;
	v57 =	vld [tilespmem:s4+$0x6200]  }
0x12c: {  	v33 =	vmul.f32 v33, v18;
	v34 =	vmul.f32 v38, v1;
	v58 =	vld [tilespmem:s4+$0x7180]  }
0x12d: {  	v38 =	vadd.f32 $0.0e+00, v42;
	v42 =	vadd.f32 v47, v48;
	v47 =	vld [tilespmem:s4+$0x6280];
	v59 =	vmul.f32 v37, v27  }
0x12e: {  	v37 =	vadd.f32 v34, v41;
	v41 =	vadd.f32 $0.0e+00, v51;
	v34 =	vmul.f32 v36, v19;
	v48 =	vld [tilespmem:s4+$0x7100]  }
0x12f: {  	v46 =	vadd.f32 v46, v38;
	v42 =	vadd.f32 v44, v42;
	v35 =	vmul.f32 v35, v26;
	v44 =	vld [tilespmem:s4+$0x7000]  }
0x130: {  	v45 =	vadd.f32 v45, v37;
	v43 =	vadd.f32 v43, v41;
	v36 =	vmul.f32 v57, v23;
	v38 =	vld [tilespmem:s4+$0x7380]  }
.Ltmp1:
0x131: {  	v40 =	vadd.f32 v40, v46;
	v46 =	vadd.f32 v39, v42;
	v41 =	vld [tilespmem:s4+$0x7080];
	v37 =	vmul.f32 v58, v31;
	(pc) =	sbr.rel @p0 .LBB2_5-.Ltmp1, $4  }
0x132: {  	v45 =	vadd.f32 v49, v45;
	v49 =	vadd.f32 v52, v43;
	v39 =	vmul.f32 v47, v24;
	v42 =	vld [tilespmem:s4+$0x7300]  }
0x133: {  	v47 =	vadd.f32 v55, v40;
	v46 =	vadd.f32 v53, v46;
	v40 =	vmul.f32 v48, v30;
	v43 =	vld [tilespmem:s4+$0x7200]  }
0x134: {  	v48 =	vadd.f32 v54, v45;
	v49 =	vadd.f32 v50, v49;
	v44 =	vmul.f32 v44, v28  }
0x135: {  	v47 =	vadd.f32 v56, v47;
	v46 =	vadd.f32 v59, v46;
	v45 =	vld [tilespmem:s4+$0x7280]  }
0x136: {  	v1 =	vadd.f32 v33, v48;
	v2 =	vadd.f32 v34, v49  }
0x137: {  	v3 =	vmul.f32 v41, v25;
	v6 =	vmul.f32 v38, v32;
	v4 =	vadd.f32 v35, v47  }
0x138: {  	v5 =	vmul.f32 v42, v29;
	v1 =	vadd.f32 v36, v1;
	v2 =	vadd.f32 v39, v2  }
0x139: {  	v8 =	vadd.f32 v37, v46;
	v7 =	vmul.f32 v43, v21;
	v4 =	vadd.f32 v40, v4  }
0x13a: {  	v1 =	vadd.f32 v44, v1;
	v2 =	vadd.f32 v3, v2;
	v3 =	vmul.f32 v45, v16  }
0x13b: {  	v4 =	vadd.f32 v5, v4;
	v5 =	vadd.f32 v6, v8  }
0x13c: {  	v1 =	vadd.f32 v7, v1;
	v2 =	vadd.f32 v3, v2;
	_ =	sdelay $0x1  }
0x13d: {  	v1 =	vadd.f32 v2, v1;
	v2 =	vadd.f32 v5, v4;
	_ =	sdelay $0x1  }
0x13e: {  	v1 =	vadd.f32 v2, v1;
	_ =	sdelay $0x1  }
0x13f: {  	[tilespmem:s2+$0x0] =	vst v1  }
0x140: {  	v2 =	vld [tilespmem:$0x18000];
	_ =	sdelay $0x2  }
0x141: {  	s30 =	sshll.u32 s29, $0xD;
	p0 =	seq.s32 s29, $0xB  }
0x142: {  	s0 =	sadd.s32 @!p0 s30, s8  }
0x143: {  	s4 =	simm.s32 @!p0 $0x7A1400;
	s0 =	sshrl.u32 @!p0 s0, $0x3;
	v1 =	vmax.f32 v2, v1  }
0x144: {  	s14 =	simm.s32 @!p0 $0x0;
	s0 =	sadd.s32 @!p0 s1, s0;
	s2 =	simm.s32 @!p0 $0x1000;
	[tilespmem:$0x18000] =	vst v1  }
0x145: {  	[tilespmem:s14], [sflag:$0x1] =	stream.strided.gather @!p0 [hbm4b:s0+s2], $0x8000, s4, s2, $0x38;
	[tilespmem:$0x18180] =	vst v63  }
0x146: {  	_ =	swait.ge [sflag:s20], $0x8000  }
0x147: {  	[sflag:s20] =	ssyncset.done $0x0  }
0x148: {  	[sflag:s20] =	ssyncadd.s32 $0xFFFF8000  }
0x149: {  	v17 =	vld [tilespmem:$0x16000]  }
0x14a: {  	v18 =	vld [tilespmem:$0x16080]  }
0x14b: {  	v15 =	vld [tilespmem:$0x16100]  }
0x14c: {  	v16 =	vld [tilespmem:$0x16180]  }
0x14d: {  	v19 =	vld [tilespmem:$0x16200]  }
0x14e: {  	v20 =	vld [tilespmem:$0x16280]  }
0x14f: {  	v14 =	vld [tilespmem:$0x16300]  }
0x150: {  	v13 =	vld [tilespmem:$0x16380]  }
0x151: {  	v21 =	vld [tilespmem:$0x16400]  }
0x152: {  	v22 =	vld [tilespmem:$0x16480]  }
0x153: {  	v12 =	vld [tilespmem:$0x16500]  }
0x154: {  	v11 =	vld [tilespmem:$0x16580]  }
0x155: {  	v23 =	vld [tilespmem:$0x16600]  }
0x156: {  	v24 =	vld [tilespmem:$0x16680]  }
0x157: {  	v10 =	vld [tilespmem:$0x16700]  }
0x158: {  	v9 =	vld [tilespmem:$0x16780]  }
0x159: {  	v25 =	vld [tilespmem:$0x16800]  }
0x15a: {  	v26 =	vld [tilespmem:$0x16880]  }
0x15b: {  	v8 =	vld [tilespmem:$0x16900]  }
0x15c: {  	v7 =	vld [tilespmem:$0x16980]  }
0x15d: {  	v27 =	vld [tilespmem:$0x16A00]  }
0x15e: {  	v28 =	vld [tilespmem:$0x16A80]  }
0x15f: {  	v6 =	vld [tilespmem:$0x16B00]  }
0x160: {  	v4 =	vld [tilespmem:$0x16B80]  }
0x161: {  	v29 =	vld [tilespmem:$0x16C00]  }
0x162: {  	v30 =	vld [tilespmem:$0x16C80]  }
0x163: {  	v5 =	vld [tilespmem:$0x16D00]  }
0x164: {  	v1 =	vld [tilespmem:$0x16D80]  }
0x165: {  	v31 =	vld [tilespmem:$0x16E00]  }
0x166: {  	s14 =	simm.s32 $0x0;
	v32 =	vld [tilespmem:$0x16E80]  }
0x167: {  	s21 =	sand.u32 $0x70, s14;
	s22 =	sand.u32 $0xC00, s14;
	v2 =	vld [tilespmem:$0x16F00]  }
0x168: {  	s0 =	sor.u32 s21, s22;
	v3 =	vld [tilespmem:$0x16F80]  }
0x169: {  	v33 =	vld [tilespmem:s0+$0xB200]  }
0x16a: {  	v61 =	vld [tilespmem:s0+$0xB280]  }
0x16b: {  	v35 =	vld [tilespmem:s0+$0xB000]  }
0x16c: {  	v36 =	vld [tilespmem:s0+$0xB080]  }
0x16d: {  	v52 =	vld [tilespmem:s0+$0xA200]  }
0x16e: {  	v53 =	vld [tilespmem:s0+$0xA280]  }
0x16f: {  	v54 =	vld [tilespmem:s0+$0xA000]  }
0x170: {  	v55 =	vld [tilespmem:s0+$0xA080]  }
0x171: {  	v41 =	vld [tilespmem:s0+$0x9200]  }
0x172: {  	v56 =	vld [tilespmem:s0+$0x9280]  }
0x173: {  	v57 =	vld [tilespmem:s0+$0x9000]  }
0x174: {  	v62 =	vld [tilespmem:s0+$0x9080]  }
0x175: {  	v63 =	vld [tilespmem:s26+$0x0]  }
0x176: {  	v58 =	vld [tilespmem:s0+$0x8200]  }
0x177: {  	v59 =	vld [tilespmem:s0+$0x8280]  }
0x178: {  	v60 =	vld [tilespmem:s0+$0x8000];
	v33 =	vmul.f32 v33, v31;
	v34 =	vmul.f32 v61, v32  }
0x179: {  	v50 =	vld [tilespmem:s0+$0x8100];
	v35 =	vmul.f32 v35, v29;
	v36 =	vmul.f32 v36, v30  }
0x17a: {  	v51 =	vld [tilespmem:s0+$0x8180];
	v37 =	vmul.f32 v52, v27;
	v38 =	vmul.f32 v53, v28  }
0x17b: {  	s2 =	sor.u32 s14, s14;
	v61 =	vld [tilespmem:s0+$0x8080];
	v39 =	vmul.f32 v54, v25;
	v40 =	vmul.f32 v55, v26  }
0x17c: {  	s2 =	sor.u32 $0x380, s2;
	v52 =	vld [tilespmem:s0+$0x8300];
	v41 =	vmul.f32 v41, v23;
	v42 =	vmul.f32 v56, v24  }
0x17d: {  	v53 =	vld [tilespmem:s2+$0x8000];
	v43 =	vmul.f32 v57, v21;
	v44 =	vmul.f32 v62, v22  }
0x17e: {  	v46 =	vmul.f32 v58, v19;
	v47 =	vmul.f32 v59, v20;
	v54 =	vld [tilespmem:s0+$0x9100]  }
0x17f: {  	v48 =	vmul.f32 v60, v17;
	v55 =	vld [tilespmem:s0+$0x9180];
	v50 =	vmul.f32 v50, v15  }
0x180: {  	v51 =	vmul.f32 v51, v16;
	v56 =	vld [tilespmem:s0+$0x9300];
	v49 =	vmul.f32 v61, v18  }
0x181: {  	v45 =	vadd.f32 v48, v63;
	v50 =	vadd.f32 $0.0e+00, v50;
	v63 =	vmul.f32 v52, v14;
	v52 =	vld [tilespmem:s0+$0x9380]  }
0x182: {  	v57 =	vld [tilespmem:s0+$0xA100];
	v51 =	vadd.f32 $0.0e+00, v51;
	v53 =	vmul.f32 v53, v13;
	v62 =	vadd.f32 $0.0e+00, v49  }
0x183: {  	v48 =	vld [tilespmem:s0+$0xA180];
	v45 =	vadd.f32 v46, v45;
	v59 =	vmul.f32 v54, v12;
	v49 =	vadd.f32 v63, v50  }
0x184: {  	v61 =	vmul.f32 v55, v11;
	v60 =	vadd.f32 v53, v51;
	v58 =	vadd.f32 v47, v62;
	v62 =	vld [tilespmem:s0+$0xA300]  }
0x185: {  	v46 =	vld [tilespmem:s0+$0xA380];
	v43 =	vadd.f32 v43, v45;
	v63 =	vmul.f32 v56, v10;
	v47 =	vadd.f32 v59, v49  }
0x186: {  	v56 =	vld [tilespmem:s0+$0xB100];
	v54 =	vadd.f32 v61, v60;
	v55 =	vmul.f32 v52, v9;
	v44 =	vadd.f32 v44, v58  }
0x187: {  	v41 =	vadd.f32 v41, v43;
	v59 =	vld [tilespmem:s0+$0xB180];
	v58 =	vmul.f32 v57, v8;
	v45 =	vadd.f32 v63, v47  }
0x188: {  	v48 =	vmul.f32 v48, v7;
	v61 =	vld [tilespmem:s0+$0xB300];
	v60 =	vadd.f32 v55, v54;
	v42 =	vadd.f32 v42, v44  }
0x189: {  	v39 =	vadd.f32 v39, v41;
	v63 =	vld [tilespmem:s0+$0xB380];
	v43 =	vadd.f32 v58, v45;
	v62 =	vmul.f32 v62, v6  }
0x18a: {  	v46 =	vmul.f32 v46, v4;
	v48 =	vadd.f32 v48, v60;
	v40 =	vadd.f32 v40, v42  }
0x18b: {  	v37 =	vadd.f32 v37, v39;
	v50 =	vmul.f32 v56, v5;
	v51 =	vadd.f32 v62, v43  }
0x18c: {  	v53 =	vmul.f32 v59, v1;
	v52 =	vadd.f32 v46, v48;
	v38 =	vadd.f32 v38, v40  }
0x18d: {  	v35 =	vadd.f32 v35, v37;
	v54 =	vmul.f32 v61, v2;
	v55 =	vadd.f32 v50, v51  }
0x18e: {  	v57 =	vmul.f32 v63, v3;
	v56 =	vadd.f32 v53, v52;
	v36 =	vadd.f32 v36, v38  }
0x18f: {  	v33 =	vadd.f32 v33, v35;
	v58 =	vadd.f32 v54, v55  }
0x190: {  	v59 =	vadd.f32 v57, v56;
	v34 =	vadd.f32 v34, v36;
	_ =	sdelay $0x1  }
0x191: {  	v60 =	vadd.f32 v59, v58;
	v33 =	vadd.f32 v34, v33;
	_ =	sdelay $0x1  }
0x192: {  	s14 =	simm.s32 $0x80;
	s21 =	simm.s32 $0x10;
	v33 =	vadd.f32 v60, v33  }
0x193: {  	s22 =	sand.u32 $0xC00, s14;
	s6 =	sand.u32 $0x70, s21  }
0x194: {  	s2 =	sor.u32 s6, s22;
	[tilespmem:s25+$0x0] =	vst v33  }
0x195: {  	v33 =	vld [tilespmem:s2+$0xB200]  }
0x196: {  	v61 =	vld [tilespmem:s2+$0xB280]  }
0x197: {  	v62 =	vld [tilespmem:s2+$0xB000]  }
0x198: {  	v63 =	vld [tilespmem:s2+$0xB080]  }
0x199: {  	v47 =	vld [tilespmem:s2+$0xA200]  }
0x19a: {  	v48 =	vld [tilespmem:s2+$0xA280]  }
0x19b: {  	v42 =	vld [tilespmem:s2+$0xA000]  }
0x19c: {  	v44 =	vld [tilespmem:s2+$0xA080]  }
0x19d: {  	v39 =	vld [tilespmem:s2+$0x9200]  }
0x19e: {  	v41 =	vld [tilespmem:s2+$0x9280]  }
0x19f: {  	v38 =	vld [tilespmem:s2+$0x9000]  }
0x1a0: {  	s4 =	sadd.s32 $0x10, s26;
	v40 =	vld [tilespmem:s2+$0x9080]  }
0x1a1: {  	v37 =	vld [tilespmem:s4+$0x0]  }
0x1a2: {  	v45 =	vld [tilespmem:s2+$0x8200]  }
0x1a3: {  	v46 =	vld [tilespmem:s2+$0x8280]  }
0x1a4: {  	v43 =	vld [tilespmem:s2+$0x8000];
	v33 =	vmul.f32 v33, v31;
	v34 =	vmul.f32 v61, v32  }
0x1a5: {  	s31 =	sor.u32 $0x200, s31;
	s22 =	simm.s32 $0x20;
	s0 =	smov.u32 s25;
	v49 =	vld [tilespmem:s2+$0x8080];
	v35 =	vmul.f32 v62, v29;
	v36 =	vmul.f32 v63, v30  }
.LBB2_7:
0x1a6: {  	p1 =	sne.s32 s22, $0x1F0;
	v50 =	vld [tilespmem:s2+$0x8100];
	v47 =	vmul.f32 v47, v27;
	v48 =	vmul.f32 v48, v28  }
0x1a7: {  	s6 =	sor.u32 s14, s21;
	v42 =	vmul.f32 v42, v25;
	v44 =	vmul.f32 v44, v26;
	s21 =	smov.u32 s22;
	v51 =	vld [tilespmem:s2+$0x8180]  }
0x1a8: {  	v39 =	vmul.f32 v39, v23;
	v41 =	vmul.f32 v41, v24;
	s6 =	sor.u32 $0x380, s6;
	v52 =	vld [tilespmem:s2+$0x8300]  }
0x1a9: {  	v38 =	vmul.f32 v38, v21;
	v40 =	vmul.f32 v40, v22;
	v53 =	vld [tilespmem:s6+$0x8000]  }
0x1aa: {  	v45 =	vmul.f32 v45, v19;
	v46 =	vmul.f32 v46, v20;
	v54 =	vld [tilespmem:s2+$0x9100]  }
0x1ab: {  	v43 =	vmul.f32 v43, v17;
	v49 =	vmul.f32 v49, v18;
	v55 =	vld [tilespmem:s2+$0x9180]  }
0x1ac: {  	v50 =	vmul.f32 v50, v15;
	v51 =	vmul.f32 v51, v16;
	v56 =	vld [tilespmem:s2+$0x9300]  }
0x1ad: {  	v37 =	vadd.f32 v43, v37;
	v43 =	vadd.f32 $0.0e+00, v49;
	v49 =	vmul.f32 v52, v14;
	v52 =	vld [tilespmem:s2+$0x9380]  }
0x1ae: {  	v50 =	vadd.f32 $0.0e+00, v50;
	v51 =	vadd.f32 $0.0e+00, v51;
	v53 =	vmul.f32 v53, v13;
	v57 =	vld [tilespmem:s2+$0xA100]  }
0x1af: {  	v37 =	vadd.f32 v45, v37;
	v43 =	vadd.f32 v46, v43;
	v45 =	vmul.f32 v54, v12;
	v46 =	vld [tilespmem:s2+$0xA180]  }
0x1b0: {  	v49 =	vadd.f32 v49, v50;
	v50 =	vadd.f32 v53, v51;
	v51 =	vmul.f32 v55, v11;
	v53 =	vld [tilespmem:s2+$0xA300]  }
0x1b1: {  	v37 =	vadd.f32 v38, v37;
	v38 =	vadd.f32 v40, v43;
	v40 =	vmul.f32 v56, v10;
	v43 =	vld [tilespmem:s2+$0xA380]  }
0x1b2: {  	v45 =	vadd.f32 v45, v49;
	v49 =	vadd.f32 v51, v50;
	v50 =	vmul.f32 v52, v9;
	v51 =	vld [tilespmem:s2+$0xB100]  }
0x1b3: {  	v37 =	vadd.f32 v39, v37;
	v38 =	vadd.f32 v41, v38;
	v39 =	vmul.f32 v57, v8;
	v41 =	vld [tilespmem:s2+$0xB180]  }
0x1b4: {  	v40 =	vadd.f32 v40, v45;
	v45 =	vadd.f32 v50, v49;
	v46 =	vmul.f32 v46, v7;
	v49 =	vld [tilespmem:s2+$0xB300]  }
0x1b5: {  	v37 =	vadd.f32 v42, v37;
	v38 =	vadd.f32 v44, v38;
	v42 =	vmul.f32 v53, v6;
	v44 =	vld [tilespmem:s2+$0xB380]  }
0x1b6: {  	v39 =	vadd.f32 v39, v40;
	v40 =	vadd.f32 v46, v45;
	v43 =	vmul.f32 v43, v4  }
0x1b7: {  	v37 =	vadd.f32 v47, v37;
	v38 =	vadd.f32 v48, v38;
	v45 =	vmul.f32 v51, v5  }
0x1b8: {  	v39 =	vadd.f32 v42, v39;
	v40 =	vadd.f32 v43, v40;
	v41 =	vmul.f32 v41, v1  }
0x1b9: {  	v35 =	vadd.f32 v35, v37;
	v36 =	vadd.f32 v36, v38;
	v37 =	vmul.f32 v49, v2  }
0x1ba: {  	v38 =	vadd.f32 v45, v39;
	v39 =	vadd.f32 v41, v40;
	v40 =	vmul.f32 v44, v3  }
0x1bb: {  	v33 =	vadd.f32 v33, v35;
	v34 =	vadd.f32 v34, v36  }
0x1bc: {  	v35 =	vadd.f32 v37, v38;
	v36 =	vadd.f32 v40, v39;
	_ =	sdelay $0x1  }
0x1bd: {  	v33 =	vadd.f32 v34, v33;
	v34 =	vadd.f32 v36, v35;
	_ =	sdelay $0x1  }
0x1be: {  	s14 =	sadd.s32 $0x80, s14;
	v33 =	vadd.f32 v34, v33  }
0x1bf: {  	s0 =	sadd.s32 $0x10, s0;
	s6 =	sand.u32 $0xC00, s14;
	s2 =	sand.u32 $0x70, s22  }
0x1c0: {  	s2 =	sor.u32 s2, s6;
	[tilespmem:s0+$0x0] =	vst v33  }
0x1c1: {  	v33 =	vld [tilespmem:s2+$0xB200]  }
0x1c2: {  	v34 =	vld [tilespmem:s2+$0xB280]  }
0x1c3: {  	v35 =	vld [tilespmem:s2+$0xB000]  }
0x1c4: {  	v36 =	vld [tilespmem:s2+$0xB080]  }
0x1c5: {  	v47 =	vld [tilespmem:s2+$0xA200]  }
0x1c6: {  	v48 =	vld [tilespmem:s2+$0xA280]  }
0x1c7: {  	v42 =	vld [tilespmem:s2+$0xA000]  }
0x1c8: {  	v44 =	vld [tilespmem:s2+$0xA080]  }
0x1c9: {  	v39 =	vld [tilespmem:s2+$0x9200]  }
0x1ca: {  	v41 =	vld [tilespmem:s2+$0x9280]  }
0x1cb: {  	v38 =	vld [tilespmem:s2+$0x9000]  }
0x1cc: {  	s4 =	sadd.s32 $0x10, s4;
	v40 =	vld [tilespmem:s2+$0x9080]  }
.Ltmp2:
0x1cd: {  	v37 =	vld [tilespmem:s4+$0x0];
	(pc) =	sbr.rel @p1 .LBB2_7-.Ltmp2, $4  }
0x1ce: {  	v45 =	vld [tilespmem:s2+$0x8200]  }
0x1cf: {  	v46 =	vld [tilespmem:s2+$0x8280]  }
0x1d0: {  	v33 =	vmul.f32 v33, v31;
	v34 =	vmul.f32 v34, v32;
	v43 =	vld [tilespmem:s2+$0x8000]  }
0x1d1: {  	s22 =	sadd.s32 $0x10, s22;
	v35 =	vmul.f32 v35, v29;
	v36 =	vmul.f32 v36, v30;
	v49 =	vld [tilespmem:s2+$0x8080]  }
0x1d2: {  	v29 =	vld [tilespmem:s2+$0x8100];
	v27 =	vmul.f32 v47, v27;
	v28 =	vmul.f32 v48, v28  }
0x1d3: {  	v30 =	vld [tilespmem:s2+$0x8180];
	s4 =	sor.u32 s14, s21;
	v25 =	vmul.f32 v42, v25;
	v26 =	vmul.f32 v44, v26  }
0x1d4: {  	v31 =	vld [tilespmem:s2+$0x8300];
	v23 =	vmul.f32 v39, v23;
	v24 =	vmul.f32 v41, v24;
	s4 =	sor.u32 $0x380, s4  }
0x1d5: {  	v21 =	vmul.f32 v38, v21;
	v22 =	vmul.f32 v40, v22;
	v32 =	vld [tilespmem:s4+$0x8000]  }
0x1d6: {  	v58 =	vld [tilespmem:s2+$0x9100];
	v19 =	vmul.f32 v45, v19;
	v20 =	vmul.f32 v46, v20  }
0x1d7: {  	v59 =	vld [tilespmem:s2+$0x9180];
	v17 =	vmul.f32 v43, v17;
	v18 =	vmul.f32 v49, v18  }
0x1d8: {  	v15 =	vmul.f32 v29, v15;
	v16 =	vmul.f32 v30, v16;
	v29 =	vld [tilespmem:s2+$0x9300]  }
0x1d9: {  	v17 =	vadd.f32 v17, v37;
	v14 =	vmul.f32 v31, v14;
	v30 =	vld [tilespmem:s2+$0x9380];
	v18 =	vadd.f32 $0.0e+00, v18  }
0x1da: {  	v31 =	vld [tilespmem:s2+$0xA100];
	v15 =	vadd.f32 $0.0e+00, v15;
	v16 =	vadd.f32 $0.0e+00, v16;
	v13 =	vmul.f32 v32, v13  }
0x1db: {  	v12 =	vmul.f32 v58, v12;
	v17 =	vadd.f32 v19, v17;
	v19 =	vld [tilespmem:s2+$0xA180];
	v18 =	vadd.f32 v20, v18  }
0x1dc: {  	v11 =	vmul.f32 v59, v11;
	v14 =	vadd.f32 v14, v15;
	v13 =	vadd.f32 v13, v16;
	v15 =	vld [tilespmem:s2+$0xA300]  }
0x1dd: {  	v16 =	vadd.f32 v21, v17;
	v17 =	vadd.f32 v22, v18;
	v10 =	vmul.f32 v29, v10;
	v18 =	vld [tilespmem:s2+$0xA380]  }
0x1de: {  	v9 =	vmul.f32 v30, v9;
	v12 =	vadd.f32 v12, v14;
	v11 =	vadd.f32 v11, v13;
	v13 =	vld [tilespmem:s2+$0xB100]  }
0x1df: {  	v8 =	vmul.f32 v31, v8;
	v14 =	vadd.f32 v23, v16;
	v16 =	vadd.f32 v24, v17;
	v17 =	vld [tilespmem:s2+$0xB180]  }
0x1e0: {  	v7 =	vmul.f32 v19, v7;
	v10 =	vadd.f32 v10, v12;
	v9 =	vadd.f32 v9, v11;
	v11 =	vld [tilespmem:s2+$0xB300]  }
0x1e1: {  	v12 =	vadd.f32 v25, v14;
	v14 =	vadd.f32 v26, v16;
	v6 =	vmul.f32 v15, v6;
	v15 =	vld [tilespmem:s2+$0xB380]  }
0x1e2: {  	v8 =	vadd.f32 v8, v10;
	v7 =	vadd.f32 v7, v9;
	v4 =	vmul.f32 v18, v4  }
0x1e3: {  	v9 =	vadd.f32 v27, v12;
	v10 =	vadd.f32 v28, v14;
	v5 =	vmul.f32 v13, v5  }
0x1e4: {  	v6 =	vadd.f32 v6, v8;
	v4 =	vadd.f32 v4, v7;
	v1 =	vmul.f32 v17, v1  }
0x1e5: {  	v7 =	vadd.f32 v35, v9;
	v8 =	vadd.f32 v36, v10;
	v2 =	vmul.f32 v11, v2  }
0x1e6: {  	v5 =	vadd.f32 v5, v6;
	v1 =	vadd.f32 v1, v4;
	v3 =	vmul.f32 v15, v3  }
0x1e7: {  	v4 =	vadd.f32 v33, v7;
	v6 =	vadd.f32 v34, v8  }
0x1e8: {  	v2 =	vadd.f32 v2, v5;
	v1 =	vadd.f32 v3, v1;
	_ =	sdelay $0x1  }
0x1e9: {  	v3 =	vadd.f32 v6, v4;
	v1 =	vadd.f32 v1, v2;
	_ =	sdelay $0x1  }
0x1ea: {  	v1 =	vadd.f32 v1, v3  }
0x1eb: {  	s0 =	sadd.s32 $0x10, s0  }
0x1ec: {  	[tilespmem:s0+$0x0] =	vst v1  }
0x1ed: {  	v1 =	vld [tilespmem:$0x17000]  }
0x1ee: {  	v2 =	vld [tilespmem:$0x17080]  }
0x1ef: {  	v3 =	vld [tilespmem:$0x17100]  }
0x1f0: {  	v4 =	vld [tilespmem:$0x17180]  }
0x1f1: {  	v5 =	vld [tilespmem:$0x17200]  }
0x1f2: {  	v6 =	vld [tilespmem:$0x17280]  }
0x1f3: {  	v7 =	vld [tilespmem:$0x17300]  }
0x1f4: {  	v8 =	vld [tilespmem:$0x17380]  }
0x1f5: {  	v9 =	vld [tilespmem:$0x17400]  }
0x1f6: {  	v10 =	vld [tilespmem:$0x17480]  }
0x1f7: {  	v11 =	vld [tilespmem:$0x17500]  }
0x1f8: {  	v12 =	vld [tilespmem:$0x17580]  }
0x1f9: {  	v13 =	vld [tilespmem:$0x17600]  }
0x1fa: {  	v14 =	vld [tilespmem:$0x17680]  }
0x1fb: {  	v15 =	vld [tilespmem:$0x17700]  }
0x1fc: {  	v17 =	vld [tilespmem:$0x17780]  }
0x1fd: {  	v18 =	vld [tilespmem:$0x17800]  }
0x1fe: {  	v19 =	vld [tilespmem:$0x17880]  }
0x1ff: {  	v20 =	vld [tilespmem:$0x17900]  }
0x200: {  	v22 =	vld [tilespmem:$0x17980]  }
0x201: {  	v23 =	vld [tilespmem:$0x17A00]  }
0x202: {  	v24 =	vld [tilespmem:$0x17A80]  }
0x203: {  	v26 =	vld [tilespmem:$0x17B00]  }
0x204: {  	v27 =	vld [tilespmem:$0x17B80]  }
0x205: {  	v28 =	vld [tilespmem:$0x17C00]  }
0x206: {  	v25 =	vld [tilespmem:$0x17C80]  }
0x207: {  	v30 =	vld [tilespmem:$0x17D00]  }
0x208: {  	v31 =	vld [tilespmem:$0x17D80]  }
0x209: {  	v21 =	vld [tilespmem:$0x17E00]  }
0x20a: {  	s0 =	simm.s32 $0x0;
	v16 =	vld [tilespmem:$0x17E80]  }
0x20b: {  	v29 =	vld [tilespmem:$0x17F00];
	s21 =	sand.u32 $0x70, s0;
	s22 =	sand.u32 $0xC00, s0  }
0x20c: {  	v32 =	vld [tilespmem:$0x17F80];
	s4 =	sor.u32 s21, s22  }
0x20d: {  	v33 =	vld [tilespmem:s4+$0xE000]  }
0x20e: {  	v34 =	vld [tilespmem:s4+$0xE100]  }
0x20f: {  	v35 =	vld [tilespmem:s4+$0xD280]  }
0x210: {  	v36 =	vld [tilespmem:s4+$0xD300]  }
0x211: {  	v37 =	vld [tilespmem:s4+$0xE180]  }
0x212: {  	v60 =	vld [tilespmem:s4+$0xD080]  }
0x213: {  	v61 =	vld [tilespmem:s4+$0xD380]  }
0x214: {  	v62 =	vld [tilespmem:s4+$0xD100]  }
0x215: {  	v63 =	vld [tilespmem:s4+$0xD000]  }
0x216: {  	v52 =	vld [tilespmem:s4+$0xC280]  }
0x217: {  	v53 =	vld [tilespmem:s4+$0xD180]  }
0x218: {  	v54 =	vld [tilespmem:s4+$0xC200]  }
0x219: {  	v55 =	vld [tilespmem:s4+$0xC300]  }
0x21a: {  	v56 =	vld [tilespmem:s4+$0xC380]  }
0x21b: {  	v57 =	vld [tilespmem:s4+$0xC180]  }
0x21c: {  	v58 =	vld [tilespmem:s4+$0xD200];
	v49 =	vmul.f32 v63, v9;
	v41 =	vmul.f32 v52, v6  }
0x21d: {  	s31 =	sadd.s32 $0x10000, s31;
	s6 =	sand.u32 $0x180, s0;
	v59 =	vld [tilespmem:s4+$0xC100];
	v42 =	vmul.f32 v53, v12;
	v44 =	vmul.f32 v54, v5  }
0x21e: {  	s6 =	sadd.s32 s6, s31;
	v50 =	vld [tilespmem:s4+$0xC080];
	v40 =	vmul.f32 v62, v11;
	v45 =	vmul.f32 v55, v7  }
0x21f: {  	s2 =	sadd.s32 s21, s6;
	v51 =	vmul.f32 v60, v10;
	v60 =	vld [tilespmem:s4+$0xC000];
	v46 =	vmul.f32 v56, v8  }
0x220: {  	v52 =	vld [tilespmem:s2+$0x0];
	v39 =	vmul.f32 v61, v17;
	v47 =	vmul.f32 v57, v4  }
0x221: {  	v53 =	vmul.f32 v37, v22;
	v61 =	vld [tilespmem:s4+$0xE380];
	v48 =	vmul.f32 v58, v13  }
0x222: {  	v54 =	vmul.f32 v36, v15;
	v36 =	vld [tilespmem:s4+$0xE080];
	v43 =	vmul.f32 v59, v3  }
0x223: {  	v55 =	vmul.f32 v35, v14;
	v35 =	vld [tilespmem:s4+$0xE300];
	v50 =	vmul.f32 v50, v2;
	v47 =	vadd.f32 $0.0e+00, v47  }
0x224: {  	v56 =	vmul.f32 v34, v20;
	v57 =	vld [tilespmem:s4+$0xE200];
	v62 =	vmul.f32 v60, v1  }
0x225: {  	v33 =	vmul.f32 v33, v18;
	v58 =	vld [tilespmem:s4+$0xF180];
	v63 =	vadd.f32 $0.0e+00, v43;
	v60 =	vadd.f32 v46, v47  }
0x226: {  	v46 =	vld [tilespmem:s4+$0xE280];
	v59 =	vmul.f32 v61, v27;
	v61 =	vadd.f32 v62, v52;
	v62 =	vadd.f32 $0.0e+00, v50  }
0x227: {  	v45 =	vadd.f32 v45, v63;
	v34 =	vmul.f32 v36, v19;
	v50 =	vld [tilespmem:s4+$0xF100];
	v42 =	vadd.f32 v42, v60  }
0x228: {  	v35 =	vmul.f32 v35, v26;
	v52 =	vld [tilespmem:s4+$0xF000];
	v63 =	vadd.f32 v44, v61;
	v60 =	vadd.f32 v41, v62  }
0x229: {  	v38 =	vld [tilespmem:s4+$0xF380];
	v36 =	vmul.f32 v57, v23;
	v40 =	vadd.f32 v40, v45;
	v61 =	vadd.f32 v39, v42  }
0x22a: {  	v37 =	vmul.f32 v58, v31;
	v41 =	vld [tilespmem:s4+$0xF080];
	v62 =	vadd.f32 v49, v63;
	v44 =	vadd.f32 v51, v60  }
0x22b: {  	v42 =	vld [tilespmem:s4+$0xF300];
	v39 =	vmul.f32 v46, v24;
	v63 =	vadd.f32 v54, v40;
	v45 =	vadd.f32 v53, v61  }
0x22c: {  	v43 =	vld [tilespmem:s4+$0xF200];
	v40 =	vmul.f32 v50, v30;
	v48 =	vadd.f32 v48, v62;
	v49 =	vadd.f32 v55, v44  }
0x22d: {  	s14 =	simm.s32 $0x10;
	v44 =	vmul.f32 v52, v28;
	v47 =	vadd.f32 v56, v63;
	v46 =	vadd.f32 v59, v45;
	v45 =	vld [tilespmem:s4+$0xF280]  }
.LBB2_9:
0x22e: {  	p1 =	sne.s32 s14, $0x1F0  }
0x22f: {  	v33 =	vadd.f32 v33, v48;
	v34 =	vadd.f32 v34, v49;
	v41 =	vmul.f32 v41, v25;
	s0 =	sadd.s32 $0x80, s0;
	s6 =	smov.u32 s14;
	s14 =	sadd.s32 $0x10, s14  }
0x230: {  	v38 =	vmul.f32 v38, v32;
	v35 =	vadd.f32 v35, v47;
	v42 =	vmul.f32 v42, v29  }
0x231: {  	v33 =	vadd.f32 v36, v33;
	v34 =	vadd.f32 v39, v34;
	v36 =	vmul.f32 v43, v21  }
0x232: {  	v37 =	vadd.f32 v37, v46;
	v35 =	vadd.f32 v40, v35  }
0x233: {  	v33 =	vadd.f32 v44, v33;
	v34 =	vadd.f32 v41, v34;
	v39 =	vmul.f32 v45, v16  }
0x234: {  	v37 =	vadd.f32 v38, v37;
	v35 =	vadd.f32 v42, v35  }
0x235: {  	v33 =	vadd.f32 v36, v33;
	v34 =	vadd.f32 v39, v34;
	_ =	sdelay $0x1  }
0x236: {  	v33 =	vadd.f32 v34, v33;
	v34 =	vadd.f32 v37, v35;
	_ =	sdelay $0x1  }
0x237: {  	v33 =	vadd.f32 v34, v33;
	_ =	sdelay $0x1  }
0x238: {  	[tilespmem:s2+$0x0] =	vst v33  }
0x239: {  	v34 =	vld [tilespmem:$0x18000];
	_ =	sdelay $0x4  }
0x23a: {  	s4 =	sand.u32 $0xC00, s0;
	s2 =	sand.u32 $0x70, s6;
	v33 =	vmax.f32 v34, v33  }
0x23b: {  	s4 =	sor.u32 s2, s4;
	[tilespmem:$0x18000] =	vst v33  }
0x23c: {  	v33 =	vld [tilespmem:s4+$0xE000]  }
0x23d: {  	v34 =	vld [tilespmem:s4+$0xE100]  }
0x23e: {  	v35 =	vld [tilespmem:s4+$0xD280]  }
0x23f: {  	v36 =	vld [tilespmem:s4+$0xD300]  }
0x240: {  	v37 =	vld [tilespmem:s4+$0xE180]  }
0x241: {  	s6 =	sand.u32 $0x180, s6;
	v38 =	vld [tilespmem:s4+$0xD080]  }
0x242: {  	s6 =	sadd.s32 s6, s31;
	v39 =	vld [tilespmem:s4+$0xD380]  }
0x243: {  	s2 =	sadd.s32 s2, s6;
	v40 =	vld [tilespmem:s4+$0xD100]  }
0x244: {  	v41 =	vld [tilespmem:s4+$0xD000]  }
0x245: {  	v42 =	vld [tilespmem:s4+$0xD200]  }
0x246: {  	v43 =	vld [tilespmem:s4+$0xC280]  }
0x247: {  	v44 =	vld [tilespmem:s4+$0xD180]  }
0x248: {  	v45 =	vld [tilespmem:s4+$0xC200]  }
0x249: {  	v46 =	vld [tilespmem:s4+$0xC300]  }
0x24a: {  	v47 =	vld [tilespmem:s4+$0xC380]  }
0x24b: {  	v49 =	vmul.f32 v41, v9;
	v48 =	vld [tilespmem:s4+$0xC180]  }
0x24c: {  	v43 =	vmul.f32 v43, v6;
	v41 =	vld [tilespmem:s2+$0x0];
	v44 =	vmul.f32 v44, v12  }
0x24d: {  	v40 =	vmul.f32 v40, v11;
	v50 =	vld [tilespmem:s4+$0xC100];
	v45 =	vmul.f32 v45, v5  }
0x24e: {  	v52 =	vmul.f32 v38, v10;
	v51 =	vld [tilespmem:s4+$0xC080];
	v46 =	vmul.f32 v46, v7  }
0x24f: {  	v39 =	vmul.f32 v39, v17;
	v38 =	vld [tilespmem:s4+$0xC000];
	v47 =	vmul.f32 v47, v8  }
0x250: {  	v53 =	vmul.f32 v37, v22;
	v48 =	vmul.f32 v48, v4;
	v37 =	vld [tilespmem:s4+$0xE380]  }
0x251: {  	v55 =	vmul.f32 v36, v15;
	v54 =	vmul.f32 v42, v13;
	v36 =	vld [tilespmem:s4+$0xE080]  }
0x252: {  	v42 =	vmul.f32 v50, v3;
	v48 =	vadd.f32 $0.0e+00, v48;
	v50 =	vmul.f32 v35, v14;
	v35 =	vld [tilespmem:s4+$0xE300]  }
0x253: {  	v56 =	vmul.f32 v34, v20;
	v51 =	vmul.f32 v51, v2;
	v57 =	vld [tilespmem:s4+$0xE200]  }
0x254: {  	v33 =	vmul.f32 v33, v18;
	v34 =	vmul.f32 v38, v1;
	v58 =	vld [tilespmem:s4+$0xF180]  }
0x255: {  	v38 =	vadd.f32 $0.0e+00, v42;
	v42 =	vadd.f32 v47, v48;
	v47 =	vld [tilespmem:s4+$0xE280];
	v59 =	vmul.f32 v37, v27  }
0x256: {  	v37 =	vadd.f32 v34, v41;
	v41 =	vadd.f32 $0.0e+00, v51;
	v34 =	vmul.f32 v36, v19;
	v48 =	vld [tilespmem:s4+$0xF100]  }
0x257: {  	v46 =	vadd.f32 v46, v38;
	v42 =	vadd.f32 v44, v42;
	v35 =	vmul.f32 v35, v26;
	v44 =	vld [tilespmem:s4+$0xF000]  }
0x258: {  	v45 =	vadd.f32 v45, v37;
	v43 =	vadd.f32 v43, v41;
	v36 =	vmul.f32 v57, v23;
	v38 =	vld [tilespmem:s4+$0xF380]  }
.Ltmp3:
0x259: {  	v40 =	vadd.f32 v40, v46;
	v46 =	vadd.f32 v39, v42;
	v41 =	vld [tilespmem:s4+$0xF080];
	v37 =	vmul.f32 v58, v31;
	(pc) =	sbr.rel @p1 .LBB2_9-.Ltmp3, $4  }
0x25a: {  	v45 =	vadd.f32 v49, v45;
	v49 =	vadd.f32 v52, v43;
	v39 =	vmul.f32 v47, v24;
	v42 =	vld [tilespmem:s4+$0xF300]  }
0x25b: {  	v47 =	vadd.f32 v55, v40;
	v46 =	vadd.f32 v53, v46;
	v40 =	vmul.f32 v48, v30;
	v43 =	vld [tilespmem:s4+$0xF200]  }
0x25c: {  	v48 =	vadd.f32 v54, v45;
	v49 =	vadd.f32 v50, v49;
	v44 =	vmul.f32 v44, v28  }
0x25d: {  	v47 =	vadd.f32 v56, v47;
	v46 =	vadd.f32 v59, v46;
	v45 =	vld [tilespmem:s4+$0xF280]  }
0x25e: {  	v1 =	vadd.f32 v33, v48;
	v2 =	vadd.f32 v34, v49  }
0x25f: {  	v3 =	vmul.f32 v41, v25;
	v6 =	vmul.f32 v38, v32;
	v4 =	vadd.f32 v35, v47  }
0x260: {  	v5 =	vmul.f32 v42, v29;
	v1 =	vadd.f32 v36, v1;
	v2 =	vadd.f32 v39, v2  }
0x261: {  	v8 =	vadd.f32 v37, v46;
	v7 =	vmul.f32 v43, v21;
	v4 =	vadd.f32 v40, v4  }
0x262: {  	v1 =	vadd.f32 v44, v1;
	v2 =	vadd.f32 v3, v2;
	v3 =	vmul.f32 v45, v16  }
0x263: {  	v63 =	vadd.f32 v6, v8;
	v4 =	vadd.f32 v5, v4  }
0x264: {  	v1 =	vadd.f32 v7, v1;
	v2 =	vadd.f32 v3, v2;
	_ =	sdelay $0x1  }
0x265: {  	v1 =	vadd.f32 v2, v1;
	v2 =	vadd.f32 v63, v4;
	_ =	sdelay $0x1  }
0x266: {  	v1 =	vadd.f32 v2, v1;
	_ =	sdelay $0x1  }
0x267: {  	[tilespmem:s2+$0x0] =	vst v1  }
0x268: {  	v2 =	vld [tilespmem:$0x18000];
	_ =	sdelay $0x1  }
.Ltmp4:
0x269: {  	_ = 	snop;
	(pc) =	sbr.rel @p0 .LBB2_12-.Ltmp4, $3  }
0x26a: {  	_ =	sdelay $0x1  }
0x26b: {  	v1 =	vmax.f32 v2, v1  }
0x26c: {  	[tilespmem:$0x18000] =	vst v1  }
.Ltmp5:
0x26d: {  	(pc) =	sbr.rel .LBB2_2-.Ltmp5, $4  }
0x26e: {  	s0 =	sadd.s32 s30, s9;
	s29 =	sadd.s32 $0x1, s29  }
0x26f: {  	s28 =	sadd.s32 $0x400, s28;
	s24 =	sadd.s32 $0x400, s24;
	s0 =	sshrl.u32 s0, $0x3  }
0x270: {  	s25 =	sadd.s32 $0x400, s25;
	s26 =	sadd.s32 $0x400, s26;
	s0 =	sadd.s32 s1, s0  }
0x271: {  	[tilespmem:s18], [sflag:$0x2] =	stream.strided.gather [hbm4b:s0+s16], $0x8000, s17, s16, $0x38;
	[tilespmem:$0x18180] =	vst v63  }
.LBB2_12:
0x272: {  	v2 =	vimm.f32 $0.0e+00  }
0x273: {  	s2 =	simm.s32 $0x0;
	s0 =	simm.s32 $0x40;
	[tilespmem:$0x18080] =	vst v2  }
.LBB2_13:
0x274: {  	p0 =	sne.s32 s0, $0xBFC0;
	v3 =	vld [tilespmem:s2+$0x10000];
	_ =	sdelay $0x4  }
0x275: {  	v3 =	vsub.f32 v3, v1;
	_ =	sdelay $0x1  }
0x276: {  	v3 =	vmul.f32 $1.442695020e+00, v3;
	_ =	sdelay $0x1  }
0x277: {  	(erf) = vpow2.f32 v3;
	_ =	sdelay $0x7  }
.Ltmp6:
0x278: {  	(pc) =	sbr.rel @p0 .LBB2_13-.Ltmp6, $3  }
0x279: {  	v3 =	vpop (erf)  }
0x27a: {  	v2 =	vadd.f32 v3, v2;
	_ =	sdelay $0x1  }
0x27b: {  	s2 =	sshra.s32 s0, $0x2;
	s0 =	sadd.s32 $0x40, s0;
	[tilespmem:$0x18080] =	vst v2  }
0x27c: {  	v3 =	vld [tilespmem:s2+$0x10000];
	_ =	sdelay $0x4  }
0x27d: {  	v1 =	vsub.f32 v3, v1;
	_ =	sdelay $0x1  }
0x27e: {  	v1 =	vmul.f32 $1.442695020e+00, v1;
	_ =	sdelay $0x1  }
0x27f: {  	(erf) = vpow2.f32 v1;
	_ =	sdelay $0x8  }
0x280: {  	v1 =	vpop (erf)  }
0x281: {  	v1 =	vadd.f32 v1, v2;
	_ =	sdelay $0x1  }
0x282: {  	s0 =	simm.s32 $0x10000;
	[tilespmem:$0x18080] =	vst v1  }
0x283: {  	[hbm4b:s10+s3] =	stream.linear.scatter [tilespmem:s0], [sflag:$0x3], $0x3000, $0x38;
	[tilespmem:$0x18180] =	vst v63  }
0x284: {  	_ =	swait.ge [sflag:s15], $0x3000  }
0x285: {  	[sflag:s15] =	ssyncset.done $0x0  }
0x286: {  	[sflag:s15] =	ssyncadd.s32 $0xFFFFD000  }
0x287: {  	v1 =	vld [tilespmem:$0x18000];
	_ =	sdelay $0x4  }
0x288: {  	s31 =	simm.s32 $0x18100;
	[tilespmem:$0x18100] =	vst v1  }
0x289: {  	[hbm4b:s11+s3] =	stream.linear.scatter [tilespmem:s31], [sflag:$0x3], $0x80, $0x38;
	[tilespmem:$0x18180] =	vst v63  }
0x28a: {  	_ =	swait.ge [sflag:s15], $0x80  }
0x28b: {  	[sflag:s15] =	ssyncset.done $0x0  }
0x28c: {  	[sflag:s15] =	ssyncadd.s32 $0xFFFFFF80  }
0x28d: {  	v1 =	vld [tilespmem:$0x18080];
	_ =	sdelay $0x2  }
0x28e: {  	s23 =	sadd.s32 $0x1, s23  }
0x28f: {  	p0 =	sne.s32 s23, s13  }
.Ltmp7:
0x290: {  	[tilespmem:$0x18100] =	vst v1;
	(pc) =	sbr.rel @p0 .LBB2_1-.Ltmp7, $4  }
0x291: {  	[hbm4b:s12+s3] =	stream.linear.scatter [tilespmem:s31], [sflag:$0x3], $0x80, $0x38;
	[tilespmem:$0x18180] =	vst v63  }
0x292: {  	_ =	swait.ge [sflag:s15], $0x80  }
0x293: {  	[sflag:s15] =	ssyncset.done $0x0  }
0x294: {  	[sflag:s15] =	ssyncadd.s32 $0xFFFFFF80  }
0x295: {  	_ =	sfence.sel $0x180000  }
0x296: {  	[bflag:$0x0] =	sbarrier.arrive $0xFFFF  }
0x297: {  	_ =	strace $0x90000047  }
0x298: {  	s0 =	stileid.u32;
	[bflag:$0x2] =	sbarrier.arrive $0xFFFF  }
0x299: {  	p0 =	sne.s32 s0, $0x0;
	s0 =	rddreg [dreg:$0x4]  }
0x29a: {  	s0 =	sadd.s32 @!p0 $0x100000, s0  }
0x29b: {  	[sflag:s0] =	ssyncadd.tile.s32 @!p0 $0x1;
	_ =	shalt  }
.Lfunc_end2:
_tile_overlayer_lowered:
.L_overlay_start_2:
0x29c: {  	(tag) =	ssettag $0x2  }
0x29d: {  	s0 =	rddreg [dreg:$0x0];
	s2 =	stileid.u32  }
0x29e: {  	s1 =	rddreg [dreg:$0x1];
	p0 =	sne.s32 s2, $0x0  }
0x29f: {  	s3 =	rddreg [dreg:$0x2];
	[bflag:$0x3] =	sbarrier.arrive $0xFFFF;
	s2 =	simm.s32 @!p0 $0x1C03  }
0x2a0: {  	[timem:s3], [sflag:s2] =	dma.local @!p0 [hbm:s0], s1  }
0x2a1: {  	s0 =	simm.s32 @!p0 $0x3  }
0x2a2: {  	_ =	swait.ge @!p0 [sflag:s0], s1  }
0x2a3: {  	s1 =	ssub.s32 @!p0 $0x0, s1;
	[sflag:s0] =	ssyncset.done @!p0 $0x0  }
0x2a4: {  	[sflag:s0] =	ssyncadd.s32 @!p0 s1  }
0x2a5: {  	[bflag:$0x3] =	sbarrier.arrive $0xFFFF  }
0x2a6: {  	_ =	shalt  }

</sc_bundles>
